<compile_context>
chip_gen: v7x
topology: tpu7x:2x2x1
jax: 0.10.2.dev20260603
libtpu: 0.0.44.dev20260713+nightly
codegen_flags: <defaults>
</compile_context>

<pallas_src>
import functools

import jax
import jax.numpy as jnp
import numpy as np
from jax import lax
from jax.experimental import pallas as pl
from jax.experimental.pallas import tpu as pltpu
from jax.experimental.pallas import tpu_sc as plsc

N_BINS = 15
ACC = 2048
NW = 32
ROWS_PER_CHUNK = 160
TC_ROWS = 48000
TC_BLOCK = 2000

_BOUNDS = [float(np.float32(t) * np.float32(1.0 / 15.0)) for t in range(16)]


def _sc_body(n_chunks, tc_chunks, sm_hbm, lab_hbm, out_hbm,
             buf0, buf1, lbuf0, lbuf1, conf_v, priv_v,
             s0, s1, sl0, sl1):
    cid = lax.axis_index("c")
    sid = lax.axis_index("s")
    wid = sid * 2 + cid

    zf = jnp.zeros((16,), jnp.float32)

    @plsc.parallel_loop(0, ACC // 16, unroll=8)
    def _(i):
        conf_v[pl.ds(i * 16, 16)] = zf

    @plsc.parallel_loop(0, ACC, unroll=8)
    def _(i):
        priv_v[pl.ds(i * 16, 16)] = zf

    iota = lax.iota(jnp.int32, 16)
    iota16 = iota * 16
    neg_ones = jnp.full((16,), -1.0, jnp.float32)
    tail_mask = iota >= 12
    cvecs = [iota + 16 * vi for vi in range(6)]
    cvec_tail = iota + 84

    bufs = (buf0, buf1)
    lbufs = (lbuf0, lbuf1)
    sems = (s0, s1)
    lsems = (sl0, sl1)

    def start(c, b):
        off = pl.multiple_of(c * ROWS_PER_CHUNK, 8)
        pltpu.async_copy(sm_hbm.at[pl.ds(off, ROWS_PER_CHUNK)], bufs[b], sems[b])
        pltpu.async_copy(lab_hbm.at[pl.ds(off, ROWS_PER_CHUNK)], lbufs[b], lsems[b])

    def wait(b):
        pltpu.make_async_copy(
            sm_hbm.at[pl.ds(0, ROWS_PER_CHUNK)], bufs[b], sems[b]).wait()
        pltpu.make_async_copy(
            lab_hbm.at[pl.ds(0, ROWS_PER_CHUNK)], lbufs[b], lsems[b]).wait()

    def badj_of(x):
        k = (x * 15.0 + 0.5).astype(jnp.int32)
        u = k.astype(jnp.float32) * (1.0 / 15.0)
        return k + jnp.where(u < x, 1, 0)

    def process(c, buf, lbuf):
        @pl.when(c >= tc_chunks)
        def _():
            @plsc.parallel_loop(0, ROWS_PER_CHUNK)
            def _(r):
                for vi in range(6):
                    x = buf[r, pl.ds(vi * 16, 16)]
                    idx = (badj_of(x) << 7) + cvecs[vi]
                    plsc.addupdate_scatter(conf_v, [idx], x)
                x = buf[r, pl.ds(84, 16)]
                idx = (badj_of(x) << 7) + cvec_tail
                plsc.addupdate_scatter(conf_v, [idx], x, mask=tail_mask)

        @plsc.parallel_loop(0, ROWS_PER_CHUNK // 16, unroll=2)
        def _(li):
            lv = lbuf[pl.ds(li * 16, 16)]
            rl = iota + li * 16
            xg = plsc.load_gather(buf, [rl, lv])
            slot = (((badj_of(xg) << 7) + lv) << 4) + iota
            plsc.addupdate_scatter(priv_v, [slot], neg_ones)

    @pl.when(wid < n_chunks)
    def _():
        start(wid, 0)

    @pl.when(wid + NW < n_chunks)
    def _():
        start(wid + NW, 1)

    n_outer = (n_chunks + 2 * NW - 1) // (2 * NW)

    def outer(i, carry):
        for b2 in range(2):
            c = wid + (2 * i + b2) * NW

            @pl.when(c < n_chunks)
            def _():
                wait(b2)
                process(c, bufs[b2], lbufs[b2])
                cn = c + 2 * NW

                @pl.when(cn < n_chunks)
                def _():
                    start(cn, b2)

        return carry

    lax.fori_loop(0, n_outer, outer, 0)

    @plsc.parallel_loop(0, ACC // 16)
    def _(ov):
        s = conf_v[pl.ds(ov * 16, 16)]
        gbase = iota16 + ov * 256
        for l in range(16):
            s = s + plsc.load_gather(priv_v, [gbase + l])
        conf_v[pl.ds(ov * 16, 16)] = s

    pltpu.sync_copy(conf_v, out_hbm.at[wid])


def _thr_body(x_ref, s_ref):
    @pl.when(pl.program_id(0) == 0)
    def _():
        s_ref[...] = jnp.zeros_like(s_ref)

    x = x_ref[...]
    sums = []
    for t in range(16):
        xs = jnp.where(x > _BOUNDS[t], x, 0.0)
        sums.append(jnp.sum(xs, axis=0))
    s_ref[...] += jnp.stack(sums, axis=0)


def _final_body(inv_ncl, p_ref, s_ref, o_ref):
    p = jnp.sum(p_ref[...], axis=0)
    S = s_ref[...]
    Sd = jnp.concatenate([jnp.zeros((1, 100), jnp.float32), S[:15, :]], axis=0)
    tc = Sd - S
    total = p[:, :100] + tc
    r = lax.broadcasted_iota(jnp.int32, (16, 100), 0)
    d = jnp.where(r >= 1, jnp.abs(total), 0.0)
    o_ref[...] = (jnp.sum(d) * inv_ncl).reshape(1, 1)


@jax.jit
def kernel(softmaxes, labels):
    n, num_classes = softmaxes.shape
    assert num_classes == 100 and n % ROWS_PER_CHUNK == 0
    assert TC_ROWS % TC_BLOCK == 0 and TC_ROWS % ROWS_PER_CHUNK == 0
    n_chunks = n // ROWS_PER_CHUNK
    tc_chunks = TC_ROWS // ROWS_PER_CHUNK

    lab = labels.astype(jnp.int32)

    mesh = plsc.VectorSubcoreMesh(core_axis_name="c", subcore_axis_name="s")
    sc = pl.kernel(
        functools.partial(_sc_body, n_chunks, tc_chunks),
        out_type=jax.ShapeDtypeStruct((NW, ACC), jnp.float32),
        mesh=mesh,
        compiler_params=pltpu.CompilerParams(needs_layout_passes=False),
        scratch_types=[
            pltpu.VMEM((ROWS_PER_CHUNK, 100), jnp.float32),
            pltpu.VMEM((ROWS_PER_CHUNK, 100), jnp.float32),
            pltpu.VMEM((ROWS_PER_CHUNK,), jnp.int32),
            pltpu.VMEM((ROWS_PER_CHUNK,), jnp.int32),
            pltpu.VMEM((ACC,), jnp.float32),
            pltpu.VMEM((ACC * 16,), jnp.float32),
            pltpu.SemaphoreType.DMA,
            pltpu.SemaphoreType.DMA,
            pltpu.SemaphoreType.DMA,
            pltpu.SemaphoreType.DMA,
        ],
    )
    part = sc(softmaxes, lab)

    s_tc = pl.pallas_call(
        _thr_body,
        grid=(TC_ROWS // TC_BLOCK,),
        in_specs=[pl.BlockSpec((TC_BLOCK, 100), lambda i: (i, 0))],
        out_specs=pl.BlockSpec((16, 100), lambda i: (0, 0)),
        out_shape=jax.ShapeDtypeStruct((16, 100), jnp.float32),
    )(softmaxes)

    part3 = part.reshape(NW, 16, 128)

    inv_ncl = 1.0 / (float(n) * float(num_classes))
    out = pl.pallas_call(
        functools.partial(_final_body, inv_ncl),
        out_shape=jax.ShapeDtypeStruct((1, 1), jnp.float32),
    )(part3, s_tc)
    return out[0, 0]

# --- scband reference (transcript-rebuilt; emitter-appended) ---
"""Pipeline reference for scband-classwise-eceloss-47012712022077 (READ-ONLY COPY).

The authoritative reference and input builder live on the scoring server;
editing this copy changes nothing except your own understanding.
"""

import jax, jax.numpy as jnp
import numpy as np

N_BINS = 15
P = 1


def setup_inputs(seed: int = 0) -> dict:
    key = jax.random.key(seed)
    k1, k2 = jax.random.split(key)
    softmaxes = jax.random.uniform(k1, (100000, 100), dtype=jnp.float32)
    labels = jax.random.randint(k2, (100000,), 0, 100, dtype=jnp.int64)
    return {"softmaxes": softmaxes, "labels": labels}


def reference(softmaxes, labels):
    n, num_classes = softmaxes.shape
    bin_boundaries = jnp.linspace(0.0, 1.0, N_BINS + 1)
    bin_lowers = bin_boundaries[:-1]
    bin_uppers = bin_boundaries[1:]

    # labels_in_class[n, c] = 1.0 if labels[n] == c
    labels_in_class = (labels[:, None] == jnp.arange(num_classes, dtype=labels.dtype)[None, :]).astype(jnp.float32)

    per_class_ce = jnp.zeros((num_classes,), dtype=jnp.float32)
    for b in range(N_BINS):
        lo = bin_lowers[b]
        hi = bin_uppers[b]
        in_bin = (softmaxes > lo) & (softmaxes <= hi)  # [N, C]
        in_bin_f = in_bin.astype(jnp.float32)
        cnt = in_bin_f.sum(axis=0)                      # [C]
        prop_in_bin = cnt / n                           # [C]
        safe_cnt = jnp.maximum(cnt, 1.0)
        accuracy_in_bin = (labels_in_class * in_bin_f).sum(axis=0) / safe_cnt
        avg_confidence_in_bin = (softmaxes * in_bin_f).sum(axis=0) / safe_cnt
        contrib = prop_in_bin * jnp.abs(avg_confidence_in_bin - accuracy_in_bin) ** P
        # bins with zero population contribute 0 (matches prop_in_bin.item() > 0 guard)
        contrib = jnp.where(cnt > 0, contrib, 0.0)
        per_class_ce = per_class_ce + contrib
    return jnp.mean(per_class_ce)

if __name__ == "__main__":
    import jax
    _d = setup_inputs()
    print(jax.jit(kernel)(*tuple(_d.values())))

</pallas_src>

<mosaic_0001>
#map = affine_map<(d0, d1) -> (0, 0)>
#map1 = affine_map<(d0, d1) -> (0)>
module attributes {stable_mosaic.version = 14 : i64} {
  func.func @_sc_body(%arg0: i32, %arg1: i32, %arg2: memref<100000x100xf32, #tpu.memory_space<hbm>>, %arg3: memref<100000xi32, #tpu.memory_space<hbm>>, %arg4: memref<32x2048xf32, #tpu.memory_space<hbm>>, %arg5: memref<160x100xf32, #tpu.memory_space<vmem>>, %arg6: memref<160x100xf32, #tpu.memory_space<vmem>>, %arg7: memref<160xi32, #tpu.memory_space<vmem>>, %arg8: memref<160xi32, #tpu.memory_space<vmem>>, %arg9: memref<2048xf32, #tpu.memory_space<vmem>>, %arg10: memref<32768xf32, #tpu.memory_space<vmem>>, %arg11: memref<!tpu.dma_semaphore, #tpu.memory_space<semaphore_mem>>, %arg12: memref<!tpu.dma_semaphore, #tpu.memory_space<semaphore_mem>>, %arg13: memref<!tpu.dma_semaphore, #tpu.memory_space<semaphore_mem>>, %arg14: memref<!tpu.dma_semaphore, #tpu.memory_space<semaphore_mem>>) attributes {dimension_semantics = [#tpu.dimension_semantics<core_parallel>, #tpu.dimension_semantics<subcore_parallel>], iteration_bounds = array<i64: 2, 16>, scalar_prefetch = 0 : i64, scratch_operands = 10 : i64, tpu.core_type = #tpu.core_type<sc_vector_subcore>, window_params = [{transform_indices = #map}, {transform_indices = #map1}, {transform_indices = #map}]} {
    %mul3A = arith.constant 2 : i32
    %mul3A_0 = arith.muli %arg1, %mul3A : i32
    %add3A = arith.addi %mul3A_0, %arg0 : i32
    %broadcast_in_dim3A = arith.constant 0.000000e+00 : f32
    %broadcast_in_dim3A_1 = vector.broadcast %broadcast_in_dim3A : f32 to vector<16xf32>
    %parallel_loop3A = arith.constant 0 : i32
    %parallel_loop3A_2 = arith.constant 128 : i32
    %parallel_loop3A_3 = arith.constant 1 : i32
    scf.for %parallel_loop3A_52 = %parallel_loop3A to %parallel_loop3A_2 step %parallel_loop3A_3  : i32 {
      %parallel_loop3A_53 = arith.constant 16 : i32
      %parallel_loop3A_54 = arith.muli %parallel_loop3A_52, %parallel_loop3A_53 : i32
      %parallel_loop3A_55 = arith.index_cast %parallel_loop3A_54 : i32 to index
      %parallel_loop3A_56 = tpu.vector_load %arg9[%parallel_loop3A_55] {strides = array<i32>} : memref<2048xf32, #tpu.memory_space<vmem>>, vector<16xf32>,
      tpu.vector_store %arg9[%parallel_loop3A_55], %broadcast_in_dim3A_1 {strides = array<i32>} : memref<2048xf32, #tpu.memory_space<vmem>>, vector<16xf32>,
    } {sc.loop_unroll_factor = 8 : i64, sc.parallel_access}
    %parallel_loop3A_4 = arith.constant 0 : i32
    %parallel_loop3A_5 = arith.constant 2048 : i32
    %parallel_loop3A_6 = arith.constant 1 : i32
    scf.for %parallel_loop3A_52 = %parallel_loop3A_4 to %parallel_loop3A_5 step %parallel_loop3A_6  : i32 {
      %parallel_loop3A_53 = arith.constant 16 : i32
      %parallel_loop3A_54 = arith.muli %parallel_loop3A_52, %parallel_loop3A_53 : i32
      %parallel_loop3A_55 = arith.index_cast %parallel_loop3A_54 : i32 to index
      %parallel_loop3A_56 = tpu.vector_load %arg10[%parallel_loop3A_55] {strides = array<i32>} : memref<32768xf32, #tpu.memory_space<vmem>>, vector<16xf32>,
      tpu.vector_store %arg10[%parallel_loop3A_55], %broadcast_in_dim3A_1 {strides = array<i32>} : memref<32768xf32, #tpu.memory_space<vmem>>, vector<16xf32>,
    } {sc.loop_unroll_factor = 8 : i64, sc.parallel_access}
    %iota3A = tpu.iota {dimensions = array<i32: 0>} : vector<16xi32>
    %mul3A_7 = arith.constant 16 : i32
    %mul3A_8 = vector.broadcast %mul3A_7 : i32 to vector<16xi32>
    %mul3A_9 = arith.muli %iota3A, %mul3A_8 : vector<16xi32>
    %broadcast_in_dim3A_10 = arith.constant -1.000000e+00 : f32
    %broadcast_in_dim3A_11 = vector.broadcast %broadcast_in_dim3A_10 : f32 to vector<16xf32>
    %ge3A = arith.constant 12 : i32
    %ge3A_12 = vector.broadcast %ge3A : i32 to vector<16xi32>
    %ge3A_13 = arith.cmpi sge, %iota3A, %ge3A_12 : vector<16xi32>
    %add3A_14 = arith.constant 0 : i32
    %add3A_15 = vector.broadcast %add3A_14 : i32 to vector<16xi32>
    %add3A_16 = arith.addi %iota3A, %add3A_15 : vector<16xi32>
    %add3A_17 = arith.constant 16 : i32
    %add3A_18 = vector.broadcast %add3A_17 : i32 to vector<16xi32>
    %add3A_19 = arith.addi %iota3A, %add3A_18 : vector<16xi32>
    %add3A_20 = arith.constant 32 : i32
    %add3A_21 = vector.broadcast %add3A_20 : i32 to vector<16xi32>
    %add3A_22 = arith.addi %iota3A, %add3A_21 : vector<16xi32>
    %add3A_23 = arith.constant 48 : i32
    %add3A_24 = vector.broadcast %add3A_23 : i32 to vector<16xi32>
    %add3A_25 = arith.addi %iota3A, %add3A_24 : vector<16xi32>
    %add3A_26 = arith.constant 64 : i32
    %add3A_27 = vector.broadcast %add3A_26 : i32 to vector<16xi32>
    %add3A_28 = arith.addi %iota3A, %add3A_27 : vector<16xi32>
    %add3A_29 = arith.constant 80 : i32
    %add3A_30 = vector.broadcast %add3A_29 : i32 to vector<16xi32>
    %add3A_31 = arith.addi %iota3A, %add3A_30 : vector<16xi32>
    %add3A_32 = arith.constant 84 : i32
    %add3A_33 = vector.broadcast %add3A_32 : i32 to vector<16xi32>
    %add3A_34 = arith.addi %iota3A, %add3A_33 : vector<16xi32>
    %lt3A = arith.constant 625 : i32
    %lt3A_35 = arith.cmpi slt, %add3A, %lt3A : i32
    %convert_element_type3A = arith.extui %lt3A_35 : i1 to i32
    %cond3A = arith.constant 0 : i32
    %cond3A_36 = arith.cmpi ne, %convert_element_type3A, %cond3A : i32
    scf.if %cond3A_36 {
      %mul3A_52 = arith.constant 160 : i32
      %mul3A_53 = arith.muli %add3A, %mul3A_52 : i32
      %multiple_of3A = tpu.assume_multiple %mul3A_53, 8 : i32
      %dma_start3A = arith.constant 0 : i32
      %dma_start3A_54 = tpu.memref_slice %arg2[%multiple_of3A, %dma_start3A] : memref<100000x100xf32, #tpu.memory_space<hbm>> -> memref<160x100xf32, #tpu.memory_space<hbm>>
      %dma_start3A_55 = arith.constant 0 : i32
      %dma_start3A_56 = tpu.memref_slice %arg2[%multiple_of3A, %dma_start3A_55] : memref<100000x100xf32, #tpu.memory_space<hbm>> -> memref<160x100xf32, #tpu.memory_space<hbm>>
      tpu.enqueue_dma source(%dma_start3A_56 : memref<160x100xf32, #tpu.memory_space<hbm>>) target(%arg5 : memref<160x100xf32, #tpu.memory_space<vmem>>) target_semaphore(%arg11 : memref<!tpu.dma_semaphore, #tpu.memory_space<semaphore_mem>>)
      %dma_start3A_57 = tpu.memref_slice %arg3[%multiple_of3A] : memref<100000xi32, #tpu.memory_space<hbm>> -> memref<160xi32, #tpu.memory_space<hbm>>
      %dma_start3A_58 = tpu.memref_slice %arg3[%multiple_of3A] : memref<100000xi32, #tpu.memory_space<hbm>> -> memref<160xi32, #tpu.memory_space<hbm>>
      tpu.enqueue_dma source(%dma_start3A_58 : memref<160xi32, #tpu.memory_space<hbm>>) target(%arg7 : memref<160xi32, #tpu.memory_space<vmem>>) target_semaphore(%arg13 : memref<!tpu.dma_semaphore, #tpu.memory_space<semaphore_mem>>)
    } else {
    }
    %add3A_37 = arith.constant 32 : i32
    %add3A_38 = arith.addi %add3A, %add3A_37 : i32
    %lt3A_39 = arith.constant 625 : i32
    %lt3A_40 = arith.cmpi slt, %add3A_38, %lt3A_39 : i32
    %convert_element_type3A_41 = arith.extui %lt3A_40 : i1 to i32
    %cond3A_42 = arith.constant 0 : i32
    %cond3A_43 = arith.cmpi ne, %convert_element_type3A_41, %cond3A_42 : i32
    scf.if %cond3A_43 {
      %add3A_52 = arith.constant 32 : i32
      %add3A_53 = arith.addi %add3A, %add3A_52 : i32
      %mul3A_54 = arith.constant 160 : i32
      %mul3A_55 = arith.muli %add3A_53, %mul3A_54 : i32
      %multiple_of3A = tpu.assume_multiple %mul3A_55, 8 : i32
      %dma_start3A = arith.constant 0 : i32
      %dma_start3A_56 = tpu.memref_slice %arg2[%multiple_of3A, %dma_start3A] : memref<100000x100xf32, #tpu.memory_space<hbm>> -> memref<160x100xf32, #tpu.memory_space<hbm>>
      %dma_start3A_57 = arith.constant 0 : i32
      %dma_start3A_58 = tpu.memref_slice %arg2[%multiple_of3A, %dma_start3A_57] : memref<100000x100xf32, #tpu.memory_space<hbm>> -> memref<160x100xf32, #tpu.memory_space<hbm>>
      tpu.enqueue_dma source(%dma_start3A_58 : memref<160x100xf32, #tpu.memory_space<hbm>>) target(%arg6 : memref<160x100xf32, #tpu.memory_space<vmem>>) target_semaphore(%arg12 : memref<!tpu.dma_semaphore, #tpu.memory_space<semaphore_mem>>)
      %dma_start3A_59 = tpu.memref_slice %arg3[%multiple_of3A] : memref<100000xi32, #tpu.memory_space<hbm>> -> memref<160xi32, #tpu.memory_space<hbm>>
      %dma_start3A_60 = tpu.memref_slice %arg3[%multiple_of3A] : memref<100000xi32, #tpu.memory_space<hbm>> -> memref<160xi32, #tpu.memory_space<hbm>>
      tpu.enqueue_dma source(%dma_start3A_60 : memref<160xi32, #tpu.memory_space<hbm>>) target(%arg8 : memref<160xi32, #tpu.memory_space<vmem>>) target_semaphore(%arg14 : memref<!tpu.dma_semaphore, #tpu.memory_space<semaphore_mem>>)
    } else {
    }
    %scan3A = arith.constant 0 : i32
    %scan3A_44 = arith.constant 0 : i32
    %scan3A_45 = arith.constant 10 : i32
    %scan3A_46 = arith.addi %scan3A_44, %scan3A_45 : i32
    %scan3A_47 = arith.constant 1 : i32
    scf.for %scan3A_52 = %scan3A_44 to %scan3A_46 step %scan3A_47  : i32 {
      %mul3A_53 = arith.constant 2 : i32
      %mul3A_54 = arith.muli %mul3A_53, %scan3A_52 : i32
      %add3A_55 = arith.constant 0 : i32
      %add3A_56 = arith.addi %mul3A_54, %add3A_55 : i32
      %mul3A_57 = arith.constant 32 : i32
      %mul3A_58 = arith.muli %add3A_56, %mul3A_57 : i32
      %add3A_59 = arith.addi %add3A, %mul3A_58 : i32
      %lt3A_60 = arith.constant 625 : i32
      %lt3A_61 = arith.cmpi slt, %add3A_59, %lt3A_60 : i32
      %convert_element_type3A_62 = arith.extui %lt3A_61 : i1 to i32
      %cond3A_63 = arith.constant 0 : i32
      %cond3A_64 = arith.cmpi ne, %convert_element_type3A_62, %cond3A_63 : i32
      scf.if %cond3A_64 {
        %dma_wait3A = arith.constant 0 : i32
        %dma_wait3A_77 = arith.constant 0 : i32
        %dma_wait3A_78 = tpu.memref_slice %arg2[%dma_wait3A, %dma_wait3A_77] : memref<100000x100xf32, #tpu.memory_space<hbm>> -> memref<160x100xf32, #tpu.memory_space<hbm>>
        %dma_wait3A_79 = arith.constant 0 : i32
        %dma_wait3A_80 = arith.constant 0 : i32
        %dma_wait3A_81 = tpu.memref_slice %arg2[%dma_wait3A_79, %dma_wait3A_80] : memref<100000x100xf32, #tpu.memory_space<hbm>> -> memref<160x100xf32, #tpu.memory_space<hbm>>
        tpu.wait_dma2 semaphore(%arg11 : memref<!tpu.dma_semaphore, #tpu.memory_space<semaphore_mem>>) src(%dma_wait3A_81 : memref<160x100xf32, #tpu.memory_space<hbm>>) dst(%arg5 : memref<160x100xf32, #tpu.memory_space<vmem>>)
        %dma_wait3A_82 = arith.constant 0 : i32
        %dma_wait3A_83 = tpu.memref_slice %arg3[%dma_wait3A_82] : memref<100000xi32, #tpu.memory_space<hbm>> -> memref<160xi32, #tpu.memory_space<hbm>>
        %dma_wait3A_84 = arith.constant 0 : i32
        %dma_wait3A_85 = tpu.memref_slice %arg3[%dma_wait3A_84] : memref<100000xi32, #tpu.memory_space<hbm>> -> memref<160xi32, #tpu.memory_space<hbm>>
        tpu.wait_dma2 semaphore(%arg13 : memref<!tpu.dma_semaphore, #tpu.memory_space<semaphore_mem>>) src(%dma_wait3A_85 : memref<160xi32, #tpu.memory_space<hbm>>) dst(%arg7 : memref<160xi32, #tpu.memory_space<vmem>>)
        %ge3A_86 = arith.constant 300 : i32
        %ge3A_87 = arith.cmpi sge, %add3A_59, %ge3A_86 : i32
        %convert_element_type3A_88 = arith.extui %ge3A_87 : i1 to i32
        %cond3A_89 = arith.constant 0 : i32
        %cond3A_90 = arith.cmpi ne, %convert_element_type3A_88, %cond3A_89 : i32
        scf.if %cond3A_90 {
          %parallel_loop3A_101 = arith.constant 0 : i32
          %parallel_loop3A_102 = arith.constant 160 : i32
          %parallel_loop3A_103 = arith.constant 1 : i32
          scf.for %parallel_loop3A_104 = %parallel_loop3A_101 to %parallel_loop3A_102 step %parallel_loop3A_103  : i32 {
            %parallel_loop3A_105 = arith.index_cast %parallel_loop3A_104 : i32 to index
            %parallel_loop3A_106 = arith.constant 0 : index
            %parallel_loop3A_107 = tpu.vector_load %arg5[%parallel_loop3A_105, %parallel_loop3A_106] {strides = array<i32>} : memref<160x100xf32, #tpu.memory_space<vmem>>, vector<16xf32>,
            %parallel_loop3A_108 = arith.constant 1.500000e+01 : f32
            %parallel_loop3A_109 = vector.broadcast %parallel_loop3A_108 : f32 to vector<16xf32>
            %parallel_loop3A_110 = arith.mulf %parallel_loop3A_107, %parallel_loop3A_109 : vector<16xf32>
            %parallel_loop3A_111 = arith.constant 5.000000e-01 : f32
            %parallel_loop3A_112 = vector.broadcast %parallel_loop3A_111 : f32 to vector<16xf32>
            %parallel_loop3A_113 = arith.addf %parallel_loop3A_110, %parallel_loop3A_112 : vector<16xf32>
            %parallel_loop3A_114 = arith.fptosi %parallel_loop3A_113 : vector<16xf32> to vector<16xi32>
            %parallel_loop3A_115 = arith.sitofp %parallel_loop3A_114 : vector<16xi32> to vector<16xf32>
            %parallel_loop3A_116 = arith.constant 0.0666666701 : f32
            %parallel_loop3A_117 = vector.broadcast %parallel_loop3A_116 : f32 to vector<16xf32>
            %parallel_loop3A_118 = arith.mulf %parallel_loop3A_115, %parallel_loop3A_117 : vector<16xf32>
            %parallel_loop3A_119 = arith.cmpf olt, %parallel_loop3A_118, %parallel_loop3A_107 : vector<16xf32>
            %parallel_loop3A_120 = arith.constant 1 : i32
            %parallel_loop3A_121 = arith.constant 0 : i32
            %parallel_loop3A_122 = vector.broadcast %parallel_loop3A_120 : i32 to vector<16xi32>
            %parallel_loop3A_123 = vector.broadcast %parallel_loop3A_121 : i32 to vector<16xi32>
            %parallel_loop3A_124 = arith.select %parallel_loop3A_119, %parallel_loop3A_122, %parallel_loop3A_123 : vector<16xi1>, vector<16xi32>
            %parallel_loop3A_125 = arith.addi %parallel_loop3A_114, %parallel_loop3A_124 : vector<16xi32>
            %parallel_loop3A_126 = arith.constant 7 : i32
            %parallel_loop3A_127 = vector.broadcast %parallel_loop3A_126 : i32 to vector<16xi32>
            %parallel_loop3A_128 = arith.shli %parallel_loop3A_125, %parallel_loop3A_127 : vector<16xi32>
            %parallel_loop3A_129 = arith.addi %parallel_loop3A_128, %add3A_16 : vector<16xi32>
            tpu.vector_store_idx %arg9[%parallel_loop3A_129], %parallel_loop3A_107 {add = true} : memref<2048xf32, #tpu.memory_space<vmem>>[vector<16xi32>], vector<16xf32>,
            %parallel_loop3A_130 = arith.index_cast %parallel_loop3A_104 : i32 to index
            %parallel_loop3A_131 = arith.constant 16 : index
            %parallel_loop3A_132 = tpu.vector_load %arg5[%parallel_loop3A_130, %parallel_loop3A_131] {strides = array<i32>} : memref<160x100xf32, #tpu.memory_space<vmem>>, vector<16xf32>,
            %parallel_loop3A_133 = arith.constant 1.500000e+01 : f32
            %parallel_loop3A_134 = vector.broadcast %parallel_loop3A_133 : f32 to vector<16xf32>
            %parallel_loop3A_135 = arith.mulf %parallel_loop3A_132, %parallel_loop3A_134 : vector<16xf32>
            %parallel_loop3A_136 = arith.constant 5.000000e-01 : f32
            %parallel_loop3A_137 = vector.broadcast %parallel_loop3A_136 : f32 to vector<16xf32>
            %parallel_loop3A_138 = arith.addf %parallel_loop3A_135, %parallel_loop3A_137 : vector<16xf32>
            %parallel_loop3A_139 = arith.fptosi %parallel_loop3A_138 : vector<16xf32> to vector<16xi32>
            %parallel_loop3A_140 = arith.sitofp %parallel_loop3A_139 : vector<16xi32> to vector<16xf32>
            %parallel_loop3A_141 = arith.constant 0.0666666701 : f32
            %parallel_loop3A_142 = vector.broadcast %parallel_loop3A_141 : f32 to vector<16xf32>
            %parallel_loop3A_143 = arith.mulf %parallel_loop3A_140, %parallel_loop3A_142 : vector<16xf32>
            %parallel_loop3A_144 = arith.cmpf olt, %parallel_loop3A_143, %parallel_loop3A_132 : vector<16xf32>
            %parallel_loop3A_145 = arith.constant 1 : i32
            %parallel_loop3A_146 = arith.constant 0 : i32
            %parallel_loop3A_147 = vector.broadcast %parallel_loop3A_145 : i32 to vector<16xi32>
            %parallel_loop3A_148 = vector.broadcast %parallel_loop3A_146 : i32 to vector<16xi32>
            %parallel_loop3A_149 = arith.select %parallel_loop3A_144, %parallel_loop3A_147, %parallel_loop3A_148 : vector<16xi1>, vector<16xi32>
            %parallel_loop3A_150 = arith.addi %parallel_loop3A_139, %parallel_loop3A_149 : vector<16xi32>
            %parallel_loop3A_151 = arith.constant 7 : i32
            %parallel_loop3A_152 = vector.broadcast %parallel_loop3A_151 : i32 to vector<16xi32>
            %parallel_loop3A_153 = arith.shli %parallel_loop3A_150, %parallel_loop3A_152 : vector<16xi32>
            %parallel_loop3A_154 = arith.addi %parallel_loop3A_153, %add3A_19 : vector<16xi32>
            tpu.vector_store_idx %arg9[%parallel_loop3A_154], %parallel_loop3A_132 {add = true} : memref<2048xf32, #tpu.memory_space<vmem>>[vector<16xi32>], vector<16xf32>,
            %parallel_loop3A_155 = arith.index_cast %parallel_loop3A_104 : i32 to index
            %parallel_loop3A_156 = arith.constant 32 : index
            %parallel_loop3A_157 = tpu.vector_load %arg5[%parallel_loop3A_155, %parallel_loop3A_156] {strides = array<i32>} : memref<160x100xf32, #tpu.memory_space<vmem>>, vector<16xf32>,
            %parallel_loop3A_158 = arith.constant 1.500000e+01 : f32
            %parallel_loop3A_159 = vector.broadcast %parallel_loop3A_158 : f32 to vector<16xf32>
            %parallel_loop3A_160 = arith.mulf %parallel_loop3A_157, %parallel_loop3A_159 : vector<16xf32>
            %parallel_loop3A_161 = arith.constant 5.000000e-01 : f32
            %parallel_loop3A_162 = vector.broadcast %parallel_loop3A_161 : f32 to vector<16xf32>
            %parallel_loop3A_163 = arith.addf %parallel_loop3A_160, %parallel_loop3A_162 : vector<16xf32>
            %parallel_loop3A_164 = arith.fptosi %parallel_loop3A_163 : vector<16xf32> to vector<16xi32>
            %parallel_loop3A_165 = arith.sitofp %parallel_loop3A_164 : vector<16xi32> to vector<16xf32>
            %parallel_loop3A_166 = arith.constant 0.0666666701 : f32
            %parallel_loop3A_167 = vector.broadcast %parallel_loop3A_166 : f32 to vector<16xf32>
            %parallel_loop3A_168 = arith.mulf %parallel_loop3A_165, %parallel_loop3A_167 : vector<16xf32>
            %parallel_loop3A_169 = arith.cmpf olt, %parallel_loop3A_168, %parallel_loop3A_157 : vector<16xf32>
            %parallel_loop3A_170 = arith.constant 1 : i32
            %parallel_loop3A_171 = arith.constant 0 : i32
            %parallel_loop3A_172 = vector.broadcast %parallel_loop3A_170 : i32 to vector<16xi32>
            %parallel_loop3A_173 = vector.broadcast %parallel_loop3A_171 : i32 to vector<16xi32>
            %parallel_loop3A_174 = arith.select %parallel_loop3A_169, %parallel_loop3A_172, %parallel_loop3A_173 : vector<16xi1>, vector<16xi32>
            %parallel_loop3A_175 = arith.addi %parallel_loop3A_164, %parallel_loop3A_174 : vector<16xi32>
            %parallel_loop3A_176 = arith.constant 7 : i32
            %parallel_loop3A_177 = vector.broadcast %parallel_loop3A_176 : i32 to vector<16xi32>
            %parallel_loop3A_178 = arith.shli %parallel_loop3A_175, %parallel_loop3A_177 : vector<16xi32>
            %parallel_loop3A_179 = arith.addi %parallel_loop3A_178, %add3A_22 : vector<16xi32>
            tpu.vector_store_idx %arg9[%parallel_loop3A_179], %parallel_loop3A_157 {add = true} : memref<2048xf32, #tpu.memory_space<vmem>>[vector<16xi32>], vector<16xf32>,
            %parallel_loop3A_180 = arith.index_cast %parallel_loop3A_104 : i32 to index
            %parallel_loop3A_181 = arith.constant 48 : index
            %parallel_loop3A_182 = tpu.vector_load %arg5[%parallel_loop3A_180, %parallel_loop3A_181] {strides = array<i32>} : memref<160x100xf32, #tpu.memory_space<vmem>>, vector<16xf32>,
            %parallel_loop3A_183 = arith.constant 1.500000e+01 : f32
            %parallel_loop3A_184 = vector.broadcast %parallel_loop3A_183 : f32 to vector<16xf32>
            %parallel_loop3A_185 = arith.mulf %parallel_loop3A_182, %parallel_loop3A_184 : vector<16xf32>
            %parallel_loop3A_186 = arith.constant 5.000000e-01 : f32
            %parallel_loop3A_187 = vector.broadcast %parallel_loop3A_186 : f32 to vector<16xf32>
            %parallel_loop3A_188 = arith.addf %parallel_loop3A_185, %parallel_loop3A_187 : vector<16xf32>
            %parallel_loop3A_189 = arith.fptosi %parallel_loop3A_188 : vector<16xf32> to vector<16xi32>
            %parallel_loop3A_190 = arith.sitofp %parallel_loop3A_189 : vector<16xi32> to vector<16xf32>
            %parallel_loop3A_191 = arith.constant 0.0666666701 : f32
            %parallel_loop3A_192 = vector.broadcast %parallel_loop3A_191 : f32 to vector<16xf32>
            %parallel_loop3A_193 = arith.mulf %parallel_loop3A_190, %parallel_loop3A_192 : vector<16xf32>
            %parallel_loop3A_194 = arith.cmpf olt, %parallel_loop3A_193, %parallel_loop3A_182 : vector<16xf32>
            %parallel_loop3A_195 = arith.constant 1 : i32
            %parallel_loop3A_196 = arith.constant 0 : i32
            %parallel_loop3A_197 = vector.broadcast %parallel_loop3A_195 : i32 to vector<16xi32>
            %parallel_loop3A_198 = vector.broadcast %parallel_loop3A_196 : i32 to vector<16xi32>
            %parallel_loop3A_199 = arith.select %parallel_loop3A_194, %parallel_loop3A_197, %parallel_loop3A_198 : vector<16xi1>, vector<16xi32>
            %parallel_loop3A_200 = arith.addi %parallel_loop3A_189, %parallel_loop3A_199 : vector<16xi32>
            %parallel_loop3A_201 = arith.constant 7 : i32
            %parallel_loop3A_202 = vector.broadcast %parallel_loop3A_201 : i32 to vector<16xi32>
            %parallel_loop3A_203 = arith.shli %parallel_loop3A_200, %parallel_loop3A_202 : vector<16xi32>
            %parallel_loop3A_204 = arith.addi %parallel_loop3A_203, %add3A_25 : vector<16xi32>
            tpu.vector_store_idx %arg9[%parallel_loop3A_204], %parallel_loop3A_182 {add = true} : memref<2048xf32, #tpu.memory_space<vmem>>[vector<16xi32>], vector<16xf32>,
            %parallel_loop3A_205 = arith.index_cast %parallel_loop3A_104 : i32 to index
            %parallel_loop3A_206 = arith.constant 64 : index
            %parallel_loop3A_207 = tpu.vector_load %arg5[%parallel_loop3A_205, %parallel_loop3A_206] {strides = array<i32>} : memref<160x100xf32, #tpu.memory_space<vmem>>, vector<16xf32>,
            %parallel_loop3A_208 = arith.constant 1.500000e+01 : f32
            %parallel_loop3A_209 = vector.broadcast %parallel_loop3A_208 : f32 to vector<16xf32>
            %parallel_loop3A_210 = arith.mulf %parallel_loop3A_207, %parallel_loop3A_209 : vector<16xf32>
            %parallel_loop3A_211 = arith.constant 5.000000e-01 : f32
            %parallel_loop3A_212 = vector.broadcast %parallel_loop3A_211 : f32 to vector<16xf32>
            %parallel_loop3A_213 = arith.addf %parallel_loop3A_210, %parallel_loop3A_212 : vector<16xf32>
            %parallel_loop3A_214 = arith.fptosi %parallel_loop3A_213 : vector<16xf32> to vector<16xi32>
            %parallel_loop3A_215 = arith.sitofp %parallel_loop3A_214 : vector<16xi32> to vector<16xf32>
            %parallel_loop3A_216 = arith.constant 0.0666666701 : f32
            %parallel_loop3A_217 = vector.broadcast %parallel_loop3A_216 : f32 to vector<16xf32>
            %parallel_loop3A_218 = arith.mulf %parallel_loop3A_215, %parallel_loop3A_217 : vector<16xf32>
            %parallel_loop3A_219 = arith.cmpf olt, %parallel_loop3A_218, %parallel_loop3A_207 : vector<16xf32>
            %parallel_loop3A_220 = arith.constant 1 : i32
            %parallel_loop3A_221 = arith.constant 0 : i32
            %parallel_loop3A_222 = vector.broadcast %parallel_loop3A_220 : i32 to vector<16xi32>
            %parallel_loop3A_223 = vector.broadcast %parallel_loop3A_221 : i32 to vector<16xi32>
            %parallel_loop3A_224 = arith.select %parallel_loop3A_219, %parallel_loop3A_222, %parallel_loop3A_223 : vector<16xi1>, vector<16xi32>
            %parallel_loop3A_225 = arith.addi %parallel_loop3A_214, %parallel_loop3A_224 : vector<16xi32>
            %parallel_loop3A_226 = arith.constant 7 : i32
            %parallel_loop3A_227 = vector.broadcast %parallel_loop3A_226 : i32 to vector<16xi32>
            %parallel_loop3A_228 = arith.shli %parallel_loop3A_225, %parallel_loop3A_227 : vector<16xi32>
            %parallel_loop3A_229 = arith.addi %parallel_loop3A_228, %add3A_28 : vector<16xi32>
            tpu.vector_store_idx %arg9[%parallel_loop3A_229], %parallel_loop3A_207 {add = true} : memref<2048xf32, #tpu.memory_space<vmem>>[vector<16xi32>], vector<16xf32>,
            %parallel_loop3A_230 = arith.index_cast %parallel_loop3A_104 : i32 to index
            %parallel_loop3A_231 = arith.constant 80 : index
            %parallel_loop3A_232 = tpu.vector_load %arg5[%parallel_loop3A_230, %parallel_loop3A_231] {strides = array<i32>} : memref<160x100xf32, #tpu.memory_space<vmem>>, vector<16xf32>,
            %parallel_loop3A_233 = arith.constant 1.500000e+01 : f32
            %parallel_loop3A_234 = vector.broadcast %parallel_loop3A_233 : f32 to vector<16xf32>
            %parallel_loop3A_235 = arith.mulf %parallel_loop3A_232, %parallel_loop3A_234 : vector<16xf32>
            %parallel_loop3A_236 = arith.constant 5.000000e-01 : f32
            %parallel_loop3A_237 = vector.broadcast %parallel_loop3A_236 : f32 to vector<16xf32>
            %parallel_loop3A_238 = arith.addf %parallel_loop3A_235, %parallel_loop3A_237 : vector<16xf32>
            %parallel_loop3A_239 = arith.fptosi %parallel_loop3A_238 : vector<16xf32> to vector<16xi32>
            %parallel_loop3A_240 = arith.sitofp %parallel_loop3A_239 : vector<16xi32> to vector<16xf32>
            %parallel_loop3A_241 = arith.constant 0.0666666701 : f32
            %parallel_loop3A_242 = vector.broadcast %parallel_loop3A_241 : f32 to vector<16xf32>
            %parallel_loop3A_243 = arith.mulf %parallel_loop3A_240, %parallel_loop3A_242 : vector<16xf32>
            %parallel_loop3A_244 = arith.cmpf olt, %parallel_loop3A_243, %parallel_loop3A_232 : vector<16xf32>
            %parallel_loop3A_245 = arith.constant 1 : i32
            %parallel_loop3A_246 = arith.constant 0 : i32
            %parallel_loop3A_247 = vector.broadcast %parallel_loop3A_245 : i32 to vector<16xi32>
            %parallel_loop3A_248 = vector.broadcast %parallel_loop3A_246 : i32 to vector<16xi32>
            %parallel_loop3A_249 = arith.select %parallel_loop3A_244, %parallel_loop3A_247, %parallel_loop3A_248 : vector<16xi1>, vector<16xi32>
            %parallel_loop3A_250 = arith.addi %parallel_loop3A_239, %parallel_loop3A_249 : vector<16xi32>
            %parallel_loop3A_251 = arith.constant 7 : i32
            %parallel_loop3A_252 = vector.broadcast %parallel_loop3A_251 : i32 to vector<16xi32>
            %parallel_loop3A_253 = arith.shli %parallel_loop3A_250, %parallel_loop3A_252 : vector<16xi32>
            %parallel_loop3A_254 = arith.addi %parallel_loop3A_253, %add3A_31 : vector<16xi32>
            tpu.vector_store_idx %arg9[%parallel_loop3A_254], %parallel_loop3A_232 {add = true} : memref<2048xf32, #tpu.memory_space<vmem>>[vector<16xi32>], vector<16xf32>,
            %parallel_loop3A_255 = arith.index_cast %parallel_loop3A_104 : i32 to index
            %parallel_loop3A_256 = arith.constant 84 : index
            %parallel_loop3A_257 = tpu.vector_load %arg5[%parallel_loop3A_255, %parallel_loop3A_256] {strides = array<i32>} : memref<160x100xf32, #tpu.memory_space<vmem>>, vector<16xf32>,
            %parallel_loop3A_258 = arith.constant 1.500000e+01 : f32
            %parallel_loop3A_259 = vector.broadcast %parallel_loop3A_258 : f32 to vector<16xf32>
            %parallel_loop3A_260 = arith.mulf %parallel_loop3A_257, %parallel_loop3A_259 : vector<16xf32>
            %parallel_loop3A_261 = arith.constant 5.000000e-01 : f32
            %parallel_loop3A_262 = vector.broadcast %parallel_loop3A_261 : f32 to vector<16xf32>
            %parallel_loop3A_263 = arith.addf %parallel_loop3A_260, %parallel_loop3A_262 : vector<16xf32>
            %parallel_loop3A_264 = arith.fptosi %parallel_loop3A_263 : vector<16xf32> to vector<16xi32>
            %parallel_loop3A_265 = arith.sitofp %parallel_loop3A_264 : vector<16xi32> to vector<16xf32>
            %parallel_loop3A_266 = arith.constant 0.0666666701 : f32
            %parallel_loop3A_267 = vector.broadcast %parallel_loop3A_266 : f32 to vector<16xf32>
            %parallel_loop3A_268 = arith.mulf %parallel_loop3A_265, %parallel_loop3A_267 : vector<16xf32>
            %parallel_loop3A_269 = arith.cmpf olt, %parallel_loop3A_268, %parallel_loop3A_257 : vector<16xf32>
            %parallel_loop3A_270 = arith.constant 1 : i32
            %parallel_loop3A_271 = arith.constant 0 : i32
            %parallel_loop3A_272 = vector.broadcast %parallel_loop3A_270 : i32 to vector<16xi32>
            %parallel_loop3A_273 = vector.broadcast %parallel_loop3A_271 : i32 to vector<16xi32>
            %parallel_loop3A_274 = arith.select %parallel_loop3A_269, %parallel_loop3A_272, %parallel_loop3A_273 : vector<16xi1>, vector<16xi32>
            %parallel_loop3A_275 = arith.addi %parallel_loop3A_264, %parallel_loop3A_274 : vector<16xi32>
            %parallel_loop3A_276 = arith.constant 7 : i32
            %parallel_loop3A_277 = vector.broadcast %parallel_loop3A_276 : i32 to vector<16xi32>
            %parallel_loop3A_278 = arith.shli %parallel_loop3A_275, %parallel_loop3A_277 : vector<16xi32>
            %parallel_loop3A_279 = arith.addi %parallel_loop3A_278, %add3A_34 : vector<16xi32>
            tpu.vector_store_idx %arg9[%parallel_loop3A_279], %parallel_loop3A_257 masked %ge3A_13 {add = true} : memref<2048xf32, #tpu.memory_space<vmem>>[vector<16xi32>], vector<16xf32>, vector<16xi1>
          } {sc.loop_unroll_factor = 1 : i64, sc.parallel_access}
        } else {
        }
        %parallel_loop3A_91 = arith.constant 0 : i32
        %parallel_loop3A_92 = arith.constant 10 : i32
        %parallel_loop3A_93 = arith.constant 1 : i32
        scf.for %parallel_loop3A_101 = %parallel_loop3A_91 to %parallel_loop3A_92 step %parallel_loop3A_93  : i32 {
          %parallel_loop3A_102 = arith.constant 16 : i32
          %parallel_loop3A_103 = arith.muli %parallel_loop3A_101, %parallel_loop3A_102 : i32
          %parallel_loop3A_104 = arith.index_cast %parallel_loop3A_103 : i32 to index
          %parallel_loop3A_105 = tpu.vector_load %arg7[%parallel_loop3A_104] {strides = array<i32>} : memref<160xi32, #tpu.memory_space<vmem>>, vector<16xi32>,
          %parallel_loop3A_106 = arith.constant 16 : i32
          %parallel_loop3A_107 = arith.muli %parallel_loop3A_101, %parallel_loop3A_106 : i32
          %parallel_loop3A_108 = vector.broadcast %parallel_loop3A_107 : i32 to vector<16xi32>
          %parallel_loop3A_109 = arith.addi %iota3A, %parallel_loop3A_108 : vector<16xi32>
          %parallel_loop3A_110 = tpu.vector_load_idx %arg5[%parallel_loop3A_109, %parallel_loop3A_105] : memref<160x100xf32, #tpu.memory_space<vmem>>[vector<16xi32>, vector<16xi32>], vector<16xf32>,
          %parallel_loop3A_111 = arith.constant 1.500000e+01 : f32
          %parallel_loop3A_112 = vector.broadcast %parallel_loop3A_111 : f32 to vector<16xf32>
          %parallel_loop3A_113 = arith.mulf %parallel_loop3A_110, %parallel_loop3A_112 : vector<16xf32>
          %parallel_loop3A_114 = arith.constant 5.000000e-01 : f32
          %parallel_loop3A_115 = vector.broadcast %parallel_loop3A_114 : f32 to vector<16xf32>
          %parallel_loop3A_116 = arith.addf %parallel_loop3A_113, %parallel_loop3A_115 : vector<16xf32>
          %parallel_loop3A_117 = arith.fptosi %parallel_loop3A_116 : vector<16xf32> to vector<16xi32>
          %parallel_loop3A_118 = arith.sitofp %parallel_loop3A_117 : vector<16xi32> to vector<16xf32>
          %parallel_loop3A_119 = arith.constant 0.0666666701 : f32
          %parallel_loop3A_120 = vector.broadcast %parallel_loop3A_119 : f32 to vector<16xf32>
          %parallel_loop3A_121 = arith.mulf %parallel_loop3A_118, %parallel_loop3A_120 : vector<16xf32>
          %parallel_loop3A_122 = arith.cmpf olt, %parallel_loop3A_121, %parallel_loop3A_110 : vector<16xf32>
          %parallel_loop3A_123 = arith.constant 1 : i32
          %parallel_loop3A_124 = arith.constant 0 : i32
          %parallel_loop3A_125 = vector.broadcast %parallel_loop3A_123 : i32 to vector<16xi32>
          %parallel_loop3A_126 = vector.broadcast %parallel_loop3A_124 : i32 to vector<16xi32>
          %parallel_loop3A_127 = arith.select %parallel_loop3A_122, %parallel_loop3A_125, %parallel_loop3A_126 : vector<16xi1>, vector<16xi32>
          %parallel_loop3A_128 = arith.addi %parallel_loop3A_117, %parallel_loop3A_127 : vector<16xi32>
          %parallel_loop3A_129 = arith.constant 7 : i32
          %parallel_loop3A_130 = vector.broadcast %parallel_loop3A_129 : i32 to vector<16xi32>
          %parallel_loop3A_131 = arith.shli %parallel_loop3A_128, %parallel_loop3A_130 : vector<16xi32>
          %parallel_loop3A_132 = arith.addi %parallel_loop3A_131, %parallel_loop3A_105 : vector<16xi32>
          %parallel_loop3A_133 = arith.constant 4 : i32
          %parallel_loop3A_134 = vector.broadcast %parallel_loop3A_133 : i32 to vector<16xi32>
          %parallel_loop3A_135 = arith.shli %parallel_loop3A_132, %parallel_loop3A_134 : vector<16xi32>
          %parallel_loop3A_136 = arith.addi %parallel_loop3A_135, %iota3A : vector<16xi32>
          tpu.vector_store_idx %arg10[%parallel_loop3A_136], %broadcast_in_dim3A_11 {add = true} : memref<32768xf32, #tpu.memory_space<vmem>>[vector<16xi32>], vector<16xf32>,
        } {sc.loop_unroll_factor = 2 : i64, sc.parallel_access}
        %add3A_94 = arith.constant 64 : i32
        %add3A_95 = arith.addi %add3A_59, %add3A_94 : i32
        %lt3A_96 = arith.constant 625 : i32
        %lt3A_97 = arith.cmpi slt, %add3A_95, %lt3A_96 : i32
        %convert_element_type3A_98 = arith.extui %lt3A_97 : i1 to i32
        %cond3A_99 = arith.constant 0 : i32
        %cond3A_100 = arith.cmpi ne, %convert_element_type3A_98, %cond3A_99 : i32
        scf.if %cond3A_100 {
          %mul3A_101 = arith.constant 160 : i32
          %mul3A_102 = arith.muli %add3A_95, %mul3A_101 : i32
          %multiple_of3A = tpu.assume_multiple %mul3A_102, 8 : i32
          %dma_start3A = arith.constant 0 : i32
          %dma_start3A_103 = tpu.memref_slice %arg2[%multiple_of3A, %dma_start3A] : memref<100000x100xf32, #tpu.memory_space<hbm>> -> memref<160x100xf32, #tpu.memory_space<hbm>>
          %dma_start3A_104 = arith.constant 0 : i32
          %dma_start3A_105 = tpu.memref_slice %arg2[%multiple_of3A, %dma_start3A_104] : memref<100000x100xf32, #tpu.memory_space<hbm>> -> memref<160x100xf32, #tpu.memory_space<hbm>>
          tpu.enqueue_dma source(%dma_start3A_105 : memref<160x100xf32, #tpu.memory_space<hbm>>) target(%arg5 : memref<160x100xf32, #tpu.memory_space<vmem>>) target_semaphore(%arg11 : memref<!tpu.dma_semaphore, #tpu.memory_space<semaphore_mem>>)
          %dma_start3A_106 = tpu.memref_slice %arg3[%multiple_of3A] : memref<100000xi32, #tpu.memory_space<hbm>> -> memref<160xi32, #tpu.memory_space<hbm>>
          %dma_start3A_107 = tpu.memref_slice %arg3[%multiple_of3A] : memref<100000xi32, #tpu.memory_space<hbm>> -> memref<160xi32, #tpu.memory_space<hbm>>
          tpu.enqueue_dma source(%dma_start3A_107 : memref<160xi32, #tpu.memory_space<hbm>>) target(%arg7 : memref<160xi32, #tpu.memory_space<vmem>>) target_semaphore(%arg13 : memref<!tpu.dma_semaphore, #tpu.memory_space<semaphore_mem>>)
        } else {
        }
      } else {
      }
      %mul3A_65 = arith.constant 2 : i32
      %mul3A_66 = arith.muli %mul3A_65, %scan3A_52 : i32
      %add3A_67 = arith.constant 1 : i32
      %add3A_68 = arith.addi %mul3A_66, %add3A_67 : i32
      %mul3A_69 = arith.constant 32 : i32
      %mul3A_70 = arith.muli %add3A_68, %mul3A_69 : i32
      %add3A_71 = arith.addi %add3A, %mul3A_70 : i32
      %lt3A_72 = arith.constant 625 : i32
      %lt3A_73 = arith.cmpi slt, %add3A_71, %lt3A_72 : i32
      %convert_element_type3A_74 = arith.extui %lt3A_73 : i1 to i32
      %cond3A_75 = arith.constant 0 : i32
      %cond3A_76 = arith.cmpi ne, %convert_element_type3A_74, %cond3A_75 : i32
      scf.if %cond3A_76 {
        %dma_wait3A = arith.constant 0 : i32
        %dma_wait3A_77 = arith.constant 0 : i32
        %dma_wait3A_78 = tpu.memref_slice %arg2[%dma_wait3A, %dma_wait3A_77] : memref<100000x100xf32, #tpu.memory_space<hbm>> -> memref<160x100xf32, #tpu.memory_space<hbm>>
        %dma_wait3A_79 = arith.constant 0 : i32
        %dma_wait3A_80 = arith.constant 0 : i32
        %dma_wait3A_81 = tpu.memref_slice %arg2[%dma_wait3A_79, %dma_wait3A_80] : memref<100000x100xf32, #tpu.memory_space<hbm>> -> memref<160x100xf32, #tpu.memory_space<hbm>>
        tpu.wait_dma2 semaphore(%arg12 : memref<!tpu.dma_semaphore, #tpu.memory_space<semaphore_mem>>) src(%dma_wait3A_81 : memref<160x100xf32, #tpu.memory_space<hbm>>) dst(%arg6 : memref<160x100xf32, #tpu.memory_space<vmem>>)
        %dma_wait3A_82 = arith.constant 0 : i32
        %dma_wait3A_83 = tpu.memref_slice %arg3[%dma_wait3A_82] : memref<100000xi32, #tpu.memory_space<hbm>> -> memref<160xi32, #tpu.memory_space<hbm>>
        %dma_wait3A_84 = arith.constant 0 : i32
        %dma_wait3A_85 = tpu.memref_slice %arg3[%dma_wait3A_84] : memref<100000xi32, #tpu.memory_space<hbm>> -> memref<160xi32, #tpu.memory_space<hbm>>
        tpu.wait_dma2 semaphore(%arg14 : memref<!tpu.dma_semaphore, #tpu.memory_space<semaphore_mem>>) src(%dma_wait3A_85 : memref<160xi32, #tpu.memory_space<hbm>>) dst(%arg8 : memref<160xi32, #tpu.memory_space<vmem>>)
        %ge3A_86 = arith.constant 300 : i32
        %ge3A_87 = arith.cmpi sge, %add3A_71, %ge3A_86 : i32
        %convert_element_type3A_88 = arith.extui %ge3A_87 : i1 to i32
        %cond3A_89 = arith.constant 0 : i32
        %cond3A_90 = arith.cmpi ne, %convert_element_type3A_88, %cond3A_89 : i32
        scf.if %cond3A_90 {
          %parallel_loop3A_101 = arith.constant 0 : i32
          %parallel_loop3A_102 = arith.constant 160 : i32
          %parallel_loop3A_103 = arith.constant 1 : i32
          scf.for %parallel_loop3A_104 = %parallel_loop3A_101 to %parallel_loop3A_102 step %parallel_loop3A_103  : i32 {
            %parallel_loop3A_105 = arith.index_cast %parallel_loop3A_104 : i32 to index
            %parallel_loop3A_106 = arith.constant 0 : index
            %parallel_loop3A_107 = tpu.vector_load %arg6[%parallel_loop3A_105, %parallel_loop3A_106] {strides = array<i32>} : memref<160x100xf32, #tpu.memory_space<vmem>>, vector<16xf32>,
            %parallel_loop3A_108 = arith.constant 1.500000e+01 : f32
            %parallel_loop3A_109 = vector.broadcast %parallel_loop3A_108 : f32 to vector<16xf32>
            %parallel_loop3A_110 = arith.mulf %parallel_loop3A_107, %parallel_loop3A_109 : vector<16xf32>
            %parallel_loop3A_111 = arith.constant 5.000000e-01 : f32
            %parallel_loop3A_112 = vector.broadcast %parallel_loop3A_111 : f32 to vector<16xf32>
            %parallel_loop3A_113 = arith.addf %parallel_loop3A_110, %parallel_loop3A_112 : vector<16xf32>
            %parallel_loop3A_114 = arith.fptosi %parallel_loop3A_113 : vector<16xf32> to vector<16xi32>
            %parallel_loop3A_115 = arith.sitofp %parallel_loop3A_114 : vector<16xi32> to vector<16xf32>
            %parallel_loop3A_116 = arith.constant 0.0666666701 : f32
            %parallel_loop3A_117 = vector.broadcast %parallel_loop3A_116 : f32 to vector<16xf32>
            %parallel_loop3A_118 = arith.mulf %parallel_loop3A_115, %parallel_loop3A_117 : vector<16xf32>
            %parallel_loop3A_119 = arith.cmpf olt, %parallel_loop3A_118, %parallel_loop3A_107 : vector<16xf32>
            %parallel_loop3A_120 = arith.constant 1 : i32
            %parallel_loop3A_121 = arith.constant 0 : i32
            %parallel_loop3A_122 = vector.broadcast %parallel_loop3A_120 : i32 to vector<16xi32>
            %parallel_loop3A_123 = vector.broadcast %parallel_loop3A_121 : i32 to vector<16xi32>
            %parallel_loop3A_124 = arith.select %parallel_loop3A_119, %parallel_loop3A_122, %parallel_loop3A_123 : vector<16xi1>, vector<16xi32>
            %parallel_loop3A_125 = arith.addi %parallel_loop3A_114, %parallel_loop3A_124 : vector<16xi32>
            %parallel_loop3A_126 = arith.constant 7 : i32
            %parallel_loop3A_127 = vector.broadcast %parallel_loop3A_126 : i32 to vector<16xi32>
            %parallel_loop3A_128 = arith.shli %parallel_loop3A_125, %parallel_loop3A_127 : vector<16xi32>
            %parallel_loop3A_129 = arith.addi %parallel_loop3A_128, %add3A_16 : vector<16xi32>
            tpu.vector_store_idx %arg9[%parallel_loop3A_129], %parallel_loop3A_107 {add = true} : memref<2048xf32, #tpu.memory_space<vmem>>[vector<16xi32>], vector<16xf32>,
            %parallel_loop3A_130 = arith.index_cast %parallel_loop3A_104 : i32 to index
            %parallel_loop3A_131 = arith.constant 16 : index
            %parallel_loop3A_132 = tpu.vector_load %arg6[%parallel_loop3A_130, %parallel_loop3A_131] {strides = array<i32>} : memref<160x100xf32, #tpu.memory_space<vmem>>, vector<16xf32>,
            %parallel_loop3A_133 = arith.constant 1.500000e+01 : f32
            %parallel_loop3A_134 = vector.broadcast %parallel_loop3A_133 : f32 to vector<16xf32>
            %parallel_loop3A_135 = arith.mulf %parallel_loop3A_132, %parallel_loop3A_134 : vector<16xf32>
            %parallel_loop3A_136 = arith.constant 5.000000e-01 : f32
            %parallel_loop3A_137 = vector.broadcast %parallel_loop3A_136 : f32 to vector<16xf32>
            %parallel_loop3A_138 = arith.addf %parallel_loop3A_135, %parallel_loop3A_137 : vector<16xf32>
            %parallel_loop3A_139 = arith.fptosi %parallel_loop3A_138 : vector<16xf32> to vector<16xi32>
            %parallel_loop3A_140 = arith.sitofp %parallel_loop3A_139 : vector<16xi32> to vector<16xf32>
            %parallel_loop3A_141 = arith.constant 0.0666666701 : f32
            %parallel_loop3A_142 = vector.broadcast %parallel_loop3A_141 : f32 to vector<16xf32>
            %parallel_loop3A_143 = arith.mulf %parallel_loop3A_140, %parallel_loop3A_142 : vector<16xf32>
            %parallel_loop3A_144 = arith.cmpf olt, %parallel_loop3A_143, %parallel_loop3A_132 : vector<16xf32>
            %parallel_loop3A_145 = arith.constant 1 : i32
            %parallel_loop3A_146 = arith.constant 0 : i32
            %parallel_loop3A_147 = vector.broadcast %parallel_loop3A_145 : i32 to vector<16xi32>
            %parallel_loop3A_148 = vector.broadcast %parallel_loop3A_146 : i32 to vector<16xi32>
            %parallel_loop3A_149 = arith.select %parallel_loop3A_144, %parallel_loop3A_147, %parallel_loop3A_148 : vector<16xi1>, vector<16xi32>
            %parallel_loop3A_150 = arith.addi %parallel_loop3A_139, %parallel_loop3A_149 : vector<16xi32>
            %parallel_loop3A_151 = arith.constant 7 : i32
            %parallel_loop3A_152 = vector.broadcast %parallel_loop3A_151 : i32 to vector<16xi32>
            %parallel_loop3A_153 = arith.shli %parallel_loop3A_150, %parallel_loop3A_152 : vector<16xi32>
            %parallel_loop3A_154 = arith.addi %parallel_loop3A_153, %add3A_19 : vector<16xi32>
            tpu.vector_store_idx %arg9[%parallel_loop3A_154], %parallel_loop3A_132 {add = true} : memref<2048xf32, #tpu.memory_space<vmem>>[vector<16xi32>], vector<16xf32>,
            %parallel_loop3A_155 = arith.index_cast %parallel_loop3A_104 : i32 to index
            %parallel_loop3A_156 = arith.constant 32 : index
            %parallel_loop3A_157 = tpu.vector_load %arg6[%parallel_loop3A_155, %parallel_loop3A_156] {strides = array<i32>} : memref<160x100xf32, #tpu.memory_space<vmem>>, vector<16xf32>,
            %parallel_loop3A_158 = arith.constant 1.500000e+01 : f32
            %parallel_loop3A_159 = vector.broadcast %parallel_loop3A_158 : f32 to vector<16xf32>
            %parallel_loop3A_160 = arith.mulf %parallel_loop3A_157, %parallel_loop3A_159 : vector<16xf32>
            %parallel_loop3A_161 = arith.constant 5.000000e-01 : f32
            %parallel_loop3A_162 = vector.broadcast %parallel_loop3A_161 : f32 to vector<16xf32>
            %parallel_loop3A_163 = arith.addf %parallel_loop3A_160, %parallel_loop3A_162 : vector<16xf32>
            %parallel_loop3A_164 = arith.fptosi %parallel_loop3A_163 : vector<16xf32> to vector<16xi32>
            %parallel_loop3A_165 = arith.sitofp %parallel_loop3A_164 : vector<16xi32> to vector<16xf32>
            %parallel_loop3A_166 = arith.constant 0.0666666701 : f32
            %parallel_loop3A_167 = vector.broadcast %parallel_loop3A_166 : f32 to vector<16xf32>
            %parallel_loop3A_168 = arith.mulf %parallel_loop3A_165, %parallel_loop3A_167 : vector<16xf32>
            %parallel_loop3A_169 = arith.cmpf olt, %parallel_loop3A_168, %parallel_loop3A_157 : vector<16xf32>
            %parallel_loop3A_170 = arith.constant 1 : i32
            %parallel_loop3A_171 = arith.constant 0 : i32
            %parallel_loop3A_172 = vector.broadcast %parallel_loop3A_170 : i32 to vector<16xi32>
            %parallel_loop3A_173 = vector.broadcast %parallel_loop3A_171 : i32 to vector<16xi32>
            %parallel_loop3A_174 = arith.select %parallel_loop3A_169, %parallel_loop3A_172, %parallel_loop3A_173 : vector<16xi1>, vector<16xi32>
            %parallel_loop3A_175 = arith.addi %parallel_loop3A_164, %parallel_loop3A_174 : vector<16xi32>
            %parallel_loop3A_176 = arith.constant 7 : i32
            %parallel_loop3A_177 = vector.broadcast %parallel_loop3A_176 : i32 to vector<16xi32>
            %parallel_loop3A_178 = arith.shli %parallel_loop3A_175, %parallel_loop3A_177 : vector<16xi32>
            %parallel_loop3A_179 = arith.addi %parallel_loop3A_178, %add3A_22 : vector<16xi32>
            tpu.vector_store_idx %arg9[%parallel_loop3A_179], %parallel_loop3A_157 {add = true} : memref<2048xf32, #tpu.memory_space<vmem>>[vector<16xi32>], vector<16xf32>,
            %parallel_loop3A_180 = arith.index_cast %parallel_loop3A_104 : i32 to index
            %parallel_loop3A_181 = arith.constant 48 : index
            %parallel_loop3A_182 = tpu.vector_load %arg6[%parallel_loop3A_180, %parallel_loop3A_181] {strides = array<i32>} : memref<160x100xf32, #tpu.memory_space<vmem>>, vector<16xf32>,
            %parallel_loop3A_183 = arith.constant 1.500000e+01 : f32
            %parallel_loop3A_184 = vector.broadcast %parallel_loop3A_183 : f32 to vector<16xf32>
            %parallel_loop3A_185 = arith.mulf %parallel_loop3A_182, %parallel_loop3A_184 : vector<16xf32>
            %parallel_loop3A_186 = arith.constant 5.000000e-01 : f32
            %parallel_loop3A_187 = vector.broadcast %parallel_loop3A_186 : f32 to vector<16xf32>
            %parallel_loop3A_188 = arith.addf %parallel_loop3A_185, %parallel_loop3A_187 : vector<16xf32>
            %parallel_loop3A_189 = arith.fptosi %parallel_loop3A_188 : vector<16xf32> to vector<16xi32>
            %parallel_loop3A_190 = arith.sitofp %parallel_loop3A_189 : vector<16xi32> to vector<16xf32>
            %parallel_loop3A_191 = arith.constant 0.0666666701 : f32
            %parallel_loop3A_192 = vector.broadcast %parallel_loop3A_191 : f32 to vector<16xf32>
            %parallel_loop3A_193 = arith.mulf %parallel_loop3A_190, %parallel_loop3A_192 : vector<16xf32>
            %parallel_loop3A_194 = arith.cmpf olt, %parallel_loop3A_193, %parallel_loop3A_182 : vector<16xf32>
            %parallel_loop3A_195 = arith.constant 1 : i32
            %parallel_loop3A_196 = arith.constant 0 : i32
            %parallel_loop3A_197 = vector.broadcast %parallel_loop3A_195 : i32 to vector<16xi32>
            %parallel_loop3A_198 = vector.broadcast %parallel_loop3A_196 : i32 to vector<16xi32>
            %parallel_loop3A_199 = arith.select %parallel_loop3A_194, %parallel_loop3A_197, %parallel_loop3A_198 : vector<16xi1>, vector<16xi32>
            %parallel_loop3A_200 = arith.addi %parallel_loop3A_189, %parallel_loop3A_199 : vector<16xi32>
            %parallel_loop3A_201 = arith.constant 7 : i32
            %parallel_loop3A_202 = vector.broadcast %parallel_loop3A_201 : i32 to vector<16xi32>
            %parallel_loop3A_203 = arith.shli %parallel_loop3A_200, %parallel_loop3A_202 : vector<16xi32>
            %parallel_loop3A_204 = arith.addi %parallel_loop3A_203, %add3A_25 : vector<16xi32>
            tpu.vector_store_idx %arg9[%parallel_loop3A_204], %parallel_loop3A_182 {add = true} : memref<2048xf32, #tpu.memory_space<vmem>>[vector<16xi32>], vector<16xf32>,
            %parallel_loop3A_205 = arith.index_cast %parallel_loop3A_104 : i32 to index
            %parallel_loop3A_206 = arith.constant 64 : index
            %parallel_loop3A_207 = tpu.vector_load %arg6[%parallel_loop3A_205, %parallel_loop3A_206] {strides = array<i32>} : memref<160x100xf32, #tpu.memory_space<vmem>>, vector<16xf32>,
            %parallel_loop3A_208 = arith.constant 1.500000e+01 : f32
            %parallel_loop3A_209 = vector.broadcast %parallel_loop3A_208 : f32 to vector<16xf32>
            %parallel_loop3A_210 = arith.mulf %parallel_loop3A_207, %parallel_loop3A_209 : vector<16xf32>
            %parallel_loop3A_211 = arith.constant 5.000000e-01 : f32
            %parallel_loop3A_212 = vector.broadcast %parallel_loop3A_211 : f32 to vector<16xf32>
            %parallel_loop3A_213 = arith.addf %parallel_loop3A_210, %parallel_loop3A_212 : vector<16xf32>
            %parallel_loop3A_214 = arith.fptosi %parallel_loop3A_213 : vector<16xf32> to vector<16xi32>
            %parallel_loop3A_215 = arith.sitofp %parallel_loop3A_214 : vector<16xi32> to vector<16xf32>
            %parallel_loop3A_216 = arith.constant 0.0666666701 : f32
            %parallel_loop3A_217 = vector.broadcast %parallel_loop3A_216 : f32 to vector<16xf32>
            %parallel_loop3A_218 = arith.mulf %parallel_loop3A_215, %parallel_loop3A_217 : vector<16xf32>
            %parallel_loop3A_219 = arith.cmpf olt, %parallel_loop3A_218, %parallel_loop3A_207 : vector<16xf32>
            %parallel_loop3A_220 = arith.constant 1 : i32
            %parallel_loop3A_221 = arith.constant 0 : i32
            %parallel_loop3A_222 = vector.broadcast %parallel_loop3A_220 : i32 to vector<16xi32>
            %parallel_loop3A_223 = vector.broadcast %parallel_loop3A_221 : i32 to vector<16xi32>
            %parallel_loop3A_224 = arith.select %parallel_loop3A_219, %parallel_loop3A_222, %parallel_loop3A_223 : vector<16xi1>, vector<16xi32>
            %parallel_loop3A_225 = arith.addi %parallel_loop3A_214, %parallel_loop3A_224 : vector<16xi32>
            %parallel_loop3A_226 = arith.constant 7 : i32
            %parallel_loop3A_227 = vector.broadcast %parallel_loop3A_226 : i32 to vector<16xi32>
            %parallel_loop3A_228 = arith.shli %parallel_loop3A_225, %parallel_loop3A_227 : vector<16xi32>
            %parallel_loop3A_229 = arith.addi %parallel_loop3A_228, %add3A_28 : vector<16xi32>
            tpu.vector_store_idx %arg9[%parallel_loop3A_229], %parallel_loop3A_207 {add = true} : memref<2048xf32, #tpu.memory_space<vmem>>[vector<16xi32>], vector<16xf32>,
            %parallel_loop3A_230 = arith.index_cast %parallel_loop3A_104 : i32 to index
            %parallel_loop3A_231 = arith.constant 80 : index
            %parallel_loop3A_232 = tpu.vector_load %arg6[%parallel_loop3A_230, %parallel_loop3A_231] {strides = array<i32>} : memref<160x100xf32, #tpu.memory_space<vmem>>, vector<16xf32>,
            %parallel_loop3A_233 = arith.constant 1.500000e+01 : f32
            %parallel_loop3A_234 = vector.broadcast %parallel_loop3A_233 : f32 to vector<16xf32>
            %parallel_loop3A_235 = arith.mulf %parallel_loop3A_232, %parallel_loop3A_234 : vector<16xf32>
            %parallel_loop3A_236 = arith.constant 5.000000e-01 : f32
            %parallel_loop3A_237 = vector.broadcast %parallel_loop3A_236 : f32 to vector<16xf32>
            %parallel_loop3A_238 = arith.addf %parallel_loop3A_235, %parallel_loop3A_237 : vector<16xf32>
            %parallel_loop3A_239 = arith.fptosi %parallel_loop3A_238 : vector<16xf32> to vector<16xi32>
            %parallel_loop3A_240 = arith.sitofp %parallel_loop3A_239 : vector<16xi32> to vector<16xf32>
            %parallel_loop3A_241 = arith.constant 0.0666666701 : f32
            %parallel_loop3A_242 = vector.broadcast %parallel_loop3A_241 : f32 to vector<16xf32>
            %parallel_loop3A_243 = arith.mulf %parallel_loop3A_240, %parallel_loop3A_242 : vector<16xf32>
            %parallel_loop3A_244 = arith.cmpf olt, %parallel_loop3A_243, %parallel_loop3A_232 : vector<16xf32>
            %parallel_loop3A_245 = arith.constant 1 : i32
            %parallel_loop3A_246 = arith.constant 0 : i32
            %parallel_loop3A_247 = vector.broadcast %parallel_loop3A_245 : i32 to vector<16xi32>
            %parallel_loop3A_248 = vector.broadcast %parallel_loop3A_246 : i32 to vector<16xi32>
            %parallel_loop3A_249 = arith.select %parallel_loop3A_244, %parallel_loop3A_247, %parallel_loop3A_248 : vector<16xi1>, vector<16xi32>
            %parallel_loop3A_250 = arith.addi %parallel_loop3A_239, %parallel_loop3A_249 : vector<16xi32>
            %parallel_loop3A_251 = arith.constant 7 : i32
            %parallel_loop3A_252 = vector.broadcast %parallel_loop3A_251 : i32 to vector<16xi32>
            %parallel_loop3A_253 = arith.shli %parallel_loop3A_250, %parallel_loop3A_252 : vector<16xi32>
            %parallel_loop3A_254 = arith.addi %parallel_loop3A_253, %add3A_31 : vector<16xi32>
            tpu.vector_store_idx %arg9[%parallel_loop3A_254], %parallel_loop3A_232 {add = true} : memref<2048xf32, #tpu.memory_space<vmem>>[vector<16xi32>], vector<16xf32>,
            %parallel_loop3A_255 = arith.index_cast %parallel_loop3A_104 : i32 to index
            %parallel_loop3A_256 = arith.constant 84 : index
            %parallel_loop3A_257 = tpu.vector_load %arg6[%parallel_loop3A_255, %parallel_loop3A_256] {strides = array<i32>} : memref<160x100xf32, #tpu.memory_space<vmem>>, vector<16xf32>,
            %parallel_loop3A_258 = arith.constant 1.500000e+01 : f32
            %parallel_loop3A_259 = vector.broadcast %parallel_loop3A_258 : f32 to vector<16xf32>
            %parallel_loop3A_260 = arith.mulf %parallel_loop3A_257, %parallel_loop3A_259 : vector<16xf32>
            %parallel_loop3A_261 = arith.constant 5.000000e-01 : f32
            %parallel_loop3A_262 = vector.broadcast %parallel_loop3A_261 : f32 to vector<16xf32>
            %parallel_loop3A_263 = arith.addf %parallel_loop3A_260, %parallel_loop3A_262 : vector<16xf32>
            %parallel_loop3A_264 = arith.fptosi %parallel_loop3A_263 : vector<16xf32> to vector<16xi32>
            %parallel_loop3A_265 = arith.sitofp %parallel_loop3A_264 : vector<16xi32> to vector<16xf32>
            %parallel_loop3A_266 = arith.constant 0.0666666701 : f32
            %parallel_loop3A_267 = vector.broadcast %parallel_loop3A_266 : f32 to vector<16xf32>
            %parallel_loop3A_268 = arith.mulf %parallel_loop3A_265, %parallel_loop3A_267 : vector<16xf32>
            %parallel_loop3A_269 = arith.cmpf olt, %parallel_loop3A_268, %parallel_loop3A_257 : vector<16xf32>
            %parallel_loop3A_270 = arith.constant 1 : i32
            %parallel_loop3A_271 = arith.constant 0 : i32
            %parallel_loop3A_272 = vector.broadcast %parallel_loop3A_270 : i32 to vector<16xi32>
            %parallel_loop3A_273 = vector.broadcast %parallel_loop3A_271 : i32 to vector<16xi32>
            %parallel_loop3A_274 = arith.select %parallel_loop3A_269, %parallel_loop3A_272, %parallel_loop3A_273 : vector<16xi1>, vector<16xi32>
            %parallel_loop3A_275 = arith.addi %parallel_loop3A_264, %parallel_loop3A_274 : vector<16xi32>
            %parallel_loop3A_276 = arith.constant 7 : i32
            %parallel_loop3A_277 = vector.broadcast %parallel_loop3A_276 : i32 to vector<16xi32>
            %parallel_loop3A_278 = arith.shli %parallel_loop3A_275, %parallel_loop3A_277 : vector<16xi32>
            %parallel_loop3A_279 = arith.addi %parallel_loop3A_278, %add3A_34 : vector<16xi32>
            tpu.vector_store_idx %arg9[%parallel_loop3A_279], %parallel_loop3A_257 masked %ge3A_13 {add = true} : memref<2048xf32, #tpu.memory_space<vmem>>[vector<16xi32>], vector<16xf32>, vector<16xi1>
          } {sc.loop_unroll_factor = 1 : i64, sc.parallel_access}
        } else {
        }
        %parallel_loop3A_91 = arith.constant 0 : i32
        %parallel_loop3A_92 = arith.constant 10 : i32
        %parallel_loop3A_93 = arith.constant 1 : i32
        scf.for %parallel_loop3A_101 = %parallel_loop3A_91 to %parallel_loop3A_92 step %parallel_loop3A_93  : i32 {
          %parallel_loop3A_102 = arith.constant 16 : i32
          %parallel_loop3A_103 = arith.muli %parallel_loop3A_101, %parallel_loop3A_102 : i32
          %parallel_loop3A_104 = arith.index_cast %parallel_loop3A_103 : i32 to index
          %parallel_loop3A_105 = tpu.vector_load %arg8[%parallel_loop3A_104] {strides = array<i32>} : memref<160xi32, #tpu.memory_space<vmem>>, vector<16xi32>,
          %parallel_loop3A_106 = arith.constant 16 : i32
          %parallel_loop3A_107 = arith.muli %parallel_loop3A_101, %parallel_loop3A_106 : i32
          %parallel_loop3A_108 = vector.broadcast %parallel_loop3A_107 : i32 to vector<16xi32>
          %parallel_loop3A_109 = arith.addi %iota3A, %parallel_loop3A_108 : vector<16xi32>
          %parallel_loop3A_110 = tpu.vector_load_idx %arg6[%parallel_loop3A_109, %parallel_loop3A_105] : memref<160x100xf32, #tpu.memory_space<vmem>>[vector<16xi32>, vector<16xi32>], vector<16xf32>,
          %parallel_loop3A_111 = arith.constant 1.500000e+01 : f32
          %parallel_loop3A_112 = vector.broadcast %parallel_loop3A_111 : f32 to vector<16xf32>
          %parallel_loop3A_113 = arith.mulf %parallel_loop3A_110, %parallel_loop3A_112 : vector<16xf32>
          %parallel_loop3A_114 = arith.constant 5.000000e-01 : f32
          %parallel_loop3A_115 = vector.broadcast %parallel_loop3A_114 : f32 to vector<16xf32>
          %parallel_loop3A_116 = arith.addf %parallel_loop3A_113, %parallel_loop3A_115 : vector<16xf32>
          %parallel_loop3A_117 = arith.fptosi %parallel_loop3A_116 : vector<16xf32> to vector<16xi32>
          %parallel_loop3A_118 = arith.sitofp %parallel_loop3A_117 : vector<16xi32> to vector<16xf32>
          %parallel_loop3A_119 = arith.constant 0.0666666701 : f32
          %parallel_loop3A_120 = vector.broadcast %parallel_loop3A_119 : f32 to vector<16xf32>
          %parallel_loop3A_121 = arith.mulf %parallel_loop3A_118, %parallel_loop3A_120 : vector<16xf32>
          %parallel_loop3A_122 = arith.cmpf olt, %parallel_loop3A_121, %parallel_loop3A_110 : vector<16xf32>
          %parallel_loop3A_123 = arith.constant 1 : i32
          %parallel_loop3A_124 = arith.constant 0 : i32
          %parallel_loop3A_125 = vector.broadcast %parallel_loop3A_123 : i32 to vector<16xi32>
          %parallel_loop3A_126 = vector.broadcast %parallel_loop3A_124 : i32 to vector<16xi32>
          %parallel_loop3A_127 = arith.select %parallel_loop3A_122, %parallel_loop3A_125, %parallel_loop3A_126 : vector<16xi1>, vector<16xi32>
          %parallel_loop3A_128 = arith.addi %parallel_loop3A_117, %parallel_loop3A_127 : vector<16xi32>
          %parallel_loop3A_129 = arith.constant 7 : i32
          %parallel_loop3A_130 = vector.broadcast %parallel_loop3A_129 : i32 to vector<16xi32>
          %parallel_loop3A_131 = arith.shli %parallel_loop3A_128, %parallel_loop3A_130 : vector<16xi32>
          %parallel_loop3A_132 = arith.addi %parallel_loop3A_131, %parallel_loop3A_105 : vector<16xi32>
          %parallel_loop3A_133 = arith.constant 4 : i32
          %parallel_loop3A_134 = vector.broadcast %parallel_loop3A_133 : i32 to vector<16xi32>
          %parallel_loop3A_135 = arith.shli %parallel_loop3A_132, %parallel_loop3A_134 : vector<16xi32>
          %parallel_loop3A_136 = arith.addi %parallel_loop3A_135, %iota3A : vector<16xi32>
          tpu.vector_store_idx %arg10[%parallel_loop3A_136], %broadcast_in_dim3A_11 {add = true} : memref<32768xf32, #tpu.memory_space<vmem>>[vector<16xi32>], vector<16xf32>,
        } {sc.loop_unroll_factor = 2 : i64, sc.parallel_access}
        %add3A_94 = arith.constant 64 : i32
        %add3A_95 = arith.addi %add3A_71, %add3A_94 : i32
        %lt3A_96 = arith.constant 625 : i32
        %lt3A_97 = arith.cmpi slt, %add3A_95, %lt3A_96 : i32
        %convert_element_type3A_98 = arith.extui %lt3A_97 : i1 to i32
        %cond3A_99 = arith.constant 0 : i32
        %cond3A_100 = arith.cmpi ne, %convert_element_type3A_98, %cond3A_99 : i32
        scf.if %cond3A_100 {
          %mul3A_101 = arith.constant 160 : i32
          %mul3A_102 = arith.muli %add3A_95, %mul3A_101 : i32
          %multiple_of3A = tpu.assume_multiple %mul3A_102, 8 : i32
          %dma_start3A = arith.constant 0 : i32
          %dma_start3A_103 = tpu.memref_slice %arg2[%multiple_of3A, %dma_start3A] : memref<100000x100xf32, #tpu.memory_space<hbm>> -> memref<160x100xf32, #tpu.memory_space<hbm>>
          %dma_start3A_104 = arith.constant 0 : i32
          %dma_start3A_105 = tpu.memref_slice %arg2[%multiple_of3A, %dma_start3A_104] : memref<100000x100xf32, #tpu.memory_space<hbm>> -> memref<160x100xf32, #tpu.memory_space<hbm>>
          tpu.enqueue_dma source(%dma_start3A_105 : memref<160x100xf32, #tpu.memory_space<hbm>>) target(%arg6 : memref<160x100xf32, #tpu.memory_space<vmem>>) target_semaphore(%arg12 : memref<!tpu.dma_semaphore, #tpu.memory_space<semaphore_mem>>)
          %dma_start3A_106 = tpu.memref_slice %arg3[%multiple_of3A] : memref<100000xi32, #tpu.memory_space<hbm>> -> memref<160xi32, #tpu.memory_space<hbm>>
          %dma_start3A_107 = tpu.memref_slice %arg3[%multiple_of3A] : memref<100000xi32, #tpu.memory_space<hbm>> -> memref<160xi32, #tpu.memory_space<hbm>>
          tpu.enqueue_dma source(%dma_start3A_107 : memref<160xi32, #tpu.memory_space<hbm>>) target(%arg8 : memref<160xi32, #tpu.memory_space<vmem>>) target_semaphore(%arg14 : memref<!tpu.dma_semaphore, #tpu.memory_space<semaphore_mem>>)
        } else {
        }
      } else {
      }
    }
    %scan3A_48 = arith.constant 10 : i32
    %parallel_loop3A_49 = arith.constant 0 : i32
    %parallel_loop3A_50 = arith.constant 128 : i32
    %parallel_loop3A_51 = arith.constant 1 : i32
    scf.for %parallel_loop3A_52 = %parallel_loop3A_49 to %parallel_loop3A_50 step %parallel_loop3A_51  : i32 {
      %parallel_loop3A_53 = arith.constant 16 : i32
      %parallel_loop3A_54 = arith.muli %parallel_loop3A_52, %parallel_loop3A_53 : i32
      %parallel_loop3A_55 = arith.index_cast %parallel_loop3A_54 : i32 to index
      %parallel_loop3A_56 = tpu.vector_load %arg9[%parallel_loop3A_55] {strides = array<i32>} : memref<2048xf32, #tpu.memory_space<vmem>>, vector<16xf32>,
      %parallel_loop3A_57 = arith.constant 256 : i32
      %parallel_loop3A_58 = arith.muli %parallel_loop3A_52, %parallel_loop3A_57 : i32
      %parallel_loop3A_59 = vector.broadcast %parallel_loop3A_58 : i32 to vector<16xi32>
      %parallel_loop3A_60 = arith.addi %mul3A_9, %parallel_loop3A_59 : vector<16xi32>
      %parallel_loop3A_61 = arith.constant 0 : i32
      %parallel_loop3A_62 = vector.broadcast %parallel_loop3A_61 : i32 to vector<16xi32>
      %parallel_loop3A_63 = arith.addi %parallel_loop3A_60, %parallel_loop3A_62 : vector<16xi32>
      %parallel_loop3A_64 = tpu.vector_load_idx %arg10[%parallel_loop3A_63] : memref<32768xf32, #tpu.memory_space<vmem>>[vector<16xi32>], vector<16xf32>,
      %parallel_loop3A_65 = arith.addf %parallel_loop3A_56, %parallel_loop3A_64 : vector<16xf32>
      %parallel_loop3A_66 = arith.constant 1 : i32
      %parallel_loop3A_67 = vector.broadcast %parallel_loop3A_66 : i32 to vector<16xi32>
      %parallel_loop3A_68 = arith.addi %parallel_loop3A_60, %parallel_loop3A_67 : vector<16xi32>
      %parallel_loop3A_69 = tpu.vector_load_idx %arg10[%parallel_loop3A_68] : memref<32768xf32, #tpu.memory_space<vmem>>[vector<16xi32>], vector<16xf32>,
      %parallel_loop3A_70 = arith.addf %parallel_loop3A_65, %parallel_loop3A_69 : vector<16xf32>
      %parallel_loop3A_71 = arith.constant 2 : i32
      %parallel_loop3A_72 = vector.broadcast %parallel_loop3A_71 : i32 to vector<16xi32>
      %parallel_loop3A_73 = arith.addi %parallel_loop3A_60, %parallel_loop3A_72 : vector<16xi32>
      %parallel_loop3A_74 = tpu.vector_load_idx %arg10[%parallel_loop3A_73] : memref<32768xf32, #tpu.memory_space<vmem>>[vector<16xi32>], vector<16xf32>,
      %parallel_loop3A_75 = arith.addf %parallel_loop3A_70, %parallel_loop3A_74 : vector<16xf32>
      %parallel_loop3A_76 = arith.constant 3 : i32
      %parallel_loop3A_77 = vector.broadcast %parallel_loop3A_76 : i32 to vector<16xi32>
      %parallel_loop3A_78 = arith.addi %parallel_loop3A_60, %parallel_loop3A_77 : vector<16xi32>
      %parallel_loop3A_79 = tpu.vector_load_idx %arg10[%parallel_loop3A_78] : memref<32768xf32, #tpu.memory_space<vmem>>[vector<16xi32>], vector<16xf32>,
      %parallel_loop3A_80 = arith.addf %parallel_loop3A_75, %parallel_loop3A_79 : vector<16xf32>
      %parallel_loop3A_81 = arith.constant 4 : i32
      %parallel_loop3A_82 = vector.broadcast %parallel_loop3A_81 : i32 to vector<16xi32>
      %parallel_loop3A_83 = arith.addi %parallel_loop3A_60, %parallel_loop3A_82 : vector<16xi32>
      %parallel_loop3A_84 = tpu.vector_load_idx %arg10[%parallel_loop3A_83] : memref<32768xf32, #tpu.memory_space<vmem>>[vector<16xi32>], vector<16xf32>,
      %parallel_loop3A_85 = arith.addf %parallel_loop3A_80, %parallel_loop3A_84 : vector<16xf32>
      %parallel_loop3A_86 = arith.constant 5 : i32
      %parallel_loop3A_87 = vector.broadcast %parallel_loop3A_86 : i32 to vector<16xi32>
      %parallel_loop3A_88 = arith.addi %parallel_loop3A_60, %parallel_loop3A_87 : vector<16xi32>
      %parallel_loop3A_89 = tpu.vector_load_idx %arg10[%parallel_loop3A_88] : memref<32768xf32, #tpu.memory_space<vmem>>[vector<16xi32>], vector<16xf32>,
      %parallel_loop3A_90 = arith.addf %parallel_loop3A_85, %parallel_loop3A_89 : vector<16xf32>
      %parallel_loop3A_91 = arith.constant 6 : i32
      %parallel_loop3A_92 = vector.broadcast %parallel_loop3A_91 : i32 to vector<16xi32>
      %parallel_loop3A_93 = arith.addi %parallel_loop3A_60, %parallel_loop3A_92 : vector<16xi32>
      %parallel_loop3A_94 = tpu.vector_load_idx %arg10[%parallel_loop3A_93] : memref<32768xf32, #tpu.memory_space<vmem>>[vector<16xi32>], vector<16xf32>,
      %parallel_loop3A_95 = arith.addf %parallel_loop3A_90, %parallel_loop3A_94 : vector<16xf32>
      %parallel_loop3A_96 = arith.constant 7 : i32
      %parallel_loop3A_97 = vector.broadcast %parallel_loop3A_96 : i32 to vector<16xi32>
      %parallel_loop3A_98 = arith.addi %parallel_loop3A_60, %parallel_loop3A_97 : vector<16xi32>
      %parallel_loop3A_99 = tpu.vector_load_idx %arg10[%parallel_loop3A_98] : memref<32768xf32, #tpu.memory_space<vmem>>[vector<16xi32>], vector<16xf32>,
      %parallel_loop3A_100 = arith.addf %parallel_loop3A_95, %parallel_loop3A_99 : vector<16xf32>
      %parallel_loop3A_101 = arith.constant 8 : i32
      %parallel_loop3A_102 = vector.broadcast %parallel_loop3A_101 : i32 to vector<16xi32>
      %parallel_loop3A_103 = arith.addi %parallel_loop3A_60, %parallel_loop3A_102 : vector<16xi32>
      %parallel_loop3A_104 = tpu.vector_load_idx %arg10[%parallel_loop3A_103] : memref<32768xf32, #tpu.memory_space<vmem>>[vector<16xi32>], vector<16xf32>,
      %parallel_loop3A_105 = arith.addf %parallel_loop3A_100, %parallel_loop3A_104 : vector<16xf32>
      %parallel_loop3A_106 = arith.constant 9 : i32
      %parallel_loop3A_107 = vector.broadcast %parallel_loop3A_106 : i32 to vector<16xi32>
      %parallel_loop3A_108 = arith.addi %parallel_loop3A_60, %parallel_loop3A_107 : vector<16xi32>
      %parallel_loop3A_109 = tpu.vector_load_idx %arg10[%parallel_loop3A_108] : memref<32768xf32, #tpu.memory_space<vmem>>[vector<16xi32>], vector<16xf32>,
      %parallel_loop3A_110 = arith.addf %parallel_loop3A_105, %parallel_loop3A_109 : vector<16xf32>
      %parallel_loop3A_111 = arith.constant 10 : i32
      %parallel_loop3A_112 = vector.broadcast %parallel_loop3A_111 : i32 to vector<16xi32>
      %parallel_loop3A_113 = arith.addi %parallel_loop3A_60, %parallel_loop3A_112 : vector<16xi32>
      %parallel_loop3A_114 = tpu.vector_load_idx %arg10[%parallel_loop3A_113] : memref<32768xf32, #tpu.memory_space<vmem>>[vector<16xi32>], vector<16xf32>,
      %parallel_loop3A_115 = arith.addf %parallel_loop3A_110, %parallel_loop3A_114 : vector<16xf32>
      %parallel_loop3A_116 = arith.constant 11 : i32
      %parallel_loop3A_117 = vector.broadcast %parallel_loop3A_116 : i32 to vector<16xi32>
      %parallel_loop3A_118 = arith.addi %parallel_loop3A_60, %parallel_loop3A_117 : vector<16xi32>
      %parallel_loop3A_119 = tpu.vector_load_idx %arg10[%parallel_loop3A_118] : memref<32768xf32, #tpu.memory_space<vmem>>[vector<16xi32>], vector<16xf32>,
      %parallel_loop3A_120 = arith.addf %parallel_loop3A_115, %parallel_loop3A_119 : vector<16xf32>
      %parallel_loop3A_121 = arith.constant 12 : i32
      %parallel_loop3A_122 = vector.broadcast %parallel_loop3A_121 : i32 to vector<16xi32>
      %parallel_loop3A_123 = arith.addi %parallel_loop3A_60, %parallel_loop3A_122 : vector<16xi32>
      %parallel_loop3A_124 = tpu.vector_load_idx %arg10[%parallel_loop3A_123] : memref<32768xf32, #tpu.memory_space<vmem>>[vector<16xi32>], vector<16xf32>,
      %parallel_loop3A_125 = arith.addf %parallel_loop3A_120, %parallel_loop3A_124 : vector<16xf32>
      %parallel_loop3A_126 = arith.constant 13 : i32
      %parallel_loop3A_127 = vector.broadcast %parallel_loop3A_126 : i32 to vector<16xi32>
      %parallel_loop3A_128 = arith.addi %parallel_loop3A_60, %parallel_loop3A_127 : vector<16xi32>
      %parallel_loop3A_129 = tpu.vector_load_idx %arg10[%parallel_loop3A_128] : memref<32768xf32, #tpu.memory_space<vmem>>[vector<16xi32>], vector<16xf32>,
      %parallel_loop3A_130 = arith.addf %parallel_loop3A_125, %parallel_loop3A_129 : vector<16xf32>
      %parallel_loop3A_131 = arith.constant 14 : i32
      %parallel_loop3A_132 = vector.broadcast %parallel_loop3A_131 : i32 to vector<16xi32>
      %parallel_loop3A_133 = arith.addi %parallel_loop3A_60, %parallel_loop3A_132 : vector<16xi32>
      %parallel_loop3A_134 = tpu.vector_load_idx %arg10[%parallel_loop3A_133] : memref<32768xf32, #tpu.memory_space<vmem>>[vector<16xi32>], vector<16xf32>,
      %parallel_loop3A_135 = arith.addf %parallel_loop3A_130, %parallel_loop3A_134 : vector<16xf32>
      %parallel_loop3A_136 = arith.constant 15 : i32
      %parallel_loop3A_137 = vector.broadcast %parallel_loop3A_136 : i32 to vector<16xi32>
      %parallel_loop3A_138 = arith.addi %parallel_loop3A_60, %parallel_loop3A_137 : vector<16xi32>
      %parallel_loop3A_139 = tpu.vector_load_idx %arg10[%parallel_loop3A_138] : memref<32768xf32, #tpu.memory_space<vmem>>[vector<16xi32>], vector<16xf32>,
      %parallel_loop3A_140 = arith.addf %parallel_loop3A_135, %parallel_loop3A_139 : vector<16xf32>
      %parallel_loop3A_141 = arith.constant 16 : i32
      %parallel_loop3A_142 = arith.muli %parallel_loop3A_52, %parallel_loop3A_141 : i32
      %parallel_loop3A_143 = arith.index_cast %parallel_loop3A_142 : i32 to index
      %parallel_loop3A_144 = tpu.vector_load %arg9[%parallel_loop3A_143] {strides = array<i32>} : memref<2048xf32, #tpu.memory_space<vmem>>, vector<16xf32>,
      tpu.vector_store %arg9[%parallel_loop3A_143], %parallel_loop3A_140 {strides = array<i32>} : memref<2048xf32, #tpu.memory_space<vmem>>, vector<16xf32>,
    } {sc.loop_unroll_factor = 1 : i64, sc.parallel_access}
    "tpu.region"() ({
      %run_scoped3A = tpu.sem_alloc : memref<!tpu.dma_semaphore, #tpu.memory_space<semaphore_mem>>
      %dma_start3A = arith.constant 0 : i32
      %dma_start3A_52 = tpu.memref_slice %arg4[%add3A, %dma_start3A] : memref<32x2048xf32, #tpu.memory_space<hbm>> -> memref<1x2048xf32, #tpu.memory_space<hbm>>
      %dma_start3A_53 = tpu.memref_squeeze %dma_start3A_52 : memref<1x2048xf32, #tpu.memory_space<hbm>> -> memref<2048xf32, #tpu.memory_space<hbm>>
      %dma_start3A_54 = arith.constant 0 : i32
      %dma_start3A_55 = tpu.memref_slice %arg4[%add3A, %dma_start3A_54] : memref<32x2048xf32, #tpu.memory_space<hbm>> -> memref<1x2048xf32, #tpu.memory_space<hbm>>
      %dma_start3A_56 = tpu.memref_squeeze %dma_start3A_55 : memref<1x2048xf32, #tpu.memory_space<hbm>> -> memref<2048xf32, #tpu.memory_space<hbm>>
      tpu.enqueue_dma source(%arg9 : memref<2048xf32, #tpu.memory_space<vmem>>) target(%dma_start3A_56 : memref<2048xf32, #tpu.memory_space<hbm>>) target_semaphore(%run_scoped3A : memref<!tpu.dma_semaphore, #tpu.memory_space<semaphore_mem>>)
      %dma_wait3A = arith.constant 0 : i32
      %dma_wait3A_57 = tpu.memref_slice %arg4[%add3A, %dma_wait3A] : memref<32x2048xf32, #tpu.memory_space<hbm>> -> memref<1x2048xf32, #tpu.memory_space<hbm>>
      %dma_wait3A_58 = tpu.memref_squeeze %dma_wait3A_57 : memref<1x2048xf32, #tpu.memory_space<hbm>> -> memref<2048xf32, #tpu.memory_space<hbm>>
      %dma_wait3A_59 = arith.constant 0 : i32
      %dma_wait3A_60 = tpu.memref_slice %arg4[%add3A, %dma_wait3A_59] : memref<32x2048xf32, #tpu.memory_space<hbm>> -> memref<1x2048xf32, #tpu.memory_space<hbm>>
      %dma_wait3A_61 = tpu.memref_squeeze %dma_wait3A_60 : memref<1x2048xf32, #tpu.memory_space<hbm>> -> memref<2048xf32, #tpu.memory_space<hbm>>
      tpu.wait_dma2 semaphore(%run_scoped3A : memref<!tpu.dma_semaphore, #tpu.memory_space<semaphore_mem>>) src(%arg9 : memref<2048xf32, #tpu.memory_space<vmem>>) dst(%dma_wait3A_61 : memref<2048xf32, #tpu.memory_space<hbm>>)
      tpu.yield
    }) : () -> ()
    return
  }
}

module attributes {stable_mosaic.version = 14 : i64} {
  func.func @_final_body(%arg0: memref<32x16x128xf32, #tpu.memory_space<vmem>>, %arg1: memref<16x100xf32, #tpu.memory_space<vmem>>, %arg2: memref<1x1xf32, #tpu.memory_space<vmem>>) attributes {dimension_semantics = [], scalar_prefetch = 0 : i64, scratch_operands = 0 : i64, tpu.core_type = #tpu.core_type<tc>} {
    %get3A = arith.constant 0 : index
    %get3A_0 = arith.constant 0 : index
    %get3A_1 = arith.constant 0 : index
    %get3A_2 = vector.load %arg0[%get3A, %get3A_0, %get3A_1] : memref<32x16x128xf32, #tpu.memory_space<vmem>>, vector<32x16x128xf32>
    %reduce_sum3A = arith.constant dense<0.000000e+00> : vector<16x128xf32>
    %reduce_sum3A_3 = vector.multi_reduction <add>, %get3A_2, %reduce_sum3A [0] : vector<32x16x128xf32> to vector<16x128xf32>
    %get3A_4 = arith.constant 0 : index
    %get3A_5 = arith.constant 0 : index
    %get3A_6 = vector.load %arg1[%get3A_4, %get3A_5] : memref<16x100xf32, #tpu.memory_space<vmem>>, vector<16x100xf32>
    %broadcast_in_dim3A = arith.constant 0.000000e+00 : f32
    %broadcast_in_dim3A_7 = vector.broadcast %broadcast_in_dim3A : f32 to vector<1x100xf32>
    %slice3A = vector.extract_strided_slice %get3A_6 {offsets = [0, 0], sizes = [15, 100], strides = [1, 1]} : vector<16x100xf32> to vector<15x100xf32>
    %concatenate3A = tpu.concatenate %broadcast_in_dim3A_7, %slice3A in 0 : vector<1x100xf32>, vector<15x100xf32> -> vector<16x100xf32>
    %sub3A = arith.subf %concatenate3A, %get3A_6 : vector<16x100xf32>
    %slice3A_8 = vector.extract_strided_slice %reduce_sum3A_3 {offsets = [0, 0], sizes = [16, 100], strides = [1, 1]} : vector<16x128xf32> to vector<16x100xf32>
    %add3A = arith.addf %slice3A_8, %sub3A : vector<16x100xf32>
    %iota3A = tpu.iota {dimensions = array<i32: 0>} : vector<16x100xi32>
    %ge3A = arith.constant 1 : i32
    %ge3A_9 = vector.broadcast %ge3A : i32 to vector<16x100xi32>
    %ge3A_10 = arith.cmpi sge, %iota3A, %ge3A_9 : vector<16x100xi32>
    %abs3A = math.absf %add3A : vector<16x100xf32>
    %jit3A = arith.constant 0.000000e+00 : f32
    %broadcast_in_dim3A_11 = vector.broadcast %jit3A : f32 to vector<16x100xf32>
    %select_n3A = arith.select %ge3A_10, %abs3A, %broadcast_in_dim3A_11 : vector<16x100xi1>, vector<16x100xf32>
    %reduce_sum3A_12 = vector.shape_cast %select_n3A : vector<16x100xf32> to vector<1x16x100xf32>
    %reduce_sum3A_13 = arith.constant dense<0.000000e+00> : vector<1xf32>
    %reduce_sum3A_14 = vector.multi_reduction <add>, %reduce_sum3A_12, %reduce_sum3A_13 [1, 2] : vector<1x16x100xf32> to vector<1xf32>
    %reduce_sum3A_15 = vector.shape_cast %reduce_sum3A_14 : vector<1xf32> to vector<1x1x1xf32>
    %reduce_sum3A_16 = vector.extract %reduce_sum3A_15[0, 0, 0] : f32 from vector<1x1x1xf32>
    %mul3A = arith.constant 1.000000e-07 : f32
    %mul3A_17 = arith.mulf %reduce_sum3A_16, %mul3A : f32
    %reshape3A = vector.broadcast %mul3A_17 : f32 to vector<1x1xf32>
    %swap3A = arith.constant 0 : index
    %swap3A_18 = arith.constant 0 : index
    %swap3A_19 = vector.load %arg2[%swap3A, %swap3A_18] : memref<1x1xf32, #tpu.memory_space<vmem>>, vector<1x1xf32>
    tpu.vector_store %arg2[%swap3A, %swap3A_18], %reshape3A {strides = array<i32>} : memref<1x1xf32, #tpu.memory_space<vmem>>, vector<1x1xf32>,
    return
  }
}

module attributes {stable_mosaic.version = 14 : i64} {
  func.func @_thr_body(%arg0: i32, %arg1: memref<2000x100xf32, #tpu.memory_space<vmem>>, %arg2: memref<16x100xf32, #tpu.memory_space<vmem>>) attributes {dimension_semantics = [#tpu.dimension_semantics<arbitrary>], iteration_bounds = array<i64: 24>, scalar_prefetch = 0 : i64, scratch_operands = 0 : i64, tpu.core_type = #tpu.core_type<tc>, window_params = [{transform_indices = @transform_0, window_bounds = array<i64: 2000, 100>}, {pipeline_mode = #tpu.pipeline_mode<synchronous>, transform_indices = @transform_1, window_bounds = array<i64: 16, 100>}]} {
    %eq3A = arith.constant 0 : i32
    %eq3A_0 = arith.cmpi eq, %arg0, %eq3A : i32
    %convert_element_type3A = arith.extui %eq3A_0 : i1 to i32
    %cond3A = arith.constant 0 : i32
    %cond3A_1 = arith.cmpi ne, %convert_element_type3A, %cond3A : i32
    scf.if %cond3A_1 {
      %broadcast_in_dim3A_148 = arith.constant 0.000000e+00 : f32
      %broadcast_in_dim3A_149 = vector.broadcast %broadcast_in_dim3A_148 : f32 to vector<16x100xf32>
      %swap3A_150 = arith.constant 0 : index
      %swap3A_151 = arith.constant 0 : index
      %swap3A_152 = vector.load %arg2[%swap3A_150, %swap3A_151] : memref<16x100xf32, #tpu.memory_space<vmem>>, vector<16x100xf32>
      tpu.vector_store %arg2[%swap3A_150, %swap3A_151], %broadcast_in_dim3A_149 {strides = array<i32>} : memref<16x100xf32, #tpu.memory_space<vmem>>, vector<16x100xf32>,
    } else {
    }
    %get3A = arith.constant 0 : index
    %get3A_2 = arith.constant 0 : index
    %get3A_3 = vector.load %arg1[%get3A, %get3A_2] : memref<2000x100xf32, #tpu.memory_space<vmem>>, vector<2000x100xf32>
    %gt3A = arith.constant 0.000000e+00 : f32
    %gt3A_4 = vector.broadcast %gt3A : f32 to vector<2000x100xf32>
    %gt3A_5 = arith.cmpf ogt, %get3A_3, %gt3A_4 : vector<2000x100xf32>
    %jit3A = arith.constant 0.000000e+00 : f32
    %broadcast_in_dim3A = vector.broadcast %jit3A : f32 to vector<2000x100xf32>
    %select_n3A = arith.select %gt3A_5, %get3A_3, %broadcast_in_dim3A : vector<2000x100xi1>, vector<2000x100xf32>
    %reduce_sum3A = arith.constant dense<0.000000e+00> : vector<100xf32>
    %reduce_sum3A_6 = vector.multi_reduction <add>, %select_n3A, %reduce_sum3A [0] : vector<2000x100xf32> to vector<100xf32>
    %gt3A_7 = arith.constant 0.0666666701 : f32
    %gt3A_8 = vector.broadcast %gt3A_7 : f32 to vector<2000x100xf32>
    %gt3A_9 = arith.cmpf ogt, %get3A_3, %gt3A_8 : vector<2000x100xf32>
    %jit3A_10 = arith.constant 0.000000e+00 : f32
    %broadcast_in_dim3A_11 = vector.broadcast %jit3A_10 : f32 to vector<2000x100xf32>
    %select_n3A_12 = arith.select %gt3A_9, %get3A_3, %broadcast_in_dim3A_11 : vector<2000x100xi1>, vector<2000x100xf32>
    %reduce_sum3A_13 = arith.constant dense<0.000000e+00> : vector<100xf32>
    %reduce_sum3A_14 = vector.multi_reduction <add>, %select_n3A_12, %reduce_sum3A_13 [0] : vector<2000x100xf32> to vector<100xf32>
    %gt3A_15 = arith.constant 0.13333334 : f32
    %gt3A_16 = vector.broadcast %gt3A_15 : f32 to vector<2000x100xf32>
    %gt3A_17 = arith.cmpf ogt, %get3A_3, %gt3A_16 : vector<2000x100xf32>
    %jit3A_18 = arith.constant 0.000000e+00 : f32
    %broadcast_in_dim3A_19 = vector.broadcast %jit3A_18 : f32 to vector<2000x100xf32>
    %select_n3A_20 = arith.select %gt3A_17, %get3A_3, %broadcast_in_dim3A_19 : vector<2000x100xi1>, vector<2000x100xf32>
    %reduce_sum3A_21 = arith.constant dense<0.000000e+00> : vector<100xf32>
    %reduce_sum3A_22 = vector.multi_reduction <add>, %select_n3A_20, %reduce_sum3A_21 [0] : vector<2000x100xf32> to vector<100xf32>
    %gt3A_23 = arith.constant 0.200000018 : f32
    %gt3A_24 = vector.broadcast %gt3A_23 : f32 to vector<2000x100xf32>
    %gt3A_25 = arith.cmpf ogt, %get3A_3, %gt3A_24 : vector<2000x100xf32>
    %jit3A_26 = arith.constant 0.000000e+00 : f32
    %broadcast_in_dim3A_27 = vector.broadcast %jit3A_26 : f32 to vector<2000x100xf32>
    %select_n3A_28 = arith.select %gt3A_25, %get3A_3, %broadcast_in_dim3A_27 : vector<2000x100xi1>, vector<2000x100xf32>
    %reduce_sum3A_29 = arith.constant dense<0.000000e+00> : vector<100xf32>
    %reduce_sum3A_30 = vector.multi_reduction <add>, %select_n3A_28, %reduce_sum3A_29 [0] : vector<2000x100xf32> to vector<100xf32>
    %gt3A_31 = arith.constant 0.266666681 : f32
    %gt3A_32 = vector.broadcast %gt3A_31 : f32 to vector<2000x100xf32>
    %gt3A_33 = arith.cmpf ogt, %get3A_3, %gt3A_32 : vector<2000x100xf32>
    %jit3A_34 = arith.constant 0.000000e+00 : f32
    %broadcast_in_dim3A_35 = vector.broadcast %jit3A_34 : f32 to vector<2000x100xf32>
    %select_n3A_36 = arith.select %gt3A_33, %get3A_3, %broadcast_in_dim3A_35 : vector<2000x100xi1>, vector<2000x100xf32>
    %reduce_sum3A_37 = arith.constant dense<0.000000e+00> : vector<100xf32>
    %reduce_sum3A_38 = vector.multi_reduction <add>, %select_n3A_36, %reduce_sum3A_37 [0] : vector<2000x100xf32> to vector<100xf32>
    %gt3A_39 = arith.constant 0.333333343 : f32
    %gt3A_40 = vector.broadcast %gt3A_39 : f32 to vector<2000x100xf32>
    %gt3A_41 = arith.cmpf ogt, %get3A_3, %gt3A_40 : vector<2000x100xf32>
    %jit3A_42 = arith.constant 0.000000e+00 : f32
    %broadcast_in_dim3A_43 = vector.broadcast %jit3A_42 : f32 to vector<2000x100xf32>
    %select_n3A_44 = arith.select %gt3A_41, %get3A_3, %broadcast_in_dim3A_43 : vector<2000x100xi1>, vector<2000x100xf32>
    %reduce_sum3A_45 = arith.constant dense<0.000000e+00> : vector<100xf32>
    %reduce_sum3A_46 = vector.multi_reduction <add>, %select_n3A_44, %reduce_sum3A_45 [0] : vector<2000x100xf32> to vector<100xf32>
    %gt3A_47 = arith.constant 0.400000036 : f32
    %gt3A_48 = vector.broadcast %gt3A_47 : f32 to vector<2000x100xf32>
    %gt3A_49 = arith.cmpf ogt, %get3A_3, %gt3A_48 : vector<2000x100xf32>
    %jit3A_50 = arith.constant 0.000000e+00 : f32
    %broadcast_in_dim3A_51 = vector.broadcast %jit3A_50 : f32 to vector<2000x100xf32>
    %select_n3A_52 = arith.select %gt3A_49, %get3A_3, %broadcast_in_dim3A_51 : vector<2000x100xi1>, vector<2000x100xf32>
    %reduce_sum3A_53 = arith.constant dense<0.000000e+00> : vector<100xf32>
    %reduce_sum3A_54 = vector.multi_reduction <add>, %select_n3A_52, %reduce_sum3A_53 [0] : vector<2000x100xf32> to vector<100xf32>
    %gt3A_55 = arith.constant 0.466666698 : f32
    %gt3A_56 = vector.broadcast %gt3A_55 : f32 to vector<2000x100xf32>
    %gt3A_57 = arith.cmpf ogt, %get3A_3, %gt3A_56 : vector<2000x100xf32>
    %jit3A_58 = arith.constant 0.000000e+00 : f32
    %broadcast_in_dim3A_59 = vector.broadcast %jit3A_58 : f32 to vector<2000x100xf32>
    %select_n3A_60 = arith.select %gt3A_57, %get3A_3, %broadcast_in_dim3A_59 : vector<2000x100xi1>, vector<2000x100xf32>
    %reduce_sum3A_61 = arith.constant dense<0.000000e+00> : vector<100xf32>
    %reduce_sum3A_62 = vector.multi_reduction <add>, %select_n3A_60, %reduce_sum3A_61 [0] : vector<2000x100xf32> to vector<100xf32>
    %gt3A_63 = arith.constant 0.533333361 : f32
    %gt3A_64 = vector.broadcast %gt3A_63 : f32 to vector<2000x100xf32>
    %gt3A_65 = arith.cmpf ogt, %get3A_3, %gt3A_64 : vector<2000x100xf32>
    %jit3A_66 = arith.constant 0.000000e+00 : f32
    %broadcast_in_dim3A_67 = vector.broadcast %jit3A_66 : f32 to vector<2000x100xf32>
    %select_n3A_68 = arith.select %gt3A_65, %get3A_3, %broadcast_in_dim3A_67 : vector<2000x100xi1>, vector<2000x100xf32>
    %reduce_sum3A_69 = arith.constant dense<0.000000e+00> : vector<100xf32>
    %reduce_sum3A_70 = vector.multi_reduction <add>, %select_n3A_68, %reduce_sum3A_69 [0] : vector<2000x100xf32> to vector<100xf32>
    %gt3A_71 = arith.constant 6.000000e-01 : f32
    %gt3A_72 = vector.broadcast %gt3A_71 : f32 to vector<2000x100xf32>
    %gt3A_73 = arith.cmpf ogt, %get3A_3, %gt3A_72 : vector<2000x100xf32>
    %jit3A_74 = arith.constant 0.000000e+00 : f32
    %broadcast_in_dim3A_75 = vector.broadcast %jit3A_74 : f32 to vector<2000x100xf32>
    %select_n3A_76 = arith.select %gt3A_73, %get3A_3, %broadcast_in_dim3A_75 : vector<2000x100xi1>, vector<2000x100xf32>
    %reduce_sum3A_77 = arith.constant dense<0.000000e+00> : vector<100xf32>
    %reduce_sum3A_78 = vector.multi_reduction <add>, %select_n3A_76, %reduce_sum3A_77 [0] : vector<2000x100xf32> to vector<100xf32>
    %gt3A_79 = arith.constant 0.666666686 : f32
    %gt3A_80 = vector.broadcast %gt3A_79 : f32 to vector<2000x100xf32>
    %gt3A_81 = arith.cmpf ogt, %get3A_3, %gt3A_80 : vector<2000x100xf32>
    %jit3A_82 = arith.constant 0.000000e+00 : f32
    %broadcast_in_dim3A_83 = vector.broadcast %jit3A_82 : f32 to vector<2000x100xf32>
    %select_n3A_84 = arith.select %gt3A_81, %get3A_3, %broadcast_in_dim3A_83 : vector<2000x100xi1>, vector<2000x100xf32>
    %reduce_sum3A_85 = arith.constant dense<0.000000e+00> : vector<100xf32>
    %reduce_sum3A_86 = vector.multi_reduction <add>, %select_n3A_84, %reduce_sum3A_85 [0] : vector<2000x100xf32> to vector<100xf32>
    %gt3A_87 = arith.constant 0.733333349 : f32
    %gt3A_88 = vector.broadcast %gt3A_87 : f32 to vector<2000x100xf32>
    %gt3A_89 = arith.cmpf ogt, %get3A_3, %gt3A_88 : vector<2000x100xf32>
    %jit3A_90 = arith.constant 0.000000e+00 : f32
    %broadcast_in_dim3A_91 = vector.broadcast %jit3A_90 : f32 to vector<2000x100xf32>
    %select_n3A_92 = arith.select %gt3A_89, %get3A_3, %broadcast_in_dim3A_91 : vector<2000x100xi1>, vector<2000x100xf32>
    %reduce_sum3A_93 = arith.constant dense<0.000000e+00> : vector<100xf32>
    %reduce_sum3A_94 = vector.multi_reduction <add>, %select_n3A_92, %reduce_sum3A_93 [0] : vector<2000x100xf32> to vector<100xf32>
    %gt3A_95 = arith.constant 0.800000071 : f32
    %gt3A_96 = vector.broadcast %gt3A_95 : f32 to vector<2000x100xf32>
    %gt3A_97 = arith.cmpf ogt, %get3A_3, %gt3A_96 : vector<2000x100xf32>
    %jit3A_98 = arith.constant 0.000000e+00 : f32
    %broadcast_in_dim3A_99 = vector.broadcast %jit3A_98 : f32 to vector<2000x100xf32>
    %select_n3A_100 = arith.select %gt3A_97, %get3A_3, %broadcast_in_dim3A_99 : vector<2000x100xi1>, vector<2000x100xf32>
    %reduce_sum3A_101 = arith.constant dense<0.000000e+00> : vector<100xf32>
    %reduce_sum3A_102 = vector.multi_reduction <add>, %select_n3A_100, %reduce_sum3A_101 [0] : vector<2000x100xf32> to vector<100xf32>
    %gt3A_103 = arith.constant 0.866666734 : f32
    %gt3A_104 = vector.broadcast %gt3A_103 : f32 to vector<2000x100xf32>
    %gt3A_105 = arith.cmpf ogt, %get3A_3, %gt3A_104 : vector<2000x100xf32>
    %jit3A_106 = arith.constant 0.000000e+00 : f32
    %broadcast_in_dim3A_107 = vector.broadcast %jit3A_106 : f32 to vector<2000x100xf32>
    %select_n3A_108 = arith.select %gt3A_105, %get3A_3, %broadcast_in_dim3A_107 : vector<2000x100xi1>, vector<2000x100xf32>
    %reduce_sum3A_109 = arith.constant dense<0.000000e+00> : vector<100xf32>
    %reduce_sum3A_110 = vector.multi_reduction <add>, %select_n3A_108, %reduce_sum3A_109 [0] : vector<2000x100xf32> to vector<100xf32>
    %gt3A_111 = arith.constant 0.933333396 : f32
    %gt3A_112 = vector.broadcast %gt3A_111 : f32 to vector<2000x100xf32>
    %gt3A_113 = arith.cmpf ogt, %get3A_3, %gt3A_112 : vector<2000x100xf32>
    %jit3A_114 = arith.constant 0.000000e+00 : f32
    %broadcast_in_dim3A_115 = vector.broadcast %jit3A_114 : f32 to vector<2000x100xf32>
    %select_n3A_116 = arith.select %gt3A_113, %get3A_3, %broadcast_in_dim3A_115 : vector<2000x100xi1>, vector<2000x100xf32>
    %reduce_sum3A_117 = arith.constant dense<0.000000e+00> : vector<100xf32>
    %reduce_sum3A_118 = vector.multi_reduction <add>, %select_n3A_116, %reduce_sum3A_117 [0] : vector<2000x100xf32> to vector<100xf32>
    %gt3A_119 = arith.constant 1.000000e+00 : f32
    %gt3A_120 = vector.broadcast %gt3A_119 : f32 to vector<2000x100xf32>
    %gt3A_121 = arith.cmpf ogt, %get3A_3, %gt3A_120 : vector<2000x100xf32>
    %jit3A_122 = arith.constant 0.000000e+00 : f32
    %broadcast_in_dim3A_123 = vector.broadcast %jit3A_122 : f32 to vector<2000x100xf32>
    %select_n3A_124 = arith.select %gt3A_121, %get3A_3, %broadcast_in_dim3A_123 : vector<2000x100xi1>, vector<2000x100xf32>
    %reduce_sum3A_125 = arith.constant dense<0.000000e+00> : vector<100xf32>
    %reduce_sum3A_126 = vector.multi_reduction <add>, %select_n3A_124, %reduce_sum3A_125 [0] : vector<2000x100xf32> to vector<100xf32>
    %get3A_127 = arith.constant 0 : index
    %get3A_128 = arith.constant 0 : index
    %get3A_129 = vector.load %arg2[%get3A_127, %get3A_128] : memref<16x100xf32, #tpu.memory_space<vmem>>, vector<16x100xf32>
    %stack3A = vector.shape_cast %reduce_sum3A_6 : vector<100xf32> to vector<1x100xf32>
    %stack3A_130 = vector.shape_cast %reduce_sum3A_14 : vector<100xf32> to vector<1x100xf32>
    %stack3A_131 = vector.shape_cast %reduce_sum3A_22 : vector<100xf32> to vector<1x100xf32>
    %stack3A_132 = vector.shape_cast %reduce_sum3A_30 : vector<100xf32> to vector<1x100xf32>
    %stack3A_133 = vector.shape_cast %reduce_sum3A_38 : vector<100xf32> to vector<1x100xf32>
    %stack3A_134 = vector.shape_cast %reduce_sum3A_46 : vector<100xf32> to vector<1x100xf32>
    %stack3A_135 = vector.shape_cast %reduce_sum3A_54 : vector<100xf32> to vector<1x100xf32>
    %stack3A_136 = vector.shape_cast %reduce_sum3A_62 : vector<100xf32> to vector<1x100xf32>
    %stack3A_137 = vector.shape_cast %reduce_sum3A_70 : vector<100xf32> to vector<1x100xf32>
    %stack3A_138 = vector.shape_cast %reduce_sum3A_78 : vector<100xf32> to vector<1x100xf32>
    %stack3A_139 = vector.shape_cast %reduce_sum3A_86 : vector<100xf32> to vector<1x100xf32>
    %stack3A_140 = vector.shape_cast %reduce_sum3A_94 : vector<100xf32> to vector<1x100xf32>
    %stack3A_141 = vector.shape_cast %reduce_sum3A_102 : vector<100xf32> to vector<1x100xf32>
    %stack3A_142 = vector.shape_cast %reduce_sum3A_110 : vector<100xf32> to vector<1x100xf32>
    %stack3A_143 = vector.shape_cast %reduce_sum3A_118 : vector<100xf32> to vector<1x100xf32>
    %stack3A_144 = vector.shape_cast %reduce_sum3A_126 : vector<100xf32> to vector<1x100xf32>
    %stack3A_145 = tpu.concatenate %stack3A, %stack3A_130, %stack3A_131, %stack3A_132, %stack3A_133, %stack3A_134, %stack3A_135, %stack3A_136, %stack3A_137, %stack3A_138, %stack3A_139, %stack3A_140, %stack3A_141, %stack3A_142, %stack3A_143, %stack3A_144 in 0 : vector<1x100xf32>, vector<1x100xf32>, vector<1x100xf32>, vector<1x100xf32>, vector<1x100xf32>, vector<1x100xf32>, vector<1x100xf32>, vector<1x100xf32>, vector<1x100xf32>, vector<1x100xf32>, vector<1x100xf32>, vector<1x100xf32>, vector<1x100xf32>, vector<1x100xf32>, vector<1x100xf32>, vector<1x100xf32> -> vector<16x100xf32>
    %add3A = arith.addf %get3A_129, %stack3A_145 : vector<16x100xf32>
    %swap3A = arith.constant 0 : index
    %swap3A_146 = arith.constant 0 : index
    %swap3A_147 = vector.load %arg2[%swap3A, %swap3A_146] : memref<16x100xf32, #tpu.memory_space<vmem>>, vector<16x100xf32>
    tpu.vector_store %arg2[%swap3A, %swap3A_146], %add3A {strides = array<i32>} : memref<16x100xf32, #tpu.memory_space<vmem>>, vector<16x100xf32>,
    return
  }
  func.func @transform_0(%arg0: i32) -> (i32, i32) {
    %c0_i32 = arith.constant 0 : i32
    %c0_i32_0 = arith.constant 0 : i32
    return %arg0, %c0_i32 : i32, i32
  }
  func.func @transform_1(%arg0: i32) -> (i32, i32) {
    %c0_i32 = arith.constant 0 : i32
    %c0_i32_0 = arith.constant 0 : i32
    %c0_i32_1 = arith.constant 0 : i32
    return %c0_i32, %c0_i32_0 : i32, i32
  }
}

</mosaic_0001>

<sc_bundles>
// kernel: kernel.5.cloned.1.call-start
scs
__scs_entry_jumppad:
0x0: {  	(pc) =	sbr.rel $0x88, $3  }
0x1: {  	(tag) =	ssettag $0x0;
	lr =	simm.s32 $0x1  }
0x2: {  	[smem:$0x3F9F] =	sst lr;
	_ =	strace $0xD0000000  }
0x3: {  	_ = 	snop  }
0x4: {  	_ = 	snop  }
0x5: {  	_ = 	snop  }
0x6: {  	_ = 	snop  }
0x7: {  	_ = 	snop  }
__scs_overlays_trampoline_lowered:
0x8: {  	[smem:$0x3FAE] =	sst s0  }
0x9: {  	[smem:$0x3FAF] =	sst s1  }
0xa: {  	[smem:$0x3FB0] =	sst s2  }
0xb: {  	[smem:$0x3FB1] =	sst s3  }
0xc: {  	[smem:$0x3FB2] =	sst s4  }
0xd: {  	[smem:$0x3FB3] =	sst s5  }
0xe: {  	[smem:$0x3FB4] =	sst s6  }
0xf: {  	[smem:$0x3FB5] =	sst s7  }
0x10: {  	[smem:$0x3FB6] =	sst s8  }
0x11: {  	[smem:$0x3FB7] =	sst s9;
	s0 =	simm.s32 @!p0 $0x0  }
0x12: {  	s1 =	sld [smem:$0x3F9D];
	s0 =	simm.s32 @p0 $0x1  }
0x13: {  	[smem:$0x3FB8] =	sst s0;
	s0 =	simm.s32 @!p1 $0x0  }
0x14: {  	s2 =	sld [smem:$0x3F9C];
	s0 =	simm.s32 @p1 $0x1  }
0x15: {  	[smem:$0x3FB9] =	sst s0;
	s0 =	simm.s32 @!p2 $0x0  }
0x16: {  	s3 =	sld [smem:$0x3FDB];
	s0 =	simm.s32 @p2 $0x1  }
0x17: {  	s4 =	simm.s32 $0x1BF5;
	[smem:$0x3FBB] =	sst s0  }
0x18: {  	s0 =	sld [smem:$0x3F9E];
	_ =	swait.ge [sflag:s4], $0x0  }
0x19: {  	s7 =	sld [smem:$0x3F9F]  }
0x1a: {  	s8 =	sadd.s32 $0xFFFFE003, lr  }
0x1b: {  	s9 =	sadd.s32 $0xFFFFFEF7, lr;
	s5 =	simm.s32 $0xFFFFFFFF;
	p2 =	slt.u32 s8, $0xFFFFF086  }
0x1c: {  	p1 =	slt.u32 s9, $0xF7A;
	s5 =	simm.s32 @!p2 $0x0  }
0x1d: {  	s5 =	simm.s32 @p1 $0x1;
	p0 =	seq.s32 s7, s2  }
0x1e: {  	s7 =	smul.u32 @!p0 $0xF7A, s2;
	p2 =	seq.s32 @!p0 s5, $0x0  }
0x1f: {  	s9 =	smul.u32 $0xF7A, s1;
	s8 =	simm.s32 @!p0 $0x1BF5;
	p2 =	por !p2, p0  }
0x20: {  	[sflag:s8] =	ssyncset.s32 @!p0 $0xFFFFF086;
	s6 =	sadd.s32 @!p0 s3, s7;
	s7 =	simm.s32 @!p0 $0x108  }
0x21: {  	s3 =	sadd.s32 s3, s9;
	s6 =	sadd.s32 @!p0 $0x88, s6;
	s7 =	simm.s32 @p2 $0x1082  }
0x22: {  	[simem:s7], [sflag:s8] =	dma.local @!p0 [hbm:s6], $0xF7A  }
0x23: {  	s9 =	sor.u32 $0xD0000000, s2;
	s6 =	simm.s32 $0x108;
	_ =	swait.ge @!p0 [sflag:s8], $0x0  }
0x24: {  	s3 =	sadd.s32 $0x88, s3;
	s6 =	simm.s32 @!p1 $0x1082;
	[sflag:s4] =	ssyncset.s32 $0xFFFFF086  }
0x25: {  	[simem:s6], [sflag:s4] =	dma.local [hbm:s3], $0xF7A  }
0x26: {  	[smem:$0x3F9F] =	sst s1;
	(tag) =	ssettag s2;
	_ =	strace s9  }
0x27: {  	s1 =	sld [smem:$0x3FAF]  }
0x28: {  	s2 =	sld [smem:$0x3FB0]  }
0x29: {  	s4 =	sld [smem:$0x3FB2]  }
0x2a: {  	p0 =	seq.s32 s5, $0x0;
	s5 =	sld [smem:$0x3FB3]  }
0x2b: {  	s6 =	sld [smem:$0x3FB4]  }
0x2c: {  	s7 =	sld [smem:$0x3FB5]  }
0x2d: {  	s3 =	simm.s32 $0x108;
	s8 =	sld [smem:$0x3FB6]  }
0x2e: {  	s3 =	simm.s32 @!p0 $0x1082;
	s9 =	sld [smem:$0x3FB7]  }
0x2f: {  	lr =	sadd.s32 s0, s3;
	s0 =	sld [smem:$0x3FAE]  }
0x30: {  	s3 =	sld [smem:$0x3FB1]  }
0x31: {  	[smem:$0x3FBA] =	sst s10  }
0x32: {  	s10 =	sld [smem:$0x3FB8];
	_ =	sdelay $0x3  }
0x33: {  	p0 =	seq.s32 s10, $0x1;
	s10 =	sld [smem:$0x3FBA];
	_ =	sdelay $0x3  }
0x34: {  	[smem:$0x3FBA] =	sst s10  }
0x35: {  	s10 =	sld [smem:$0x3FB9];
	_ =	sdelay $0x3  }
0x36: {  	p1 =	seq.s32 s10, $0x1;
	s10 =	sld [smem:$0x3FBA];
	_ =	sdelay $0x3  }
0x37: {  	[smem:$0x3FBA] =	sst s10  }
0x38: {  	s10 =	sld [smem:$0x3FBB]  }
0x39: {  	_ = 	snop;
	(pc) =	sbr.ind lr, $3  }
0x3a: {  	_ = 	snop  }
0x3b: {  	_ = 	snop  }
0x3c: {  	p2 =	seq.s32 s10, $0x1;
	s10 =	sld [smem:$0x3FBA]  }
0x3d: {  	_ =	shalt  }
0x3e: {  	_ =	shalt  }
0x3f: {  	_ =	shalt  }
0x40: {  	_ =	shalt  }
0x41: {  	_ =	shalt  }
0x42: {  	_ =	shalt  }
0x43: {  	_ =	shalt  }
0x44: {  	_ =	shalt  }
0x45: {  	_ =	shalt  }
0x46: {  	_ =	shalt  }
0x47: {  	_ =	shalt  }
0x48: {  	_ =	shalt  }
0x49: {  	_ =	shalt  }
0x4a: {  	_ =	shalt  }
0x4b: {  	_ =	shalt  }
0x4c: {  	_ =	shalt  }
0x4d: {  	_ =	shalt  }
0x4e: {  	_ =	shalt  }
0x4f: {  	_ =	shalt  }
0x50: {  	_ =	shalt  }
0x51: {  	_ =	shalt  }
0x52: {  	_ =	shalt  }
0x53: {  	_ =	shalt  }
0x54: {  	_ =	shalt  }
0x55: {  	_ =	shalt  }
0x56: {  	_ =	shalt  }
0x57: {  	_ =	shalt  }
0x58: {  	_ =	shalt  }
0x59: {  	_ =	shalt  }
0x5a: {  	_ =	shalt  }
0x5b: {  	_ =	shalt  }
0x5c: {  	_ =	shalt  }
0x5d: {  	_ =	shalt  }
0x5e: {  	_ =	shalt  }
0x5f: {  	_ =	shalt  }
0x60: {  	_ =	shalt  }
0x61: {  	_ =	shalt  }
0x62: {  	_ =	shalt  }
0x63: {  	_ =	shalt  }
0x64: {  	_ =	shalt  }
0x65: {  	_ =	shalt  }
0x66: {  	_ =	shalt  }
0x67: {  	_ =	shalt  }
0x68: {  	_ =	shalt  }
0x69: {  	_ =	shalt  }
0x6a: {  	_ =	shalt  }
0x6b: {  	_ =	shalt  }
0x6c: {  	_ =	shalt  }
0x6d: {  	_ =	shalt  }
0x6e: {  	_ =	shalt  }
0x6f: {  	_ =	shalt  }
0x70: {  	_ =	shalt  }
0x71: {  	_ =	shalt  }
0x72: {  	_ =	shalt  }
0x73: {  	_ =	shalt  }
0x74: {  	_ =	shalt  }
0x75: {  	_ =	shalt  }
0x76: {  	_ =	shalt  }
0x77: {  	_ =	shalt  }
0x78: {  	_ =	shalt  }
0x79: {  	_ =	shalt  }
0x7a: {  	_ =	shalt  }
0x7b: {  	_ =	shalt  }
0x7c: {  	_ =	shalt  }
0x7d: {  	_ =	shalt  }
0x7e: {  	_ =	shalt  }
0x7f: {  	_ =	shalt  }
0x80: {  	_ =	shalt  }
0x81: {  	_ =	shalt  }
0x82: {  	_ =	shalt  }
0x83: {  	_ =	shalt  }
0x84: {  	_ =	shalt  }
0x85: {  	_ =	shalt  }
0x86: {  	_ =	shalt  }
0x87: {  	_ =	shalt  }
.Lfunc_end0:
.L_simem_size_0:
called_computation_lowered:
.L_overlay_start_0:
0x88: {  	s2 =	sld [smem:$0x3FD9]  }
0x89: {  	s3 =	sld [smem:$0x3FFE];
	_ =	sdelay $0x1  }
0x8a: {  	s1 =	srdreg.scid  }
0x8b: {  	s0 =	sand.u32 $0x1, s1  }
0x8c: {  	s17 =	sshll.u32 s0, $0xA;
	s2 =	sadd.s32 s3, s2  }
0x8d: {  	s2 =	sadd.s32 s2, s17  }
0x8e: {  	[smem:$0x3FC6] =	sst s2  }
0x8f: {  	_ = 	snop  }
0x90: {  	s2 =	sld [smem:$0x3FC8];
	(tm) =	ssettm $0x1  }
0x91: {  	s18 =	sld [smem:$0x3FFB];
	_ =	sdelay $0x3  }
0x92: {  	_ =	strace s18  }
0x93: {  	s3 =	sld [smem:$0x3FFC];
	_ =	sdelay $0x3  }
0x94: {  	_ =	strace s3  }
0x95: {  	s3 =	sld [smem:$0x3FFD];
	_ =	sdelay $0x3  }
0x96: {  	_ =	strace s3  }
0x97: {  	_ =	strace $0x8FFFFFFF  }
0x98: {  	s19 =	sld [smem:$0x3FDB];
	_ =	sdelay $0x1  }
0x99: {  	s4 =	simm.s32 $_scs_section_size  }
0x9a: {  	s5 =	simm.s32 $_size__tile_overlayer_lowered;
	s6 =	simm.s32 $_tile_overlayer_lowered  }
0x9b: {  	s22 =	simm.s32 $0x1BFF;
	s21 =	sshll.u32 s6, $0x1;
	s3 =	sadd.s32 s4, s19  }
0x9c: {  	s7 =	simm.s32 $0x0;
	s20 =	sshll.u32 s5, $0x1;
	s5 =	sadd.s32 s21, s3  }
0x9d: {  	[timem:s7], [sflag:s22] =	dma.local [hbm:s5], s20  }
0x9e: {  	_ =	swait.ge [sflag:s22], s20  }
0x9f: {  	s4 =	ssub.s32 $0x0, s20;
	[sflag:s22] =	ssyncset.done $0x0  }
0xa0: {  	[sflag:s22] =	ssyncadd.s32 s4;
	_ =	sdelay $0x1  }
0xa1: {  	s23 =	simm.s32 $0x1B8B  }
0xa2: {  	_ =	swait.ge [sflag:s23], $0x1  }
0xa3: {  	[sflag:s23] =	ssyncset.done $0x0  }
0xa4: {  	s25 =	simm.s32 $0x1B8E;
	s24 =	sld [smem:$0x3FFE];
	[sflag:s23] =	ssyncadd.s32 $0xFFFFFFFF  }
0xa5: {  	s26 =	simm.s32 $execute0_lowered;
	[smem:$0x3FD2] =	sst s25  }
0xa6: {  	s5 =	sshll.u32 s26, $0x1;
	_ =	strace $0x80000046;
	[dreg:$0x1] =	wrdreg $0xFFFFFFFF  }
0xa7: {  	s28 =	simm.s32 $_size_execute0_lowered;
	s3 =	sadd.s32 s3, s5;
	[dreg:$0x0] =	wrdreg $0x0  }
0xa8: {  	s5 =	sshll.u32 s28, $0x1;
	[dreg:$0x2] =	wrdreg s3  }
0xa9: {  	[dreg:$0x3] =	wrdreg s5  }
0xaa: {  	[dreg:$0x4] =	wrdreg $0xC0  }
0xab: {  	_ =	task [dreg:s7], $0x5FFFF  }
0xac: {  	[dreg:$0x1] =	wrdreg $0xFFFFFFFF  }
0xad: {  	[dreg:$0x0] =	wrdreg $0x60  }
0xae: {  	[dreg:$0x2] =	wrdreg s24  }
0xaf: {  	[dreg:$0x3] =	wrdreg s2  }
0xb0: {  	[dreg:$0x4] =	wrdreg $0x9  }
0xb1: {  	_ =	task.clear_ibuf [dreg:s7], $0x5FFFF;
	_ =	strace $0x90000046  }
0xb2: {  	s29 =	simm.s32 $0x9;
	_ =	strace $0x80000048  }
0xb3: {  	_ =	swait.ge [sflag:s29], $0x1  }
0xb4: {  	[sflag:s29] =	ssyncadd.s32 $0xFFFFFFFF  }
0xb5: {  	_ =	strace $0x90000048  }
0xb6: {  	_ =	sfence  }
0xb7: {  	s30 =	sld [smem:$0x0];
	_ =	sdelay $0x2  }
0xb8: {  	s31 =	sshll.u32 s1, $0xD;
	s1 =	sshrl.u32 s1, $0x2  }
0xb9: {  	s3 =	sand.u32 $0x4000, s31;
	s1 =	sadd.s32 s1, s30  }
0xba: {  	s0 =	sor.u32 s3, s0;
	s1 =	sshll.u32 s1, $0x11  }
0xbb: {  	s0 =	sor.u32 s1, s0  }
0xbc: {  	s0 =	sadd.s32 $0x8F2B, s0  }
0xbd: {  	[sflag:s0] =	ssyncadd.remote.s32 $0x1  }
0xbe: {  	_ =	sfence.sel $0xFFFF  }
0xbf: {  	[dreg:$0x0] =	wrdreg $0xFFFFFFFF;
	(pc) =	sbr.abs _section_cstart, $3  }
0xc0: {  	[dreg:$0x1] =	wrdreg $0xFFFFFFFF  }
0xc1: {  	_ =	task.clear_ibuf [dreg:s7], $0x2FFFF;
	_ =	strace $0x9FFFFFFF  }
0xc2: {  	(tm) =	ssettm $0x7FFFFFFF  }
0xc3: {  	_ =	shalt  }
tec
execute0_lowered:
.L_overlay_start_1:
0x0: {  	(tag) =	ssettag $0x1  }
0x1: {  	s0 =	rddreg [dreg:$0x0]  }
0x2: {  	s2 =	rddreg [dreg:$0x1]  }
0x3: {  	s3 =	simm.s32 $0x0;
	s5 =	stileid.u32;
	s1 =	srdreg.scid  }
0x4: {  	s13 =	simm.s32 $0x5000;
	s15 =	simm.s32 $0x1;
	s16 =	simm.s32 $0x3  }
0x5: {  	s17 =	simm.s32 $0xA200;
	s18 =	simm.s32 $0xAA00;
	s19 =	simm.s32 $0x2  }
0x6: {  	v0 =	vimm.f32 $0.0e+00;
	v1 =	vlaneseq.u32;
	s20 =	simm.s32 $0x4;
	s23 =	simm.s32 $0x5;
	s24 =	simm.s32 $0x0  }
0x7: {  	v2 =	vimm.s32 $0x0;
	vm0 =	vcmask $0x3F30;
	v11 =	vimm.f32 $-1.000000000e+00;
	[smem:$0x7FF] =	sst s3;
	s1 =	sand.u32 $0x1, s1;
	s4 =	sshll.u32 s5, $0x1  }
0x8: {  	s6 =	sshll.u32 s5, $0x9;
	s5 =	sadd.s32 $0x400, s0;
	v3 =	vor.u32 $0x10, v1;
	v4 =	vor.u32 $0x20, v1;
	v5 =	vor.u32 $0x30, v1;
	s4 =	sor.u32 s1, s4  }
0x9: {  	v6 =	vor.u32 $0x40, v1;
	v9 =	vand.u32 $0x7, v1;
	v8 =	vmul.u32 $0x10, v1;
	_ =	strace $0x80000047;
	s6 =	sand.u32 $0x1800, s6;
	s7 =	smul.u32 $0xA00, s4  }
0xa: {  	v7 =	vor.u32 $0x50, v1;
	v10 =	vmul.u32 $0x80, v1;
	s1 =	ssub.s32 $0x2, s1;
	v12 =	vmul.u32 $0x10, v9;
	s8 =	smul.u32 $0x14, s4;
	s9 =	sor.u32 $0x20, s4  }
0xb: {  	v9 =	vadd.s32 $0x54, v1;
	s0 =	sadd.s32 s6, s0;
	s29 =	sshrl.u32 s1, $0x1;
	s31 =	sshll.u32 s4, $0x4;
	v13 =	vor.u32 $0x1, v8;
	v14 =	vor.u32 $0x2, v8  }
0xc: {  	v15 =	vor.u32 $0x3, v8;
	v16 =	vor.u32 $0x4, v8;
	v17 =	vor.u32 $0x5, v8;
	s10 =	smul.u32 $0xA00, s9;
	s1 =	ssub.s32 s1, s29;
	s11 =	sand.u32 $0x70, s31  }
0xd: {  	v18 =	vor.u32 $0x6, v8;
	v19 =	vor.u32 $0x7, v8;
	v20 =	vor.u32 $0x8, v8;
	s30 =	smul.u32 $0x14, s9;
	s7 =	sadd.s32 s5, s7;
	s0 =	sadd.s32 s11, s0  }
0xe: {  	v21 =	vor.u32 $0x9, v8;
	v22 =	vor.u32 $0xA, v8;
	v23 =	vor.u32 $0xB, v8;
	s11 =	smax.u32 s1, $0x1;
	[dreg:$0x3] =	wrdreg s7;
	s7 =	sadd.s32 s2, s8  }
0xf: {  	v24 =	vor.u32 $0xC, v8;
	v25 =	vor.u32 $0xD, v8;
	v12 =	vor.u32 $0xFFFFFF80, v12;
	s8 =	sadd.s32 s5, s10;
	s9 =	sadd.s32 s2, s30;
	s10 =	sadd.s32 $0x186E00, s0  }
.LBB2_1:
0x10: {  	s1 =	simm.s32 $0xA240  }
0x11: {  	[tilespmem:s1+$0xFFFFFFC0] =	vst v0  }
0x12: {  	[tilespmem:s1+$0x30] =	vst v0  }
0x13: {  	[tilespmem:s1+$0x20] =	vst v0  }
0x14: {  	[tilespmem:s1+$0x10] =	vst v0  }
0x15: {  	[tilespmem:s1+$0x0] =	vst v0  }
0x16: {  	[tilespmem:s1+$0xFFFFFFF0] =	vst v0  }
0x17: {  	s6 =	simm.s32 $0x0;
	[tilespmem:s1+$0xFFFFFFE0] =	vst v0  }
.LBB2_2:
0x18: {  	s6 =	sadd.s32 $0x8, s6;
	[tilespmem:s1+$0xFFFFFFD0] =	vst v0;
	s1 =	sadd.s32 $0x80, s1;
	s0 =	simm.s32 $0xAA40  }
0x19: {  	[tilespmem:s1+$0xFFFFFFC0] =	vst v0;
	p0 =	slt.u32 s6, $0x78  }
0x1a: {  	[tilespmem:s1+$0x30] =	vst v0  }
.Ltmp0:
0x1b: {  	[tilespmem:s1+$0x20] =	vst v0;
	(pc) =	sbr.rel @p0 .LBB2_2-.Ltmp0, $4  }
0x1c: {  	[tilespmem:s1+$0x10] =	vst v0  }
0x1d: {  	[tilespmem:s1+$0x0] =	vst v0  }
0x1e: {  	[tilespmem:s1+$0xFFFFFFF0] =	vst v0  }
0x1f: {  	[tilespmem:s1+$0xFFFFFFE0] =	vst v0  }
0x20: {  	[tilespmem:s1+$0xFFFFFFD0] =	vst v0  }
0x21: {  	[tilespmem:s0+$0xFFFFFFC0] =	vst v0  }
0x22: {  	[tilespmem:s0+$0x30] =	vst v0  }
0x23: {  	[tilespmem:s0+$0x20] =	vst v0  }
0x24: {  	[tilespmem:s0+$0x10] =	vst v0  }
0x25: {  	[tilespmem:s0+$0x0] =	vst v0  }
0x26: {  	[tilespmem:s0+$0xFFFFFFF0] =	vst v0  }
0x27: {  	s1 =	simm.s32 $0x0;
	[tilespmem:s0+$0xFFFFFFE0] =	vst v0  }
.LBB2_4:
0x28: {  	s1 =	sadd.s32 $0x8, s1;
	[tilespmem:s0+$0xFFFFFFD0] =	vst v0;
	s0 =	sadd.s32 $0x80, s0  }
0x29: {  	[tilespmem:s0+$0xFFFFFFC0] =	vst v0;
	p0 =	slt.u32 s1, $0x7F8  }
0x2a: {  	[tilespmem:s0+$0x30] =	vst v0  }
.Ltmp1:
0x2b: {  	[tilespmem:s0+$0x20] =	vst v0;
	(pc) =	sbr.rel @p0 .LBB2_4-.Ltmp1, $4  }
0x2c: {  	[tilespmem:s0+$0x10] =	vst v0  }
0x2d: {  	[tilespmem:s0+$0x0] =	vst v0  }
0x2e: {  	[tilespmem:s0+$0xFFFFFFF0] =	vst v0  }
0x2f: {  	[tilespmem:s0+$0xFFFFFFE0] =	vst v0  }
0x30: {  	[tilespmem:s0+$0xFFFFFFD0] =	vst v0  }
0x31: {  	s25 =	simm.s32 $0x0;
	s0 =	rddreg [dreg:$0x3]  }
0x32: {  	[tilespmem:s25], [sflag:$0x1] =	stream.linear.gather [hbm4b:s0+s25], $0x5000, $0x38;
	[tilespmem:$0x12A00] =	vst v63  }
0x33: {  	s30 =	simm.s32 $0xA000  }
0x34: {  	[tilespmem:s30], [sflag:$0x3] =	stream.linear.gather [hbm4b:s7+s25], $0xA0, $0x38;
	[tilespmem:$0x12A00] =	vst v63  }
.Ltmp2:
0x35: {  	_ = 	snop;
	(pc) =	sbr.rel .LBB2_6-.Ltmp2, $4  }
0x36: {  	_ = 	snop  }
0x37: {  	[tilespmem:s13], [sflag:$0x2] =	stream.linear.gather [hbm4b:s8+s25], $0x5000, $0x38;
	[tilespmem:$0x12A00] =	vst v63  }
0x38: {  	s31 =	simm.s32 $0xA100  }
0x39: {  	[tilespmem:s31], [sflag:$0x4] =	stream.linear.gather [hbm4b:s9+s25], $0xA0, $0x38;
	[tilespmem:$0x12A00] =	vst v63  }
.LBB2_20:
0x3a: {  	s25 =	sadd.s32 $0x1, s25  }
0x3b: {  	p0 =	sne.s32 s25, $0xA  }
.Ltmp3:
0x3c: {  	_ = 	snop;
	(pc) =	sbr.rel @!p0 .LBB2_21-.Ltmp3, $1  }
0x3d: {  	_ =	sdelay $0x3  }
.LBB2_6:
0x3e: {  	s0 =	sshll.u32 s25, $0x6  }
0x3f: {  	s26 =	sor.u32 s4, s0  }
0x40: {  	_ =	swait.ge [sflag:s15], $0x5000;
	p0 =	slt.u32 s26, $0x12C  }
.Ltmp4:
0x41: {  	[sflag:s15] =	ssyncset.done $0x0;
	(pc) =	sbr.rel @p0 .LBB2_10-.Ltmp4, $4  }
0x42: {  	[sflag:s15] =	ssyncadd.s32 $0xFFFFB000  }
0x43: {  	_ =	swait.ge [sflag:s16], $0xA0  }
0x44: {  	[sflag:s16] =	ssyncset.done $0x0  }
0x45: {  	[sflag:s16] =	ssyncadd.s32 $0xFFFFFF60  }
0x46: {  	s21 =	simm.s32 $0x0  }
0x47: {  	v26 =	vld [tilespmem:s21+$0x0];
	_ =	sdelay $0x4  }
0x48: {  	v27 =	vmul.f32 $1.500000000e+01, v26;
	_ =	sdelay $0x1  }
0x49: {  	v27 =	vadd.f32 $5.000000000e-01, v27;
	_ =	sdelay $0x1  }
0x4a: {  	v27 =	vtrunc.f32 v27  }
0x4b: {  	v27 =	vcvt.f32.s32 v27;
	_ =	sdelay $0x1  }
0x4c: {  	v28 =	vcvt.s32.f32 v27;
	_ =	sdelay $0x1  }
0x4d: {  	v28 =	vmul.f32 $6.666667010e-02, v28;
	_ =	sdelay $0x1  }
0x4e: {  	vm1 =	vlt.f32 v28, v26  }
0x4f: {  	v28 =	vsel vm1, $0x1, v2  }
0x50: {  	v27 =	vadd.s32 v27, v28  }
0x51: {  	s31 =	simm.s32 $0x80;
	v27 =	vshll.u32 v27, $0x7  }
0x52: {  	v28 =	vld [tilespmem:s31+$0x0];
	v27 =	vor.u32 v1, v27;
	_ =	sdelay $0x4  }
0x53: {  	[tilespmem:v27+s17+$0x0] =	vst.idx.add.f32.msk $0xffff, v26;
	v27 =	vmul.f32 $1.500000000e+01, v28  }
0x54: {  	v26 =	vld [tilespmem:s21+$0x10]  }
0x55: {  	v27 =	vadd.f32 $5.000000000e-01, v27;
	_ =	sdelay $0x1  }
0x56: {  	v27 =	vtrunc.f32 v27  }
0x57: {  	v27 =	vcvt.f32.s32 v27  }
0x58: {  	v29 =	vmul.f32 $1.500000000e+01, v26  }
0x59: {  	v30 =	vcvt.s32.f32 v27  }
0x5a: {  	v29 =	vadd.f32 $5.000000000e-01, v29  }
0x5b: {  	v30 =	vmul.f32 $6.666667010e-02, v30  }
0x5c: {  	v29 =	vtrunc.f32 v29  }
0x5d: {  	s29 =	simm.s32 $0x100;
	v29 =	vcvt.f32.s32 v29;
	vm1 =	vlt.f32 v30, v28  }
0x5e: {  	v30 =	vld [tilespmem:s29+$0x0];
	v32 =	vsel vm1, $0x1, v2  }
0x5f: {  	v31 =	vcvt.s32.f32 v29;
	v27 =	vadd.s32 v27, v32  }
0x60: {  	v27 =	vshll.u32 v27, $0x7  }
0x61: {  	v31 =	vmul.f32 $6.666667010e-02, v31;
	v27 =	vor.u32 v1, v27;
	_ =	sdelay $0x1  }
0x62: {  	v54 =	vmul.f32 $1.500000000e+01, v30;
	vm1 =	vlt.f32 v31, v26  }
0x63: {  	s28 =	simm.s32 $0x180;
	v31 =	vsel vm1, $0x1, v2  }
0x64: {  	v55 =	vld [tilespmem:s28+$0x0];
	v29 =	vadd.s32 v29, v31;
	v31 =	vadd.f32 $5.000000000e-01, v54  }
0x65: {  	v29 =	vshll.u32 v29, $0x7;
	[tilespmem:v27+s17+$0x0] =	vst.idx.add.f32.msk $0xffff, v28  }
0x66: {  	v29 =	vor.u32 v3, v29;
	v27 =	vtrunc.f32 v31;
	v28 =	vld [tilespmem:s31+$0x10]  }
0x67: {  	v27 =	vcvt.f32.s32 v27;
	_ =	sdelay $0x1  }
0x68: {  	v31 =	vcvt.s32.f32 v27  }
0x69: {  	v33 =	vmul.f32 $1.500000000e+01, v55  }
0x6a: {  	[tilespmem:v29+s17+$0x0] =	vst.idx.add.f32.msk $0xffff, v26;
	v26 =	vmul.f32 $6.666667010e-02, v31;
	v31 =	vmul.f32 $1.500000000e+01, v28  }
0x6b: {  	v33 =	vadd.f32 $5.000000000e-01, v33;
	v29 =	vld [tilespmem:s21+$0x20]  }
0x6c: {  	vm1 =	vlt.f32 v26, v30;
	v26 =	vadd.f32 $5.000000000e-01, v31  }
0x6d: {  	v33 =	vtrunc.f32 v33;
	v31 =	vsel vm1, $0x1, v2  }
0x6e: {  	v27 =	vadd.s32 v27, v31;
	v31 =	vcvt.f32.s32 v33;
	v26 =	vtrunc.f32 v26  }
0x6f: {  	v27 =	vshll.u32 v27, $0x7;
	v26 =	vcvt.f32.s32 v26  }
0x70: {  	v56 =	vmul.f32 $1.500000000e+01, v29;
	v27 =	vor.u32 v1, v27;
	v34 =	vcvt.s32.f32 v31;
	_ =	sdelay $0x1  }
0x71: {  	s30 =	simm.s32 $0x200;
	v35 =	vcvt.s32.f32 v26;
	v33 =	vadd.f32 $5.000000000e-01, v56;
	v34 =	vmul.f32 $6.666667010e-02, v34  }
0x72: {  	v36 =	vld [tilespmem:s30+$0x0]  }
0x73: {  	v35 =	vmul.f32 $6.666667010e-02, v35;
	v33 =	vtrunc.f32 v33;
	vm1 =	vlt.f32 v34, v55  }
0x74: {  	v33 =	vcvt.f32.s32 v33;
	[tilespmem:v27+s17+$0x0] =	vst.idx.add.f32.msk $0xffff, v30;
	v27 =	vsel vm1, $0x1, v2  }
0x75: {  	vm1 =	vlt.f32 v35, v28;
	v27 =	vadd.s32 v31, v27  }
0x76: {  	v30 =	vld [tilespmem:s29+$0x10];
	v57 =	vsel vm1, $0x1, v2;
	v31 =	vcvt.s32.f32 v33;
	v27 =	vshll.u32 v27, $0x7  }
0x77: {  	v58 =	vmul.f32 $1.500000000e+01, v36;
	v26 =	vadd.s32 v26, v57;
	v27 =	vor.u32 v1, v27  }
0x78: {  	v26 =	vshll.u32 v26, $0x7;
	v31 =	vmul.f32 $6.666667010e-02, v31  }
0x79: {  	v59 =	vadd.f32 $5.000000000e-01, v58;
	v26 =	vor.u32 v3, v26  }
0x7a: {  	vm1 =	vlt.f32 v31, v29  }
0x7b: {  	v34 =	vtrunc.f32 v59;
	v31 =	vmul.f32 $1.500000000e+01, v30;
	v60 =	vsel vm1, $0x1, v2  }
0x7c: {  	v34 =	vcvt.f32.s32 v34;
	v33 =	vadd.s32 v33, v60;
	[tilespmem:v27+s17+$0x0] =	vst.idx.add.f32.msk $0xffff, v55  }
0x7d: {  	v31 =	vadd.f32 $5.000000000e-01, v31;
	v27 =	vshll.u32 v33, $0x7;
	v32 =	vld [tilespmem:s28+$0x10]  }
0x7e: {  	v61 =	vcvt.s32.f32 v34;
	[tilespmem:v26+s17+$0x0] =	vst.idx.add.f32.msk $0xffff, v28;
	v27 =	vor.u32 v4, v27  }
0x7f: {  	v31 =	vtrunc.f32 v31;
	v28 =	vld [tilespmem:s31+$0x20]  }
0x80: {  	v26 =	vcvt.f32.s32 v31;
	v31 =	vmul.f32 $6.666667010e-02, v61;
	_ =	sdelay $0x1  }
0x81: {  	v62 =	vcvt.s32.f32 v26;
	vm1 =	vlt.f32 v31, v36  }
0x82: {  	v31 =	vmul.f32 $1.500000000e+01, v32;
	[tilespmem:v27+s17+$0x0] =	vst.idx.add.f32.msk $0xffff, v29;
	v27 =	vsel vm1, $0x1, v2  }
0x83: {  	v29 =	vmul.f32 $6.666667010e-02, v62;
	v41 =	vmul.f32 $1.500000000e+01, v28;
	v63 =	vld [tilespmem:s21+$0x30];
	v27 =	vadd.s32 v34, v27  }
0x84: {  	s0 =	simm.s32 $0x280;
	v31 =	vadd.f32 $5.000000000e-01, v31;
	v27 =	vshll.u32 v27, $0x7  }
0x85: {  	vm1 =	vlt.f32 v29, v30;
	v29 =	vld [tilespmem:s0+$0x0];
	v34 =	vadd.f32 $5.000000000e-01, v41;
	v27 =	vor.u32 v1, v27  }
0x86: {  	v42 =	vsel vm1, $0x1, v2;
	v31 =	vtrunc.f32 v31  }
0x87: {  	v26 =	vadd.s32 v26, v42;
	v31 =	vcvt.f32.s32 v31;
	v34 =	vtrunc.f32 v34  }
0x88: {  	v26 =	vshll.u32 v26, $0x7;
	v34 =	vcvt.f32.s32 v34;
	v43 =	vmul.f32 $1.500000000e+01, v63  }
0x89: {  	v37 =	vcvt.s32.f32 v31;
	v26 =	vor.u32 v3, v26  }
0x8a: {  	v45 =	vcvt.s32.f32 v34;
	[tilespmem:v27+s17+$0x0] =	vst.idx.add.f32.msk $0xffff, v36;
	v27 =	vmul.f32 $1.500000000e+01, v29;
	v35 =	vadd.f32 $5.000000000e-01, v43  }
0x8b: {  	v44 =	vmul.f32 $6.666667010e-02, v37;
	v38 =	vld [tilespmem:s30+$0x10]  }
0x8c: {  	v46 =	vmul.f32 $6.666667010e-02, v45;
	v27 =	vadd.f32 $5.000000000e-01, v27;
	v35 =	vtrunc.f32 v35  }
0x8d: {  	vm1 =	vlt.f32 v44, v32;
	v35 =	vcvt.f32.s32 v35  }
0x8e: {  	v47 =	vsel vm1, $0x1, v2;
	[tilespmem:v26+s17+$0x0] =	vst.idx.add.f32.msk $0xffff, v30;
	vm1 =	vlt.f32 v46, v28;
	v26 =	vtrunc.f32 v27  }
0x8f: {  	s1 =	simm.s32 $0x300;
	v27 =	vld [tilespmem:s29+$0x20];
	v36 =	vsel vm1, $0x1, v2;
	v26 =	vcvt.f32.s32 v26;
	v30 =	vcvt.s32.f32 v35  }
0x90: {  	v39 =	vld [tilespmem:s1+$0x0];
	v31 =	vadd.s32 v31, v47;
	v34 =	vadd.s32 v34, v36;
	v48 =	vmul.f32 $1.500000000e+01, v38  }
0x91: {  	v31 =	vshll.u32 v31, $0x7;
	v49 =	vcvt.s32.f32 v26;
	v30 =	vmul.f32 $6.666667010e-02, v30  }
0x92: {  	v34 =	vshll.u32 v34, $0x7;
	v31 =	vor.u32 v3, v31  }
0x93: {  	v37 =	vadd.f32 $5.000000000e-01, v48;
	v36 =	vmul.f32 $6.666667010e-02, v49;
	vm1 =	vlt.f32 v30, v63  }
0x94: {  	v30 =	vor.u32 v4, v34;
	v50 =	vmul.f32 $1.500000000e+01, v27;
	v40 =	vsel vm1, $0x1, v2  }
0x95: {  	v53 =	vmul.f32 $1.500000000e+01, v39;
	v37 =	vtrunc.f32 v37;
	v35 =	vadd.s32 v35, v40  }
0x96: {  	vm1 =	vlt.f32 v36, v29;
	v34 =	vadd.f32 $5.000000000e-01, v50;
	v35 =	vshll.u32 v35, $0x7  }
0x97: {  	v51 =	vcvt.f32.s32 v37;
	[tilespmem:v31+s17+$0x0] =	vst.idx.add.f32.msk $0xffff, v32;
	v52 =	vsel vm1, $0x1, v2;
	v35 =	vor.u32 v5, v35  }
0x98: {  	v37 =	vadd.f32 $5.000000000e-01, v53;
	v57 =	vld [tilespmem:s28+$0x20];
	v26 =	vadd.s32 v26, v52;
	v34 =	vtrunc.f32 v34  }
0x99: {  	[tilespmem:v30+s17+$0x0] =	vst.idx.add.f32.msk $0xffff, v28;
	v26 =	vshll.u32 v26, $0x7;
	v28 =	vcvt.f32.s32 v34  }
0x9a: {  	v31 =	vtrunc.f32 v37;
	v26 =	vor.u32 v1, v26  }
0x9b: {  	v30 =	vcvt.s32.f32 v51;
	v54 =	vld [tilespmem:s31+$0x30];
	v55 =	vcvt.s32.f32 v28  }
0x9c: {  	v31 =	vcvt.f32.s32 v31;
	[tilespmem:v35+s17+$0x0] =	vst.idx.add.f32.msk $0xffff, v63  }
0x9d: {  	v30 =	vmul.f32 $6.666667010e-02, v30;
	v56 =	vmul.f32 $6.666667010e-02, v55;
	v33 =	vld [tilespmem:s21+$0x40]  }
0x9e: {  	v61 =	vmul.f32 $1.500000000e+01, v57  }
0x9f: {  	vm1 =	vlt.f32 v30, v38;
	[tilespmem:v26+s17+$0x0] =	vst.idx.add.f32.msk $0xffff, v29;
	vm2 =	vlt.f32 v56, v27;
	v29 =	vcvt.s32.f32 v31  }
0xa0: {  	v58 =	vsel vm1, $0x1, v2;
	v30 =	vmul.f32 $1.500000000e+01, v54;
	v26 =	vld [tilespmem:s0+$0x10];
	v59 =	vsel vm2, $0x1, v2  }
0xa1: {  	v32 =	vadd.s32 v51, v58;
	v28 =	vadd.s32 v28, v59;
	v29 =	vmul.f32 $6.666667010e-02, v29  }
0xa2: {  	v30 =	vadd.f32 $5.000000000e-01, v30;
	v28 =	vshll.u32 v28, $0x7;
	v60 =	vmul.f32 $1.500000000e+01, v33  }
0xa3: {  	v32 =	vshll.u32 v32, $0x7;
	v28 =	vor.u32 v4, v28;
	vm1 =	vlt.f32 v29, v39  }
0xa4: {  	v30 =	vtrunc.f32 v30;
	v29 =	vsel vm1, $0x1, v2;
	v36 =	vadd.f32 $5.000000000e-01, v60  }
0xa5: {  	v62 =	vmul.f32 $1.500000000e+01, v26;
	v29 =	vadd.s32 v31, v29;
	v31 =	vcvt.f32.s32 v30  }
0xa6: {  	v30 =	vadd.f32 $5.000000000e-01, v61;
	v29 =	vshll.u32 v29, $0x7;
	v36 =	vtrunc.f32 v36  }
0xa7: {  	s12 =	simm.s32 $0x380;
	v29 =	vor.u32 v1, v29;
	v63 =	vcvt.s32.f32 v31;
	v36 =	vcvt.f32.s32 v36  }
0xa8: {  	v41 =	vld [tilespmem:s12+$0x0];
	v32 =	vor.u32 v3, v32;
	v30 =	vtrunc.f32 v30  }
0xa9: {  	v40 =	vadd.f32 $5.000000000e-01, v62;
	v37 =	vmul.f32 $6.666667010e-02, v63;
	v42 =	vcvt.s32.f32 v36  }
0xaa: {  	v43 =	vcvt.f32.s32 v30  }
0xab: {  	[tilespmem:v28+s17+$0x0] =	vst.idx.add.f32.msk $0xffff, v27;
	v27 =	vtrunc.f32 v40;
	vm1 =	vlt.f32 v37, v54;
	v28 =	vmul.f32 $6.666667010e-02, v42  }
0xac: {  	v27 =	vcvt.f32.s32 v27;
	v40 =	vcvt.s32.f32 v43;
	[tilespmem:v29+s17+$0x0] =	vst.idx.add.f32.msk $0xffff, v39;
	v29 =	vsel vm1, $0x1, v2  }
0xad: {  	[tilespmem:v32+s17+$0x0] =	vst.idx.add.f32.msk $0xffff, v38;
	vm1 =	vlt.f32 v28, v33;
	v28 =	vadd.s32 v31, v29;
	v29 =	vmul.f32 $1.500000000e+01, v41  }
0xae: {  	v37 =	vld [tilespmem:s30+$0x20];
	v31 =	vmul.f32 $6.666667010e-02, v40;
	v28 =	vshll.u32 v28, $0x7;
	v42 =	vsel vm1, $0x1, v2  }
0xaf: {  	v28 =	vor.u32 v5, v28;
	v29 =	vadd.f32 $5.000000000e-01, v29;
	v32 =	vadd.s32 v36, v42  }
0xb0: {  	v44 =	vcvt.s32.f32 v27;
	v30 =	vld [tilespmem:s1+$0x10];
	v32 =	vshll.u32 v32, $0x7  }
0xb1: {  	vm1 =	vlt.f32 v31, v57;
	v29 =	vtrunc.f32 v29;
	v31 =	vor.u32 v6, v32  }
0xb2: {  	v38 =	vmul.f32 $6.666667010e-02, v44;
	v36 =	vld [tilespmem:s29+$0x30];
	v29 =	vcvt.f32.s32 v29  }
0xb3: {  	v47 =	vmul.f32 $1.500000000e+01, v37  }
0xb4: {  	v45 =	vsel vm1, $0x1, v2;
	vm1 =	vlt.f32 v38, v26;
	[tilespmem:v28+s17+$0x0] =	vst.idx.add.f32.msk $0xffff, v54;
	v28 =	vcvt.s32.f32 v29  }
0xb5: {  	v32 =	vadd.s32 v43, v45;
	v46 =	vmul.f32 $1.500000000e+01, v30;
	v49 =	vsel vm1, $0x1, v2;
	v42 =	vld [tilespmem:s31+$0x40]  }
0xb6: {  	v32 =	vshll.u32 v32, $0x7;
	v28 =	vmul.f32 $6.666667010e-02, v28;
	[tilespmem:v31+s17+$0x0] =	vst.idx.add.f32.msk $0xffff, v33;
	v31 =	vadd.f32 $5.000000000e-01, v47  }
0xb7: {  	v27 =	vadd.s32 v27, v49;
	v32 =	vor.u32 v4, v32;
	v48 =	vmul.f32 $1.500000000e+01, v36  }
0xb8: {  	v39 =	vadd.f32 $5.000000000e-01, v46;
	vm1 =	vlt.f32 v28, v41;
	v28 =	vtrunc.f32 v31  }
0xb9: {  	v38 =	vld [tilespmem:s21+$0x50];
	v31 =	vadd.f32 $5.000000000e-01, v48;
	v51 =	vsel vm1, $0x1, v2;
	v28 =	vcvt.f32.s32 v28  }
0xba: {  	v27 =	vshll.u32 v27, $0x7;
	v52 =	vmul.f32 $1.500000000e+01, v42;
	v34 =	vadd.s32 v29, v51  }
0xbb: {  	v31 =	vtrunc.f32 v31;
	v34 =	vshll.u32 v34, $0x7;
	v53 =	vcvt.s32.f32 v28  }
0xbc: {  	v50 =	vtrunc.f32 v39;
	v31 =	vcvt.f32.s32 v31;
	v54 =	vor.u32 v1, v34  }
0xbd: {  	s14 =	simm.s32 $0x400;
	v39 =	vcvt.f32.s32 v50;
	[tilespmem:v32+s17+$0x0] =	vst.idx.add.f32.msk $0xffff, v57;
	v32 =	vadd.f32 $5.000000000e-01, v52;
	v35 =	vmul.f32 $6.666667010e-02, v53  }
0xbe: {  	v27 =	vor.u32 v3, v27;
	v55 =	vmul.f32 $1.500000000e+01, v38;
	v34 =	vld [tilespmem:s14+$0x0];
	v56 =	vcvt.s32.f32 v31  }
0xbf: {  	v44 =	vcvt.s32.f32 v39;
	v32 =	vtrunc.f32 v32;
	vm1 =	vlt.f32 v35, v37  }
0xc0: {  	v43 =	vadd.f32 $5.000000000e-01, v55;
	v33 =	vmul.f32 $6.666667010e-02, v56;
	v57 =	vsel vm1, $0x1, v2  }
0xc1: {  	v62 =	vmul.f32 $6.666667010e-02, v44;
	v46 =	vcvt.f32.s32 v32;
	[tilespmem:v54+s17+$0x0] =	vst.idx.add.f32.msk $0xffff, v41;
	v28 =	vadd.s32 v28, v57  }
0xc2: {  	v58 =	vtrunc.f32 v43;
	vm1 =	vlt.f32 v33, v36;
	v32 =	vld [tilespmem:s12+$0x10];
	v28 =	vshll.u32 v28, $0x7  }
0xc3: {  	v59 =	vmul.f32 $1.500000000e+01, v34;
	v60 =	vcvt.s32.f32 v46;
	v28 =	vor.u32 v4, v28  }
0xc4: {  	v61 =	vcvt.f32.s32 v58;
	v33 =	vsel vm1, $0x1, v2;
	vm1 =	vlt.f32 v62, v30  }
0xc5: {  	v31 =	vadd.s32 v31, v33;
	v33 =	vadd.f32 $5.000000000e-01, v59;
	v40 =	vmul.f32 $6.666667010e-02, v60  }
0xc6: {  	v63 =	vcvt.s32.f32 v61;
	v47 =	vsel vm1, $0x1, v2;
	v31 =	vshll.u32 v31, $0x7  }
0xc7: {  	[tilespmem:v27+s17+$0x0] =	vst.idx.add.f32.msk $0xffff, v26;
	v31 =	vor.u32 v5, v31;
	v27 =	vtrunc.f32 v33;
	v26 =	vmul.f32 $1.500000000e+01, v32  }
0xc8: {  	vm1 =	vlt.f32 v40, v42;
	v27 =	vcvt.f32.s32 v27;
	[tilespmem:v28+s17+$0x0] =	vst.idx.add.f32.msk $0xffff, v37;
	v28 =	vmul.f32 $6.666667010e-02, v63  }
0xc9: {  	v33 =	vadd.s32 v39, v47;
	v48 =	vsel vm1, $0x1, v2;
	v26 =	vadd.f32 $5.000000000e-01, v26  }
0xca: {  	v37 =	vadd.s32 v46, v48;
	v49 =	vcvt.s32.f32 v27;
	vm1 =	vlt.f32 v28, v38  }
0xcb: {  	v29 =	vld [tilespmem:s28+$0x30];
	v50 =	vshll.u32 v37, $0x7;
	v26 =	vtrunc.f32 v26;
	v51 =	vsel vm1, $0x1, v2  }
0xcc: {  	v35 =	vld [tilespmem:s0+$0x20];
	v39 =	vor.u32 v6, v50;
	v26 =	vcvt.f32.s32 v26;
	v52 =	vadd.s32 v61, v51  }
0xcd: {  	v37 =	vshll.u32 v33, $0x7;
	[tilespmem:v31+s17+$0x0] =	vst.idx.add.f32.msk $0xffff, v36;
	v36 =	vmul.f32 $6.666667010e-02, v49;
	v33 =	vshll.u32 v52, $0x7  }
0xce: {  	v28 =	vld [tilespmem:s29+$0x40];
	v53 =	vcvt.s32.f32 v26;
	v54 =	vor.u32 v7, v33  }
0xcf: {  	vm1 =	vlt.f32 v36, v34  }
0xd0: {  	v31 =	vld [tilespmem:s30+$0x30];
	v56 =	vsel vm1, $0x1, v2;
	v40 =	vmul.f32 $6.666667010e-02, v53  }
0xd1: {  	v27 =	vadd.s32 v27, v56;
	[tilespmem:v39+s17+$0x0] =	vst.idx.add.f32.msk $0xffff, v42  }
0xd2: {  	v55 =	vmul.f32 $1.500000000e+01, v35;
	v59 =	vshll.u32 v27, $0x7;
	v27 =	vld [tilespmem:s31+$0x50];
	vm1 =	vlt.f32 v40, v32  }
0xd3: {  	v45 =	vmul.f32 $1.500000000e+01, v29;
	v57 =	vmul.f32 $1.500000000e+01, v28;
	v62 =	vsel vm1, $0x1, v2;
	[tilespmem:v54+s17+$0x0] =	vst.idx.add.f32.msk $0xffff, v38  }
0xd4: {  	v41 =	vadd.f32 $5.000000000e-01, v55;
	v63 =	vadd.s32 v26, v62;
	v26 =	vld [tilespmem:s21+$0x54]  }
0xd5: {  	v58 =	vadd.f32 $5.000000000e-01, v45;
	v60 =	vadd.f32 $5.000000000e-01, v57  }
0xd6: {  	v61 =	vtrunc.f32 v41;
	v33 =	vmul.f32 $1.500000000e+01, v31;
	v41 =	vor.u32 v1, v59  }
0xd7: {  	v40 =	vtrunc.f32 v58;
	v42 =	vtrunc.f32 v60  }
0xd8: {  	s22 =	simm.s32 $0x1200;
	v38 =	vcvt.f32.s32 v61;
	v39 =	vshll.u32 v63, $0x7;
	v36 =	vcvt.f32.s32 v42  }
.LBB2_8:
0xd9: {  	s6 =	sshra.s32 s22, $0x2;
	p0 =	sne.s32 s22, $0x13E00;
	s22 =	sadd.s32 $0x200, s22;
	v40 =	vcvt.f32.s32 v40;
	v42 =	vmul.f32 $1.500000000e+01, v27;
	v43 =	vmov v26  }
0xda: {  	v26 =	vcvt.s32.f32 v38;
	v44 =	vcvt.s32.f32 v36  }
0xdb: {  	[tilespmem:v41+s17+$0x0] =	vst.idx.add.f32.msk $0xffff, v34;
	v34 =	vcvt.s32.f32 v40;
	v41 =	vadd.f32 $5.000000000e-01, v42;
	v42 =	vmul.f32 $1.500000000e+01, v43  }
0xdc: {  	v45 =	vld [tilespmem:s14+$0x10];
	v26 =	vmul.f32 $6.666667010e-02, v26;
	v44 =	vmul.f32 $6.666667010e-02, v44  }
0xdd: {  	v46 =	vmul.f32 $6.666667010e-02, v34;
	v41 =	vtrunc.f32 v41;
	v42 =	vadd.f32 $5.000000000e-01, v42  }
0xde: {  	v34 =	vld [tilespmem:s6+$0x0];
	vm1 =	vlt.f32 v26, v35;
	vm2 =	vlt.f32 v44, v28;
	v26 =	vcvt.f32.s32 v41  }
0xdf: {  	v41 =	vsel vm1, $0x1, v2;
	vm1 =	vlt.f32 v46, v29;
	v42 =	vtrunc.f32 v42  }
0xe0: {  	v44 =	vor.u32 v3, v37;
	v37 =	vmovc v39;
	v38 =	vadd.s32 v38, v41;
	v41 =	vcvt.s32.f32 v26  }
0xe1: {  	v39 =	vsel vm1, $0x1, v2;
	v42 =	vcvt.f32.s32 v42;
	v38 =	vshll.u32 v38, $0x7  }
0xe2: {  	v39 =	vadd.s32 v40, v39;
	v38 =	vor.u32 v4, v38;
	v40 =	vmul.f32 $6.666667010e-02, v41  }
0xe3: {  	v39 =	vshll.u32 v39, $0x7;
	v46 =	vcvt.s32.f32 v42;
	v41 =	vmul.f32 $1.500000000e+01, v34  }
0xe4: {  	v47 =	vmul.f32 $1.500000000e+01, v45;
	v39 =	vor.u32 v5, v39;
	vm1 =	vlt.f32 v40, v27  }
0xe5: {  	v40 =	vadd.f32 $5.000000000e-01, v41;
	[tilespmem:v44+s17+$0x0] =	vst.idx.add.f32.msk $0xffff, v30;
	v41 =	vsel vm2, $0x1, v2;
	v44 =	vmul.f32 $6.666667010e-02, v46;
	v30 =	vmovc v32;
	v32 =	vmovc v45  }
0xe6: {  	v45 =	vadd.f32 $5.000000000e-01, v47;
	v46 =	vld [tilespmem:s1+$0x20];
	v36 =	vadd.s32 v36, v41  }
0xe7: {  	v40 =	vtrunc.f32 v40;
	[tilespmem:v38+s17+$0x0] =	vst.idx.add.f32.msk $0xffff, v35;
	v35 =	vshll.u32 v36, $0x7;
	v36 =	vsel vm1, $0x1, v2  }
0xe8: {  	v38 =	vcvt.f32.s32 v40;
	v40 =	vld [tilespmem:s0+$0x30];
	v41 =	vor.u32 v6, v35;
	v26 =	vadd.s32 v26, v36  }
0xe9: {  	v47 =	vtrunc.f32 v45;
	vm1 =	vlt.f32 v44, v43;
	[tilespmem:v39+s17+$0x0] =	vst.idx.add.f32.msk $0xffff, v29;
	v26 =	vshll.u32 v26, $0x7;
	v29 =	vmovc v31  }
0xea: {  	v39 =	vsel vm1, $0x1, v2;
	v49 =	vcvt.s32.f32 v38;
	v36 =	vld [tilespmem:s28+$0x40];
	v26 =	vor.u32 v7, v26  }
0xeb: {  	v44 =	vcvt.f32.s32 v47;
	v39 =	vadd.s32 v42, v39;
	v45 =	vmul.f32 $1.500000000e+01, v46;
	v35 =	vmovc v46  }
0xec: {  	v48 =	vshll.u32 v39, $0x7;
	v42 =	vmul.f32 $6.666667010e-02, v49  }
0xed: {  	v39 =	vcvt.s32.f32 v44;
	v47 =	vor.u32 v9, v48;
	v46 =	vmul.f32 $1.500000000e+01, v40;
	[tilespmem:v41+s17+$0x0] =	vst.idx.add.f32.msk $0xffff, v28;
	v31 =	vmovc v40  }
0xee: {  	v40 =	vadd.f32 $5.000000000e-01, v45;
	vm1 =	vlt.f32 v42, v34;
	v42 =	vld [tilespmem:s29+$0x50]  }
0xef: {  	v39 =	vmul.f32 $6.666667010e-02, v39;
	v41 =	vsel vm1, $0x1, v2;
	v45 =	vmul.f32 $1.500000000e+01, v36;
	[tilespmem:v26+s17+$0x0] =	vst.idx.add.f32.msk $0xffff, v27;
	v28 =	vmovc v36  }
.Ltmp5:
0xf0: {  	v36 =	vtrunc.f32 v40;
	v27 =	vadd.s32 v38, v41;
	v38 =	vadd.f32 $5.000000000e-01, v33;
	v26 =	vld [tilespmem:s31+$0x54];
	v33 =	vmovc v46;
	s31 =	smov.u32 s29;
	s29 =	smov.u32 s28;
	(pc) =	sbr.rel @p0 .LBB2_8-.Ltmp5, $4  }
0xf1: {  	vm1 =	vlt.f32 v39, v32;
	s28 =	smov.u32 s30;
	s30 =	smov.u32 s0;
	s0 =	smov.u32 s1;
	v46 =	vshll.u32 v27, $0x7;
	v39 =	vadd.f32 $5.000000000e-01, v45  }
0xf2: {  	s1 =	smov.u32 s12;
	s12 =	smov.u32 s14;
	s14 =	smov.u32 s6;
	v45 =	vsel vm1, $0x1, v2;
	v41 =	vor.u32 v1, v46;
	[tilespmem:v47+s17+$0x0] =	vst.idx.add.f32.msk vm0, v43  }
0xf3: {  	v43 =	vadd.s32 v44, v45;
	v40 =	vtrunc.f32 v38;
	v44 =	vtrunc.f32 v39;
	v27 =	vmovc v42  }
0xf4: {  	v38 =	vcvt.f32.s32 v36;
	v39 =	vshll.u32 v43, $0x7;
	v36 =	vcvt.f32.s32 v44  }
0xf5: {  	_ =	sdelay $0x3  }
0xf6: {  	[tilespmem:v41+s17+$0x0] =	vst.idx.add.f32.msk $0xffff, v34  }
0xf7: {  	v34 =	vld [tilespmem:s14+$0x10];
	_ =	sdelay $0x4  }
0xf8: {  	v62 =	vmul.f32 $1.500000000e+01, v34;
	_ =	sdelay $0x1  }
0xf9: {  	v37 =	vor.u32 v3, v37;
	v41 =	vadd.f32 $5.000000000e-01, v62;
	_ =	sdelay $0x1  }
0xfa: {  	v41 =	vtrunc.f32 v41  }
0xfb: {  	v41 =	vcvt.f32.s32 v41;
	_ =	sdelay $0x1  }
0xfc: {  	[tilespmem:v37+s17+$0x0] =	vst.idx.add.f32.msk $0xffff, v30;
	v42 =	vcvt.s32.f32 v41  }
0xfd: {  	v37 =	vld [tilespmem:s1+$0x20]  }
0xfe: {  	v42 =	vmul.f32 $6.666667010e-02, v42  }
0xff: {  	v39 =	vor.u32 v3, v39  }
0x100: {  	vm1 =	vlt.f32 v42, v34  }
0x101: {  	v42 =	vsel vm1, $0x1, v2  }
0x102: {  	v46 =	vmul.f32 $1.500000000e+01, v37;
	v41 =	vadd.s32 v41, v42  }
0x103: {  	v41 =	vshll.u32 v41, $0x7  }
0x104: {  	[tilespmem:v39+s17+$0x0] =	vst.idx.add.f32.msk $0xffff, v32;
	v30 =	vadd.f32 $5.000000000e-01, v46;
	v63 =	vor.u32 v3, v41  }
0x105: {  	v40 =	vcvt.f32.s32 v40;
	v39 =	vld [tilespmem:s12+$0x20]  }
0x106: {  	v44 =	vcvt.s32.f32 v38;
	v30 =	vtrunc.f32 v30  }
0x107: {  	v30 =	vcvt.f32.s32 v30  }
0x108: {  	v49 =	vcvt.s32.f32 v40;
	v45 =	vmul.f32 $6.666667010e-02, v44  }
0x109: {  	v43 =	vcvt.s32.f32 v30;
	[tilespmem:v63+s17+$0x0] =	vst.idx.add.f32.msk $0xffff, v34  }
0x10a: {  	v48 =	vmul.f32 $1.500000000e+01, v39;
	vm1 =	vlt.f32 v45, v35;
	v41 =	vmul.f32 $6.666667010e-02, v49;
	v32 =	vld [tilespmem:s14+$0x20]  }
0x10b: {  	v47 =	vsel vm1, $0x1, v2;
	v51 =	vmul.f32 $6.666667010e-02, v43  }
0x10c: {  	vm1 =	vlt.f32 v41, v29;
	v34 =	vadd.s32 v38, v47;
	v38 =	vadd.f32 $5.000000000e-01, v48  }
0x10d: {  	v52 =	vsel vm1, $0x1, v2;
	vm1 =	vlt.f32 v51, v37;
	v34 =	vshll.u32 v34, $0x7  }
0x10e: {  	v41 =	vsel vm1, $0x1, v2;
	v34 =	vor.u32 v4, v34;
	v38 =	vtrunc.f32 v38  }
0x10f: {  	v30 =	vadd.s32 v30, v41;
	v38 =	vcvt.f32.s32 v38;
	v50 =	vmul.f32 $1.500000000e+01, v32  }
0x110: {  	v30 =	vshll.u32 v30, $0x7  }
0x111: {  	v30 =	vor.u32 v4, v30;
	v53 =	vcvt.s32.f32 v38;
	v42 =	vadd.f32 $5.000000000e-01, v50;
	_ =	sdelay $0x1  }
0x112: {  	[tilespmem:v34+s17+$0x0] =	vst.idx.add.f32.msk $0xffff, v35;
	v34 =	vmul.f32 $6.666667010e-02, v53;
	v42 =	vtrunc.f32 v42  }
0x113: {  	v54 =	vcvt.f32.s32 v42  }
0x114: {  	vm1 =	vlt.f32 v34, v39  }
0x115: {  	v40 =	vadd.s32 v40, v52;
	[tilespmem:v30+s17+$0x0] =	vst.idx.add.f32.msk $0xffff, v37;
	v57 =	vsel vm1, $0x1, v2;
	v55 =	vcvt.s32.f32 v54  }
0x116: {  	v33 =	vadd.f32 $5.000000000e-01, v33;
	v40 =	vshll.u32 v40, $0x7;
	v42 =	vld [tilespmem:s0+$0x30];
	v38 =	vadd.s32 v38, v57  }
0x117: {  	v40 =	vor.u32 v5, v40;
	v41 =	vld [tilespmem:s1+$0x30];
	v59 =	vshll.u32 v38, $0x7;
	v56 =	vmul.f32 $6.666667010e-02, v55  }
0x118: {  	v33 =	vtrunc.f32 v33;
	v34 =	vor.u32 v4, v59  }
0x119: {  	v61 =	vmul.f32 $1.500000000e+01, v27;
	v33 =	vcvt.f32.s32 v33;
	vm1 =	vlt.f32 v56, v32  }
0x11a: {  	v63 =	vcvt.s32.f32 v36;
	v47 =	vmul.f32 $1.500000000e+01, v26;
	v60 =	vsel vm1, $0x1, v2  }
0x11b: {  	v48 =	vcvt.s32.f32 v33;
	v58 =	vmul.f32 $1.500000000e+01, v42;
	v35 =	vadd.s32 v54, v60  }
0x11c: {  	[tilespmem:v40+s17+$0x0] =	vst.idx.add.f32.msk $0xffff, v29;
	v37 =	vadd.f32 $5.000000000e-01, v47;
	v51 =	vmul.f32 $1.500000000e+01, v41;
	v35 =	vshll.u32 v35, $0x7  }
0x11d: {  	v29 =	vmul.f32 $6.666667010e-02, v48;
	v62 =	vadd.f32 $5.000000000e-01, v58;
	[tilespmem:v34+s17+$0x0] =	vst.idx.add.f32.msk $0xffff, v39;
	v45 =	vor.u32 v4, v35  }
0x11e: {  	v49 =	vmul.f32 $6.666667010e-02, v63;
	v37 =	vtrunc.f32 v37;
	v30 =	vadd.f32 $5.000000000e-01, v51;
	v39 =	vld [tilespmem:s12+$0x30]  }
0x11f: {  	vm2 =	vlt.f32 v29, v31;
	v29 =	vcvt.f32.s32 v37;
	v38 =	vtrunc.f32 v62  }
0x120: {  	v46 =	vadd.f32 $5.000000000e-01, v61;
	v37 =	vld [tilespmem:s28+$0x40];
	v30 =	vtrunc.f32 v30;
	v38 =	vcvt.f32.s32 v38  }
0x121: {  	vm1 =	vlt.f32 v49, v28;
	v30 =	vcvt.f32.s32 v30;
	v54 =	vsel vm2, $0x1, v2  }
0x122: {  	v44 =	vsel vm1, $0x1, v2;
	v33 =	vadd.s32 v33, v54;
	v50 =	vcvt.s32.f32 v38;
	[tilespmem:v45+s17+$0x0] =	vst.idx.add.f32.msk $0xffff, v32  }
0x123: {  	v59 =	vadd.s32 v36, v44;
	v35 =	vtrunc.f32 v46;
	v57 =	vmul.f32 $1.500000000e+01, v39;
	v34 =	vld [tilespmem:s14+$0x30]  }
0x124: {  	v55 =	vshll.u32 v33, $0x7;
	v46 =	vcvt.s32.f32 v30;
	v52 =	vmul.f32 $6.666667010e-02, v50  }
0x125: {  	v36 =	vshll.u32 v59, $0x7;
	v43 =	vadd.f32 $5.000000000e-01, v57;
	v45 =	vmul.f32 $1.500000000e+01, v37  }
0x126: {  	v36 =	vor.u32 v6, v36;
	v32 =	vor.u32 v5, v55;
	vm2 =	vlt.f32 v52, v42  }
0x127: {  	v56 =	vsel vm2, $0x1, v2;
	v43 =	vtrunc.f32 v43;
	v60 =	vadd.f32 $5.000000000e-01, v45  }
0x128: {  	v33 =	vadd.s32 v38, v56;
	v43 =	vcvt.f32.s32 v43;
	v58 =	vmul.f32 $1.500000000e+01, v34  }
0x129: {  	v61 =	vmul.f32 $6.666667010e-02, v46;
	v33 =	vshll.u32 v33, $0x7  }
0x12a: {  	v44 =	vtrunc.f32 v60;
	v63 =	vcvt.s32.f32 v43;
	v38 =	vadd.f32 $5.000000000e-01, v58  }
0x12b: {  	v35 =	vcvt.f32.s32 v35;
	[tilespmem:v36+s17+$0x0] =	vst.idx.add.f32.msk $0xffff, v28;
	v33 =	vor.u32 v5, v33;
	v44 =	vcvt.f32.s32 v44  }
0x12c: {  	vm1 =	vlt.f32 v61, v41;
	v28 =	vld [tilespmem:s29+$0x50];
	v45 =	vmul.f32 $6.666667010e-02, v63;
	v62 =	vtrunc.f32 v38  }
0x12d: {  	v53 =	vcvt.s32.f32 v35;
	[tilespmem:v32+s17+$0x0] =	vst.idx.add.f32.msk $0xffff, v31;
	v31 =	vsel vm1, $0x1, v2;
	v32 =	vcvt.f32.s32 v62  }
0x12e: {  	v30 =	vadd.s32 v30, v31;
	v51 =	vcvt.s32.f32 v44;
	vm1 =	vlt.f32 v45, v39;
	v38 =	vld [tilespmem:s30+$0x40]  }
0x12f: {  	v30 =	vshll.u32 v30, $0x7;
	v45 =	vsel vm1, $0x1, v2;
	v48 =	vcvt.s32.f32 v32  }
0x130: {  	v30 =	vor.u32 v5, v30;
	v55 =	vmul.f32 $6.666667010e-02, v51;
	[tilespmem:v33+s17+$0x0] =	vst.idx.add.f32.msk $0xffff, v42;
	v43 =	vadd.s32 v43, v45  }
0x131: {  	v40 =	vmul.f32 $6.666667010e-02, v53;
	v31 =	vld [tilespmem:s0+$0x40];
	v53 =	vshll.u32 v43, $0x7;
	v49 =	vmul.f32 $6.666667010e-02, v48  }
0x132: {  	vm2 =	vlt.f32 v55, v37;
	v62 =	vmul.f32 $1.500000000e+01, v28;
	v36 =	vor.u32 v5, v53  }
0x133: {  	v60 =	vsel vm2, $0x1, v2;
	v50 =	vmul.f32 $1.500000000e+01, v38;
	vm1 =	vlt.f32 v49, v34  }
0x134: {  	v42 =	vadd.s32 v44, v60;
	v54 =	vsel vm1, $0x1, v2  }
0x135: {  	[tilespmem:v30+s17+$0x0] =	vst.idx.add.f32.msk $0xffff, v41;
	v48 =	vadd.f32 $5.000000000e-01, v62;
	v52 =	vadd.f32 $5.000000000e-01, v50;
	v32 =	vadd.s32 v32, v54  }
0x136: {  	v56 =	vmul.f32 $1.500000000e+01, v31;
	vm1 =	vlt.f32 v40, v27;
	v40 =	vld [tilespmem:s1+$0x40];
	v32 =	vshll.u32 v32, $0x7  }
0x137: {  	v63 =	vshll.u32 v42, $0x7;
	[tilespmem:v36+s17+$0x0] =	vst.idx.add.f32.msk $0xffff, v39;
	v33 =	vtrunc.f32 v52;
	v57 =	vor.u32 v5, v32  }
0x138: {  	v41 =	vtrunc.f32 v48;
	v58 =	vadd.f32 $5.000000000e-01, v56;
	v42 =	vld [tilespmem:s12+$0x40];
	v33 =	vcvt.f32.s32 v33  }
0x139: {  	v36 =	vor.u32 v6, v63;
	v41 =	vcvt.f32.s32 v41  }
0x13a: {  	v32 =	vtrunc.f32 v58;
	v61 =	vcvt.s32.f32 v33  }
0x13b: {  	v59 =	vsel vm1, $0x1, v2;
	v56 =	vcvt.s32.f32 v41;
	v32 =	vcvt.f32.s32 v32  }
0x13c: {  	v35 =	vadd.s32 v35, v59;
	v50 =	vmul.f32 $1.500000000e+01, v40;
	v47 =	vmul.f32 $6.666667010e-02, v61;
	[tilespmem:v57+s17+$0x0] =	vst.idx.add.f32.msk $0xffff, v34  }
0x13d: {  	v35 =	vshll.u32 v35, $0x7;
	v49 =	vcvt.s32.f32 v32;
	v52 =	vmul.f32 $1.500000000e+01, v42;
	v39 =	vld [tilespmem:s14+$0x40]  }
0x13e: {  	v35 =	vor.u32 v7, v35;
	[tilespmem:v36+s17+$0x0] =	vst.idx.add.f32.msk $0xffff, v37;
	vm1 =	vlt.f32 v47, v38;
	v34 =	vadd.f32 $5.000000000e-01, v50  }
0x13f: {  	v43 =	vld [tilespmem:s28+$0x50];
	v30 =	vmul.f32 $6.666667010e-02, v49;
	v54 =	vadd.f32 $5.000000000e-01, v52;
	v51 =	vsel vm1, $0x1, v2  }
0x140: {  	v37 =	vmul.f32 $6.666667010e-02, v56;
	v33 =	vadd.s32 v33, v51;
	v53 =	vtrunc.f32 v34  }
0x141: {  	vm1 =	vlt.f32 v30, v31;
	v34 =	vtrunc.f32 v54;
	v30 =	vcvt.f32.s32 v53  }
0x142: {  	v33 =	vshll.u32 v33, $0x7;
	v57 =	vsel vm1, $0x1, v2;
	v55 =	vmul.f32 $1.500000000e+01, v39  }
0x143: {  	v33 =	vor.u32 v6, v33;
	v32 =	vadd.s32 v32, v57;
	v58 =	vcvt.s32.f32 v30  }
0x144: {  	v61 =	vmul.f32 $1.500000000e+01, v43;
	v32 =	vshll.u32 v32, $0x7;
	v36 =	vadd.f32 $5.000000000e-01, v55  }
0x145: {  	v34 =	vcvt.f32.s32 v34;
	v32 =	vor.u32 v6, v32;
	v59 =	vmul.f32 $6.666667010e-02, v58  }
0x146: {  	vm1 =	vlt.f32 v37, v28;
	v37 =	vadd.f32 $5.000000000e-01, v61;
	v36 =	vtrunc.f32 v36  }
0x147: {  	[tilespmem:v35+s17+$0x0] =	vst.idx.add.f32.msk $0xffff, v27;
	v60 =	vcvt.s32.f32 v34;
	vm2 =	vlt.f32 v59, v40;
	v36 =	vcvt.f32.s32 v36  }
0x148: {  	v49 =	vtrunc.f32 v37;
	[tilespmem:v33+s17+$0x0] =	vst.idx.add.f32.msk $0xffff, v38;
	v44 =	vsel vm2, $0x1, v2  }
0x149: {  	v33 =	vmul.f32 $6.666667010e-02, v60;
	v38 =	vld [tilespmem:s30+$0x50];
	v30 =	vadd.s32 v30, v44;
	v62 =	vcvt.s32.f32 v36  }
0x14a: {  	v52 =	vcvt.f32.s32 v49;
	[tilespmem:v32+s17+$0x0] =	vst.idx.add.f32.msk $0xffff, v31;
	v27 =	vshll.u32 v30, $0x7  }
0x14b: {  	vm2 =	vlt.f32 v33, v42;
	v35 =	vld [tilespmem:s0+$0x50];
	v50 =	vor.u32 v6, v27;
	v48 =	vmul.f32 $6.666667010e-02, v62  }
0x14c: {  	v45 =	vcvt.s32.f32 v29;
	v27 =	vsel vm2, $0x1, v2  }
0x14d: {  	v56 =	vcvt.s32.f32 v52;
	v34 =	vadd.s32 v34, v27;
	vm2 =	vlt.f32 v48, v39  }
0x14e: {  	v51 =	vmul.f32 $1.500000000e+01, v38;
	v53 =	vshll.u32 v34, $0x7;
	v54 =	vsel vm2, $0x1, v2  }
0x14f: {  	v37 =	vmul.f32 $6.666667010e-02, v56;
	v27 =	vld [tilespmem:s31+$0x54];
	v33 =	vor.u32 v6, v53;
	v34 =	vadd.s32 v36, v54  }
0x150: {  	v32 =	vadd.f32 $5.000000000e-01, v51;
	v59 =	vmul.f32 $1.500000000e+01, v35;
	[tilespmem:v50+s17+$0x0] =	vst.idx.add.f32.msk $0xffff, v40;
	v34 =	vshll.u32 v34, $0x7  }
0x151: {  	v63 =	vmul.f32 $6.666667010e-02, v45;
	v55 =	vsel vm1, $0x1, v2;
	v40 =	vld [tilespmem:s1+$0x50];
	v57 =	vor.u32 v6, v34  }
0x152: {  	vm1 =	vlt.f32 v37, v43;
	v32 =	vtrunc.f32 v32;
	v36 =	vadd.f32 $5.000000000e-01, v59  }
0x153: {  	v58 =	vadd.s32 v41, v55;
	v46 =	vsel vm1, $0x1, v2;
	v32 =	vcvt.f32.s32 v32  }
0x154: {  	v30 =	vadd.s32 v52, v46;
	v34 =	vshll.u32 v58, $0x7;
	[tilespmem:v33+s17+$0x0] =	vst.idx.add.f32.msk $0xffff, v42;
	v36 =	vtrunc.f32 v36  }
0x155: {  	v62 =	vcvt.s32.f32 v32;
	v34 =	vor.u32 v7, v34;
	v41 =	vld [tilespmem:s12+$0x50];
	v36 =	vcvt.f32.s32 v36  }
0x156: {  	v30 =	vshll.u32 v30, $0x7;
	v61 =	vmul.f32 $1.500000000e+01, v27;
	v47 =	vmul.f32 $1.500000000e+01, v40;
	[tilespmem:v57+s17+$0x0] =	vst.idx.add.f32.msk $0xffff, v39  }
0x157: {  	vm2 =	vlt.f32 v63, v26;
	v45 =	vmul.f32 $6.666667010e-02, v62;
	v48 =	vcvt.s32.f32 v36;
	v42 =	vld [tilespmem:s14+$0x50]  }
0x158: {  	v30 =	vor.u32 v7, v30;
	v60 =	vsel vm2, $0x1, v2;
	v49 =	vadd.f32 $5.000000000e-01, v47  }
0x159: {  	v63 =	vadd.f32 $5.000000000e-01, v61;
	vm1 =	vlt.f32 v45, v38;
	v31 =	vmul.f32 $6.666667010e-02, v48  }
0x15a: {  	v50 =	vsel vm1, $0x1, v2;
	v51 =	vmul.f32 $1.500000000e+01, v41;
	[tilespmem:v34+s17+$0x0] =	vst.idx.add.f32.msk $0xffff, v28;
	v37 =	vtrunc.f32 v49  }
0x15b: {  	v32 =	vadd.s32 v32, v50;
	v28 =	vld [tilespmem:s29+$0x54];
	vm1 =	vlt.f32 v31, v35;
	v52 =	vcvt.f32.s32 v37  }
0x15c: {  	v53 =	vadd.f32 $5.000000000e-01, v51;
	v32 =	vshll.u32 v32, $0x7;
	v54 =	vmul.f32 $1.500000000e+01, v42  }
0x15d: {  	v56 =	vsel vm1, $0x1, v2;
	v32 =	vor.u32 v7, v32;
	v55 =	vcvt.s32.f32 v52  }
0x15e: {  	v36 =	vadd.s32 v36, v56;
	v37 =	vtrunc.f32 v53;
	v39 =	vadd.f32 $5.000000000e-01, v54  }
0x15f: {  	[tilespmem:v30+s17+$0x0] =	vst.idx.add.f32.msk $0xffff, v43;
	v36 =	vshll.u32 v36, $0x7;
	v37 =	vcvt.f32.s32 v37;
	v31 =	vmul.f32 $6.666667010e-02, v55  }
0x160: {  	v59 =	vor.u32 v7, v36;
	v36 =	vld [tilespmem:s28+$0x54];
	v58 =	vmul.f32 $1.500000000e+01, v28;
	v39 =	vtrunc.f32 v39  }
0x161: {  	v29 =	vadd.s32 v29, v60;
	v57 =	vcvt.s32.f32 v37;
	v39 =	vcvt.f32.s32 v39  }
0x162: {  	v33 =	vtrunc.f32 v63;
	vm1 =	vlt.f32 v31, v40;
	v45 =	vadd.f32 $5.000000000e-01, v58  }
0x163: {  	v60 =	vmul.f32 $6.666667010e-02, v57;
	v63 =	vsel vm1, $0x1, v2;
	v61 =	vcvt.s32.f32 v39  }
0x164: {  	v33 =	vcvt.f32.s32 v33;
	[tilespmem:v32+s17+$0x0] =	vst.idx.add.f32.msk $0xffff, v38;
	v32 =	vadd.s32 v52, v63;
	v47 =	vtrunc.f32 v45  }
0x165: {  	v49 =	vmul.f32 $1.500000000e+01, v36;
	vm1 =	vlt.f32 v60, v41;
	v46 =	vmul.f32 $6.666667010e-02, v61  }
0x166: {  	v32 =	vshll.u32 v32, $0x7;
	v34 =	vcvt.f32.s32 v47;
	v48 =	vsel vm1, $0x1, v2  }
0x167: {  	v38 =	vld [tilespmem:s30+$0x54];
	v32 =	vor.u32 v7, v32;
	v37 =	vadd.s32 v37, v48;
	vm1 =	vlt.f32 v46, v42  }
0x168: {  	v31 =	vadd.f32 $5.000000000e-01, v49;
	v50 =	vshll.u32 v37, $0x7;
	v51 =	vsel vm1, $0x1, v2  }
0x169: {  	v62 =	vcvt.s32.f32 v33;
	[tilespmem:v59+s17+$0x0] =	vst.idx.add.f32.msk $0xffff, v35;
	v30 =	vor.u32 v7, v50;
	v35 =	vadd.s32 v39, v51  }
0x16a: {  	v54 =	vcvt.s32.f32 v34;
	v37 =	vld [tilespmem:s0+$0x54];
	v31 =	vtrunc.f32 v31;
	v35 =	vshll.u32 v35, $0x7  }
0x16b: {  	v53 =	vmul.f32 $6.666667010e-02, v62;
	v31 =	vcvt.f32.s32 v31;
	v35 =	vor.u32 v7, v35  }
0x16c: {  	v29 =	vshll.u32 v29, $0x7;
	v52 =	vmul.f32 $1.500000000e+01, v38;
	v55 =	vmul.f32 $6.666667010e-02, v54;
	[tilespmem:v32+s17+$0x0] =	vst.idx.add.f32.msk $0xffff, v40  }
0x16d: {  	v29 =	vor.u32 v9, v29;
	vm1 =	vlt.f32 v53, v27;
	v58 =	vcvt.s32.f32 v31;
	v40 =	vld [tilespmem:s1+$0x54]  }
0x16e: {  	v39 =	vadd.f32 $5.000000000e-01, v52;
	v43 =	vsel vm1, $0x1, v2;
	vm1 =	vlt.f32 v55, v28;
	[tilespmem:v30+s17+$0x0] =	vst.idx.add.f32.msk $0xffff, v41  }
0x16f: {  	v56 =	vmul.f32 $1.500000000e+01, v37;
	v57 =	vadd.s32 v33, v43;
	v60 =	vsel vm1, $0x1, v2;
	v41 =	vld [tilespmem:s12+$0x54]  }
0x170: {  	v33 =	vmul.f32 $6.666667010e-02, v58;
	v39 =	vtrunc.f32 v39;
	v30 =	vshll.u32 v57, $0x7;
	[tilespmem:v35+s17+$0x0] =	vst.idx.add.f32.msk $0xffff, v42  }
0x171: {  	v34 =	vadd.s32 v34, v60;
	v39 =	vcvt.f32.s32 v39;
	v59 =	vadd.f32 $5.000000000e-01, v56;
	v43 =	vld [tilespmem:s14+$0x54]  }
0x172: {  	v30 =	vor.u32 v9, v30;
	v34 =	vshll.u32 v34, $0x7;
	vm1 =	vlt.f32 v33, v36  }
0x173: {  	v48 =	vsel vm1, $0x1, v2;
	v34 =	vor.u32 v9, v34;
	v62 =	vmul.f32 $1.500000000e+01, v40  }
0x174: {  	v61 =	vcvt.s32.f32 v39;
	v32 =	vtrunc.f32 v59;
	v31 =	vadd.s32 v31, v48  }
0x175: {  	v32 =	vcvt.f32.s32 v32;
	v35 =	vadd.f32 $5.000000000e-01, v62;
	v50 =	vmul.f32 $1.500000000e+01, v41  }
0x176: {  	v31 =	vshll.u32 v31, $0x7;
	v63 =	vmul.f32 $6.666667010e-02, v61;
	v51 =	vmul.f32 $1.500000000e+01, v43  }
0x177: {  	v49 =	vcvt.s32.f32 v32;
	v35 =	vtrunc.f32 v35;
	v53 =	vadd.f32 $5.000000000e-01, v50  }
0x178: {  	v31 =	vor.u32 v9, v31;
	v52 =	vcvt.f32.s32 v35;
	v42 =	vadd.f32 $5.000000000e-01, v51  }
0x179: {  	vm1 =	vlt.f32 v63, v38;
	v44 =	vmul.f32 $6.666667010e-02, v49;
	v35 =	vtrunc.f32 v53  }
0x17a: {  	v54 =	vsel vm1, $0x1, v2;
	v35 =	vcvt.f32.s32 v35;
	v42 =	vtrunc.f32 v42  }
0x17b: {  	v39 =	vadd.s32 v39, v54;
	v55 =	vcvt.s32.f32 v52;
	v42 =	vcvt.f32.s32 v42  }
0x17c: {  	vm1 =	vlt.f32 v44, v37;
	v39 =	vshll.u32 v39, $0x7;
	v56 =	vcvt.s32.f32 v35  }
0x17d: {  	v44 =	vsel vm1, $0x1, v2;
	v45 =	vmul.f32 $6.666667010e-02, v55;
	v57 =	vcvt.s32.f32 v42  }
0x17e: {  	v39 =	vor.u32 v9, v39;
	v32 =	vadd.s32 v32, v44;
	v44 =	vmul.f32 $6.666667010e-02, v56  }
0x17f: {  	v32 =	vshll.u32 v32, $0x7;
	vm1 =	vlt.f32 v45, v40;
	v45 =	vmul.f32 $6.666667010e-02, v57  }
0x180: {  	v32 =	vor.u32 v9, v32;
	v58 =	vsel vm1, $0x1, v2;
	vm2 =	vlt.f32 v44, v41  }
0x181: {  	v33 =	vadd.s32 v52, v58;
	v59 =	vsel vm2, $0x1, v2;
	vm1 =	vlt.f32 v45, v43  }
0x182: {  	[tilespmem:v29+s17+$0x0] =	vst.idx.add.f32.msk vm0, v26;
	v26 =	vshll.u32 v33, $0x7;
	v60 =	vadd.s32 v35, v59;
	v61 =	vsel vm1, $0x1, v2  }
0x183: {  	[tilespmem:v30+s17+$0x0] =	vst.idx.add.f32.msk vm0, v27;
	v26 =	vor.u32 v9, v26;
	v27 =	vshll.u32 v60, $0x7;
	v62 =	vadd.s32 v42, v61  }
0x184: {  	[tilespmem:v34+s17+$0x0] =	vst.idx.add.f32.msk vm0, v28;
	v27 =	vor.u32 v9, v27;
	v63 =	vshll.u32 v62, $0x7  }
0x185: {  	[tilespmem:v31+s17+$0x0] =	vst.idx.add.f32.msk vm0, v36;
	v28 =	vor.u32 v9, v63  }
0x186: {  	[tilespmem:v39+s17+$0x0] =	vst.idx.add.f32.msk vm0, v38  }
0x187: {  	[tilespmem:v32+s17+$0x0] =	vst.idx.add.f32.msk vm0, v37  }
0x188: {  	[tilespmem:v26+s17+$0x0] =	vst.idx.add.f32.msk vm0, v40  }
0x189: {  	[tilespmem:v27+s17+$0x0] =	vst.idx.add.f32.msk vm0, v41  }
0x18a: {  	[tilespmem:v28+s17+$0x0] =	vst.idx.add.f32.msk vm0, v43  }
.LBB2_10:
0x18b: {  	s0 =	simm.s32 $0xA010  }
0x18c: {  	v29 =	vld [tilespmem:s0+$0x0];
	_ =	sdelay $0x1  }
0x18d: {  	s1 =	simm.s32 $0x10  }
0x18e: {  	v26 =	vmov s1  }
0x18f: {  	v26 =	vshll.u32 v26, $0x7  }
0x190: {  	v28 =	vld [tilespmem:s0+$0xFFFFFFF0];
	v26 =	vor.u32 v10, v26;
	v27 =	vand.u32 $0xFFFFFF80, v29  }
0x191: {  	v30 =	vand.u32 $0x7F, v29;
	v26 =	vadd.s32 v26, v27  }
0x192: {  	s21 =	simm.s32 $0x0;
	v26 =	vor.u32 v30, v26  }
0x193: {  	v27 =	vmov s21  }
0x194: {  	v27 =	vshll.u32 v27, $0x7  }
0x195: {  	v30 =	vand.u32 $0xFFFFFF80, v28;
	v27 =	vor.u32 v10, v27  }
0x196: {  	v31 =	vand.u32 $0x7F, v28;
	v27 =	vadd.s32 v27, v30  }
0x197: {  	v27 =	vor.u32 v31, v27;
	v30 =	vld.idx.msk [tilespmem:v26+s3+$0x0], $0xffff  }
0x198: {  	s22 =	simm.s32 $0xA030  }
0x199: {  	v26 =	vld [tilespmem:s22+$0x0];
	_ =	sdelay $0x1  }
0x19a: {  	s28 =	simm.s32 $0x30  }
0x19b: {  	v33 =	vld.idx.msk [tilespmem:v27+s3+$0x0], $0xffff;
	v27 =	vmov s28;
	v31 =	vmul.f32 $1.500000000e+01, v30  }
0x19c: {  	v27 =	vshll.u32 v27, $0x7  }
0x19d: {  	v34 =	vand.u32 $0xFFFFFF80, v26;
	v27 =	vor.u32 v10, v27;
	v31 =	vadd.f32 $5.000000000e-01, v31  }
0x19e: {  	v35 =	vand.u32 $0x7F, v26;
	v27 =	vadd.s32 v27, v34  }
0x19f: {  	s29 =	simm.s32 $0x20;
	v32 =	vld [tilespmem:s22+$0xFFFFFFF0];
	v27 =	vor.u32 v35, v27;
	v31 =	vtrunc.f32 v31  }
0x1a0: {  	v37 =	vmov s29;
	v31 =	vcvt.f32.s32 v31  }
0x1a1: {  	s30 =	simm.s32 $0xA050;
	s0 =	simm.s32 $0x50;
	v37 =	vshll.u32 v37, $0x7;
	v48 =	vmul.f32 $1.500000000e+01, v33  }
0x1a2: {  	v40 =	vld [tilespmem:s30+$0xFFFFFFF0];
	v55 =	vmov s0;
	v49 =	vshll.u32 v28, $0x4;
	v28 =	vcvt.s32.f32 v31  }
0x1a3: {  	v37 =	vor.u32 v10, v37;
	v57 =	vshll.u32 v55, $0x7;
	v34 =	vadd.f32 $5.000000000e-01, v48  }
0x1a4: {  	v38 =	vand.u32 $0xFFFFFF80, v32;
	v39 =	vand.u32 $0x7F, v32;
	v50 =	vld.idx.msk [tilespmem:v27+s3+$0x0], $0xffff;
	v28 =	vmul.f32 $6.666667010e-02, v28  }
0x1a5: {  	v53 =	vshll.u32 v29, $0x4;
	v37 =	vadd.s32 v37, v38;
	v34 =	vtrunc.f32 v34  }
0x1a6: {  	v34 =	vcvt.f32.s32 v34;
	vm1 =	vlt.f32 v28, v30;
	v30 =	vor.u32 v39, v37  }
0x1a7: {  	v60 =	vand.u32 $0xFFFFFF80, v40;
	v62 =	vand.u32 $0x7F, v40;
	v36 =	vor.u32 v1, v49  }
0x1a8: {  	v36 =	vand.u32 $0x7F, v36;
	v51 =	vcvt.s32.f32 v34;
	v27 =	vsel vm1, $0x1, v2  }
0x1a9: {  	v28 =	vshll.u32 v32, $0x4;
	v41 =	vmul.f32 $1.500000000e+01, v50;
	v31 =	vadd.s32 v31, v27;
	v27 =	vld [tilespmem:s30+$0x0]  }
0x1aa: {  	v39 =	vor.u32 v1, v53;
	v54 =	vmul.f32 $6.666667010e-02, v51;
	v31 =	vshll.u32 v31, $0xB  }
0x1ab: {  	v37 =	vor.u32 v10, v57;
	v56 =	vadd.f32 $5.000000000e-01, v41;
	v31 =	vadd.s32 v53, v31;
	v32 =	vld.idx.msk [tilespmem:v30+s3+$0x0], $0xffff  }
0x1ac: {  	s31 =	simm.s32 $0x40;
	vm1 =	vlt.f32 v54, v33;
	v31 =	vand.u32 $0xFFFFFF80, v31;
	v30 =	vand.u32 $0x7F, v39  }
0x1ad: {  	v33 =	vtrunc.f32 v56;
	v31 =	vor.u32 v30, v31;
	v30 =	vmov s31  }
0x1ae: {  	v42 =	vcvt.f32.s32 v33;
	v30 =	vshll.u32 v30, $0x7;
	v58 =	vand.u32 $0xFFFFFF80, v27  }
0x1af: {  	v59 =	vand.u32 $0x7F, v27;
	v37 =	vadd.s32 v37, v58;
	v30 =	vor.u32 v10, v30  }
0x1b0: {  	v37 =	vor.u32 v59, v37;
	v30 =	vadd.s32 v30, v60;
	v61 =	vmul.f32 $1.500000000e+01, v32  }
0x1b1: {  	v63 =	vcvt.s32.f32 v42;
	v41 =	vor.u32 v62, v30;
	v30 =	vsel vm1, $0x1, v2  }
0x1b2: {  	v52 =	vor.u32 v1, v28;
	v34 =	vadd.s32 v34, v30;
	v33 =	vadd.f32 $5.000000000e-01, v61  }
0x1b3: {  	v29 =	vand.u32 $0x7F, v52;
	v39 =	vmul.f32 $6.666667010e-02, v63;
	v34 =	vshll.u32 v34, $0xB  }
0x1b4: {  	v30 =	vshll.u32 v40, $0x4;
	[tilespmem:v31+s18+$0x0] =	vst.idx.add.f32.msk $0xffff, v11;
	v31 =	vadd.s32 v49, v34;
	v33 =	vtrunc.f32 v33  }
0x1b5: {  	vm1 =	vlt.f32 v39, v50;
	v35 =	vld.idx.msk [tilespmem:v37+s3+$0x0], $0xffff;
	v34 =	vand.u32 $0xFFFFFF80, v31;
	v33 =	vcvt.f32.s32 v33  }
0x1b6: {  	v40 =	vor.u32 v1, v30;
	v38 =	vsel vm1, $0x1, v2;
	v34 =	vor.u32 v36, v34  }
0x1b7: {  	s6 =	simm.s32 $0xA070;
	s1 =	simm.s32 $0x4;
	v31 =	vand.u32 $0x7F, v40;
	v38 =	vadd.s32 v42, v38;
	v36 =	vld.idx.msk [tilespmem:v41+s3+$0x0], $0xffff;
	v37 =	vcvt.s32.f32 v33  }
.LBB2_11:
0x1b8: {  	s1 =	sadd.s32 $0x2, s1;
	v38 =	vshll.u32 v38, $0xB;
	v39 =	vshll.u32 v26, $0x4;
	v26 =	vmov v27;
	v27 =	vld [tilespmem:s6+$0x0]  }
0x1b9: {  	v40 =	vld [tilespmem:s6+$0xFFFFFFF0];
	p0 =	slt.u32 s1, $0x8;
	v37 =	vmul.f32 $6.666667010e-02, v37;
	v38 =	vadd.s32 v39, v38;
	v39 =	vor.u32 v1, v39  }
0x1ba: {  	s0 =	sadd.s32 $0x20, s0;
	v41 =	vmul.f32 $1.500000000e+01, v35;
	v42 =	vmovc v35;
	v38 =	vand.u32 $0xFFFFFF80, v38;
	v39 =	vand.u32 $0x7F, v39  }
0x1bb: {  	s12 =	sadd.s32 $0xFFFFFFF0, s0;
	v35 =	vmov s0;
	vm1 =	vlt.f32 v37, v32;
	v37 =	vor.u32 v39, v38;
	[tilespmem:v34+s18+$0x0] =	vst.idx.add.f32.msk $0xffff, v11  }
0x1bc: {  	v43 =	vmov s12;
	v34 =	vshll.u32 v35, $0x7;
	v35 =	vadd.f32 $5.000000000e-01, v41  }
0x1bd: {  	v38 =	vshll.u32 v43, $0x7;
	v34 =	vor.u32 v10, v34;
	v32 =	vmovc v36;
	v39 =	vand.u32 $0xFFFFFF80, v27  }
0x1be: {  	v36 =	vand.u32 $0x7F, v27;
	v35 =	vtrunc.f32 v35;
	v34 =	vadd.s32 v34, v39  }
0x1bf: {  	v39 =	vand.u32 $0xFFFFFF80, v40;
	v41 =	vcvt.f32.s32 v35;
	v34 =	vor.u32 v36, v34  }
0x1c0: {  	v35 =	vand.u32 $0x7F, v40;
	v36 =	vor.u32 v10, v38;
	v38 =	vmul.f32 $1.500000000e+01, v32;
	[tilespmem:v37+s18+$0x0] =	vst.idx.add.f32.msk $0xffff, v11  }
0x1c1: {  	v36 =	vadd.s32 v36, v39;
	v37 =	vcvt.s32.f32 v41;
	v39 =	vsel vm1, $0x1, v2  }
0x1c2: {  	v36 =	vor.u32 v35, v36;
	v38 =	vadd.f32 $5.000000000e-01, v38;
	v33 =	vadd.s32 v33, v39  }
.Ltmp6:
0x1c3: {  	v39 =	vshll.u32 v40, $0x4;
	v37 =	vmul.f32 $6.666667010e-02, v37;
	v33 =	vshll.u32 v33, $0xB;
	(pc) =	sbr.rel @p0 .LBB2_11-.Ltmp6, $4  }
0x1c4: {  	v40 =	vor.u32 v1, v39;
	v35 =	vld.idx.msk [tilespmem:v34+s3+$0x0], $0xffff;
	v34 =	vtrunc.f32 v38;
	v38 =	vadd.s32 v28, v33;
	v28 =	vmovc v30  }
0x1c5: {  	vm1 =	vlt.f32 v37, v42;
	v30 =	vmovc v39;
	v33 =	vcvt.f32.s32 v34;
	v34 =	vand.u32 $0xFFFFFF80, v38  }
0x1c6: {  	v38 =	vsel vm1, $0x1, v2;
	v34 =	vor.u32 v29, v34;
	v29 =	vmovc v31;
	v31 =	vand.u32 $0x7F, v40  }
0x1c7: {  	s6 =	sadd.s32 $0x20, s6;
	v38 =	vadd.s32 v41, v38;
	v36 =	vld.idx.msk [tilespmem:v36+s3+$0x0], $0xffff;
	v37 =	vcvt.s32.f32 v33  }
0x1c8: {  	_ =	sdelay $0x2  }
0x1c9: {  	v39 =	vmul.f32 $1.500000000e+01, v35  }
0x1ca: {  	v40 =	vmul.f32 $1.500000000e+01, v36  }
0x1cb: {  	v39 =	vadd.f32 $5.000000000e-01, v39  }
0x1cc: {  	v40 =	vadd.f32 $5.000000000e-01, v40  }
0x1cd: {  	v39 =	vtrunc.f32 v39  }
0x1ce: {  	v38 =	vshll.u32 v38, $0xB;
	v39 =	vcvt.f32.s32 v39;
	v40 =	vtrunc.f32 v40  }
0x1cf: {  	v26 =	vshll.u32 v26, $0x4;
	v37 =	vmul.f32 $6.666667010e-02, v37;
	v56 =	vcvt.f32.s32 v40  }
0x1d0: {  	v27 =	vshll.u32 v27, $0x4;
	v38 =	vadd.s32 v26, v38;
	v57 =	vcvt.s32.f32 v39  }
0x1d1: {  	v26 =	vor.u32 v1, v26;
	vm1 =	vlt.f32 v37, v32;
	v59 =	vcvt.s32.f32 v56  }
0x1d2: {  	v38 =	vand.u32 $0xFFFFFF80, v38;
	v58 =	vsel vm1, $0x1, v2;
	v37 =	vmul.f32 $6.666667010e-02, v57  }
0x1d3: {  	v26 =	vand.u32 $0x7F, v26;
	v33 =	vadd.s32 v33, v58;
	v40 =	vmul.f32 $6.666667010e-02, v59  }
0x1d4: {  	v26 =	vor.u32 v26, v38;
	v33 =	vshll.u32 v33, $0xB;
	vm1 =	vlt.f32 v37, v35  }
0x1d5: {  	v28 =	vadd.s32 v28, v33;
	v60 =	vsel vm1, $0x1, v2;
	vm1 =	vlt.f32 v40, v36  }
0x1d6: {  	v28 =	vand.u32 $0xFFFFFF80, v28;
	v61 =	vadd.s32 v39, v60;
	v62 =	vsel vm1, $0x1, v2  }
0x1d7: {  	v28 =	vor.u32 v29, v28;
	v29 =	vshll.u32 v61, $0xB;
	v32 =	vadd.s32 v56, v62  }
0x1d8: {  	v29 =	vadd.s32 v27, v29;
	v27 =	vor.u32 v1, v27;
	v32 =	vshll.u32 v32, $0xB  }
0x1d9: {  	v29 =	vand.u32 $0xFFFFFF80, v29;
	v27 =	vand.u32 $0x7F, v27;
	v30 =	vadd.s32 v30, v32  }
0x1da: {  	v27 =	vor.u32 v27, v29;
	v63 =	vand.u32 $0xFFFFFF80, v30  }
0x1db: {  	v29 =	vor.u32 v31, v63  }
0x1dc: {  	[tilespmem:v34+s18+$0x0] =	vst.idx.add.f32.msk $0xffff, v11;
	p0 =	sgt.u32 s26, $0x230  }
0x1dd: {  	s0 =	sadd.s32 @!p0 $0x40, s26;
	[tilespmem:v26+s18+$0x0] =	vst.idx.add.f32.msk $0xffff, v11  }
0x1de: {  	s1 =	smul.u32 @!p0 $0xA00, s0;
	[tilespmem:v28+s18+$0x0] =	vst.idx.add.f32.msk $0xffff, v11  }
0x1df: {  	[tilespmem:v27+s18+$0x0] =	vst.idx.add.f32.msk $0xffff, v11  }
0x1e0: {  	s6 =	simm.s32 @!p0 $0x0;
	s0 =	smul.u32 @!p0 $0x14, s0;
	s1 =	sadd.s32 @!p0 s5, s1;
	[tilespmem:v29+s18+$0x0] =	vst.idx.add.f32.msk $0xffff, v11  }
0x1e1: {  	[tilespmem:s6], [sflag:$0x1] =	stream.linear.gather @!p0 [hbm4b:s1+s6], $0x5000, $0x38;
	[tilespmem:$0x12A00] =	vst v63  }
0x1e2: {  	s28 =	sor.u32 $0x20, s26;
	s0 =	sadd.s32 @!p0 s2, s0;
	s1 =	simm.s32 @!p0 $0xA000  }
0x1e3: {  	[tilespmem:s1], [sflag:$0x3] =	stream.linear.gather @!p0 [hbm4b:s0+s6], $0xA0, $0x38;
	[tilespmem:$0x12A00] =	vst v63  }
0x1e4: {  	p0 =	sgt.u32 s28, $0x270  }
.Ltmp7:
0x1e5: {  	_ = 	snop;
	(pc) =	sbr.rel @p0 .LBB2_20-.Ltmp7, $1  }
0x1e6: {  	_ =	sdelay $0x3  }
0x1e7: {  	_ =	swait.ge [sflag:s19], $0x5000;
	p0 =	slt.u32 s28, $0x12C  }
.Ltmp8:
0x1e8: {  	[sflag:s19] =	ssyncset.done $0x0;
	(pc) =	sbr.rel @p0 .LBB2_17-.Ltmp8, $4  }
0x1e9: {  	[sflag:s19] =	ssyncadd.s32 $0xFFFFB000  }
0x1ea: {  	_ =	swait.ge [sflag:s20], $0xA0  }
0x1eb: {  	[sflag:s20] =	ssyncset.done $0x0  }
0x1ec: {  	[sflag:s20] =	ssyncadd.s32 $0xFFFFFF60  }
0x1ed: {  	s22 =	simm.s32 $0x0  }
0x1ee: {  	v26 =	vld [tilespmem:s22+$0x5000];
	_ =	sdelay $0x4  }
0x1ef: {  	v27 =	vmul.f32 $1.500000000e+01, v26;
	_ =	sdelay $0x1  }
0x1f0: {  	v27 =	vadd.f32 $5.000000000e-01, v27;
	_ =	sdelay $0x1  }
0x1f1: {  	v27 =	vtrunc.f32 v27  }
0x1f2: {  	v27 =	vcvt.f32.s32 v27;
	_ =	sdelay $0x1  }
0x1f3: {  	v28 =	vcvt.s32.f32 v27;
	_ =	sdelay $0x1  }
0x1f4: {  	v28 =	vmul.f32 $6.666667010e-02, v28;
	_ =	sdelay $0x1  }
0x1f5: {  	vm1 =	vlt.f32 v28, v26  }
0x1f6: {  	v28 =	vsel vm1, $0x1, v2  }
0x1f7: {  	v27 =	vadd.s32 v27, v28  }
0x1f8: {  	s0 =	simm.s32 $0x80;
	v27 =	vshll.u32 v27, $0x7  }
0x1f9: {  	v28 =	vld [tilespmem:s0+$0x5000];
	v27 =	vor.u32 v1, v27;
	_ =	sdelay $0x4  }
0x1fa: {  	[tilespmem:v27+s17+$0x0] =	vst.idx.add.f32.msk $0xffff, v26;
	v27 =	vmul.f32 $1.500000000e+01, v28  }
0x1fb: {  	v26 =	vld [tilespmem:s22+$0x5010]  }
0x1fc: {  	v27 =	vadd.f32 $5.000000000e-01, v27;
	_ =	sdelay $0x1  }
0x1fd: {  	v27 =	vtrunc.f32 v27  }
0x1fe: {  	v27 =	vcvt.f32.s32 v27  }
0x1ff: {  	v29 =	vmul.f32 $1.500000000e+01, v26  }
0x200: {  	v30 =	vcvt.s32.f32 v27  }
0x201: {  	v29 =	vadd.f32 $5.000000000e-01, v29  }
0x202: {  	v30 =	vmul.f32 $6.666667010e-02, v30  }
0x203: {  	v29 =	vtrunc.f32 v29  }
0x204: {  	s30 =	simm.s32 $0x100;
	v29 =	vcvt.f32.s32 v29;
	vm1 =	vlt.f32 v30, v28  }
0x205: {  	v30 =	vld [tilespmem:s30+$0x5000];
	v32 =	vsel vm1, $0x1, v2  }
0x206: {  	v31 =	vcvt.s32.f32 v29;
	v27 =	vadd.s32 v27, v32  }
0x207: {  	v27 =	vshll.u32 v27, $0x7  }
0x208: {  	v31 =	vmul.f32 $6.666667010e-02, v31;
	v27 =	vor.u32 v1, v27;
	_ =	sdelay $0x1  }
0x209: {  	v54 =	vmul.f32 $1.500000000e+01, v30;
	vm1 =	vlt.f32 v31, v26  }
0x20a: {  	s29 =	simm.s32 $0x180;
	v31 =	vsel vm1, $0x1, v2  }
0x20b: {  	v55 =	vld [tilespmem:s29+$0x5000];
	v29 =	vadd.s32 v29, v31;
	v31 =	vadd.f32 $5.000000000e-01, v54  }
0x20c: {  	v29 =	vshll.u32 v29, $0x7;
	[tilespmem:v27+s17+$0x0] =	vst.idx.add.f32.msk $0xffff, v28  }
0x20d: {  	v29 =	vor.u32 v3, v29;
	v27 =	vtrunc.f32 v31;
	v28 =	vld [tilespmem:s0+$0x5010]  }
0x20e: {  	v27 =	vcvt.f32.s32 v27;
	_ =	sdelay $0x1  }
0x20f: {  	v31 =	vcvt.s32.f32 v27  }
0x210: {  	v33 =	vmul.f32 $1.500000000e+01, v55  }
0x211: {  	[tilespmem:v29+s17+$0x0] =	vst.idx.add.f32.msk $0xffff, v26;
	v26 =	vmul.f32 $6.666667010e-02, v31;
	v31 =	vmul.f32 $1.500000000e+01, v28  }
0x212: {  	v33 =	vadd.f32 $5.000000000e-01, v33;
	v29 =	vld [tilespmem:s22+$0x5020]  }
0x213: {  	vm1 =	vlt.f32 v26, v30;
	v26 =	vadd.f32 $5.000000000e-01, v31  }
0x214: {  	v33 =	vtrunc.f32 v33;
	v31 =	vsel vm1, $0x1, v2  }
0x215: {  	v27 =	vadd.s32 v27, v31;
	v31 =	vcvt.f32.s32 v33;
	v26 =	vtrunc.f32 v26  }
0x216: {  	v27 =	vshll.u32 v27, $0x7;
	v26 =	vcvt.f32.s32 v26  }
0x217: {  	v56 =	vmul.f32 $1.500000000e+01, v29;
	v27 =	vor.u32 v1, v27;
	v34 =	vcvt.s32.f32 v31;
	_ =	sdelay $0x1  }
0x218: {  	s31 =	simm.s32 $0x200;
	v35 =	vcvt.s32.f32 v26;
	v33 =	vadd.f32 $5.000000000e-01, v56;
	v34 =	vmul.f32 $6.666667010e-02, v34  }
0x219: {  	v36 =	vld [tilespmem:s31+$0x5000]  }
0x21a: {  	v35 =	vmul.f32 $6.666667010e-02, v35;
	v33 =	vtrunc.f32 v33;
	vm1 =	vlt.f32 v34, v55  }
0x21b: {  	v33 =	vcvt.f32.s32 v33;
	[tilespmem:v27+s17+$0x0] =	vst.idx.add.f32.msk $0xffff, v30;
	v27 =	vsel vm1, $0x1, v2  }
0x21c: {  	vm1 =	vlt.f32 v35, v28;
	v27 =	vadd.s32 v31, v27  }
0x21d: {  	v30 =	vld [tilespmem:s30+$0x5010];
	v57 =	vsel vm1, $0x1, v2;
	v31 =	vcvt.s32.f32 v33;
	v27 =	vshll.u32 v27, $0x7  }
0x21e: {  	v58 =	vmul.f32 $1.500000000e+01, v36;
	v26 =	vadd.s32 v26, v57;
	v27 =	vor.u32 v1, v27  }
0x21f: {  	v26 =	vshll.u32 v26, $0x7;
	v31 =	vmul.f32 $6.666667010e-02, v31  }
0x220: {  	v59 =	vadd.f32 $5.000000000e-01, v58;
	v26 =	vor.u32 v3, v26  }
0x221: {  	vm1 =	vlt.f32 v31, v29  }
0x222: {  	v34 =	vtrunc.f32 v59;
	v31 =	vmul.f32 $1.500000000e+01, v30;
	v60 =	vsel vm1, $0x1, v2  }
0x223: {  	v34 =	vcvt.f32.s32 v34;
	v33 =	vadd.s32 v33, v60;
	[tilespmem:v27+s17+$0x0] =	vst.idx.add.f32.msk $0xffff, v55  }
0x224: {  	v31 =	vadd.f32 $5.000000000e-01, v31;
	v27 =	vshll.u32 v33, $0x7;
	v32 =	vld [tilespmem:s29+$0x5010]  }
0x225: {  	v61 =	vcvt.s32.f32 v34;
	[tilespmem:v26+s17+$0x0] =	vst.idx.add.f32.msk $0xffff, v28;
	v27 =	vor.u32 v4, v27  }
0x226: {  	v31 =	vtrunc.f32 v31;
	v28 =	vld [tilespmem:s0+$0x5020]  }
0x227: {  	v26 =	vcvt.f32.s32 v31;
	v31 =	vmul.f32 $6.666667010e-02, v61;
	_ =	sdelay $0x1  }
0x228: {  	v62 =	vcvt.s32.f32 v26;
	vm1 =	vlt.f32 v31, v36  }
0x229: {  	v31 =	vmul.f32 $1.500000000e+01, v32;
	[tilespmem:v27+s17+$0x0] =	vst.idx.add.f32.msk $0xffff, v29;
	v27 =	vsel vm1, $0x1, v2  }
0x22a: {  	v29 =	vmul.f32 $6.666667010e-02, v62;
	v41 =	vmul.f32 $1.500000000e+01, v28;
	v63 =	vld [tilespmem:s22+$0x5030];
	v27 =	vadd.s32 v34, v27  }
0x22b: {  	s1 =	simm.s32 $0x280;
	v31 =	vadd.f32 $5.000000000e-01, v31;
	v27 =	vshll.u32 v27, $0x7  }
0x22c: {  	vm1 =	vlt.f32 v29, v30;
	v29 =	vld [tilespmem:s1+$0x5000];
	v34 =	vadd.f32 $5.000000000e-01, v41;
	v27 =	vor.u32 v1, v27  }
0x22d: {  	v42 =	vsel vm1, $0x1, v2;
	v31 =	vtrunc.f32 v31  }
0x22e: {  	v26 =	vadd.s32 v26, v42;
	v31 =	vcvt.f32.s32 v31;
	v34 =	vtrunc.f32 v34  }
0x22f: {  	v26 =	vshll.u32 v26, $0x7;
	v34 =	vcvt.f32.s32 v34;
	v43 =	vmul.f32 $1.500000000e+01, v63  }
0x230: {  	v37 =	vcvt.s32.f32 v31;
	v26 =	vor.u32 v3, v26  }
0x231: {  	v45 =	vcvt.s32.f32 v34;
	[tilespmem:v27+s17+$0x0] =	vst.idx.add.f32.msk $0xffff, v36;
	v27 =	vmul.f32 $1.500000000e+01, v29;
	v35 =	vadd.f32 $5.000000000e-01, v43  }
0x232: {  	v44 =	vmul.f32 $6.666667010e-02, v37;
	v38 =	vld [tilespmem:s31+$0x5010]  }
0x233: {  	v46 =	vmul.f32 $6.666667010e-02, v45;
	v27 =	vadd.f32 $5.000000000e-01, v27;
	v35 =	vtrunc.f32 v35  }
0x234: {  	vm1 =	vlt.f32 v44, v32;
	v35 =	vcvt.f32.s32 v35  }
0x235: {  	v47 =	vsel vm1, $0x1, v2;
	[tilespmem:v26+s17+$0x0] =	vst.idx.add.f32.msk $0xffff, v30;
	vm1 =	vlt.f32 v46, v28;
	v26 =	vtrunc.f32 v27  }
0x236: {  	s12 =	simm.s32 $0x300;
	v27 =	vld [tilespmem:s30+$0x5020];
	v36 =	vsel vm1, $0x1, v2;
	v26 =	vcvt.f32.s32 v26;
	v30 =	vcvt.s32.f32 v35  }
0x237: {  	v39 =	vld [tilespmem:s12+$0x5000];
	v31 =	vadd.s32 v31, v47;
	v34 =	vadd.s32 v34, v36;
	v48 =	vmul.f32 $1.500000000e+01, v38  }
0x238: {  	v31 =	vshll.u32 v31, $0x7;
	v49 =	vcvt.s32.f32 v26;
	v30 =	vmul.f32 $6.666667010e-02, v30  }
0x239: {  	v34 =	vshll.u32 v34, $0x7;
	v31 =	vor.u32 v3, v31  }
0x23a: {  	v37 =	vadd.f32 $5.000000000e-01, v48;
	v36 =	vmul.f32 $6.666667010e-02, v49;
	vm1 =	vlt.f32 v30, v63  }
0x23b: {  	v30 =	vor.u32 v4, v34;
	v50 =	vmul.f32 $1.500000000e+01, v27;
	v40 =	vsel vm1, $0x1, v2  }
0x23c: {  	v53 =	vmul.f32 $1.500000000e+01, v39;
	v37 =	vtrunc.f32 v37;
	v35 =	vadd.s32 v35, v40  }
0x23d: {  	vm1 =	vlt.f32 v36, v29;
	v34 =	vadd.f32 $5.000000000e-01, v50;
	v35 =	vshll.u32 v35, $0x7  }
0x23e: {  	v51 =	vcvt.f32.s32 v37;
	[tilespmem:v31+s17+$0x0] =	vst.idx.add.f32.msk $0xffff, v32;
	v52 =	vsel vm1, $0x1, v2;
	v35 =	vor.u32 v5, v35  }
0x23f: {  	v37 =	vadd.f32 $5.000000000e-01, v53;
	v57 =	vld [tilespmem:s29+$0x5020];
	v26 =	vadd.s32 v26, v52;
	v34 =	vtrunc.f32 v34  }
0x240: {  	[tilespmem:v30+s17+$0x0] =	vst.idx.add.f32.msk $0xffff, v28;
	v26 =	vshll.u32 v26, $0x7;
	v28 =	vcvt.f32.s32 v34  }
0x241: {  	v31 =	vtrunc.f32 v37;
	v26 =	vor.u32 v1, v26  }
0x242: {  	v30 =	vcvt.s32.f32 v51;
	v54 =	vld [tilespmem:s0+$0x5030];
	v55 =	vcvt.s32.f32 v28  }
0x243: {  	v31 =	vcvt.f32.s32 v31;
	[tilespmem:v35+s17+$0x0] =	vst.idx.add.f32.msk $0xffff, v63  }
0x244: {  	v30 =	vmul.f32 $6.666667010e-02, v30;
	v56 =	vmul.f32 $6.666667010e-02, v55;
	v33 =	vld [tilespmem:s22+$0x5040]  }
0x245: {  	v61 =	vmul.f32 $1.500000000e+01, v57  }
0x246: {  	vm1 =	vlt.f32 v30, v38;
	[tilespmem:v26+s17+$0x0] =	vst.idx.add.f32.msk $0xffff, v29;
	vm2 =	vlt.f32 v56, v27;
	v29 =	vcvt.s32.f32 v31  }
0x247: {  	v58 =	vsel vm1, $0x1, v2;
	v30 =	vmul.f32 $1.500000000e+01, v54;
	v26 =	vld [tilespmem:s1+$0x5010];
	v59 =	vsel vm2, $0x1, v2  }
0x248: {  	v32 =	vadd.s32 v51, v58;
	v28 =	vadd.s32 v28, v59;
	v29 =	vmul.f32 $6.666667010e-02, v29  }
0x249: {  	v30 =	vadd.f32 $5.000000000e-01, v30;
	v28 =	vshll.u32 v28, $0x7;
	v60 =	vmul.f32 $1.500000000e+01, v33  }
0x24a: {  	v32 =	vshll.u32 v32, $0x7;
	v28 =	vor.u32 v4, v28;
	vm1 =	vlt.f32 v29, v39  }
0x24b: {  	v30 =	vtrunc.f32 v30;
	v29 =	vsel vm1, $0x1, v2;
	v36 =	vadd.f32 $5.000000000e-01, v60  }
0x24c: {  	v62 =	vmul.f32 $1.500000000e+01, v26;
	v29 =	vadd.s32 v31, v29;
	v31 =	vcvt.f32.s32 v30  }
0x24d: {  	v30 =	vadd.f32 $5.000000000e-01, v61;
	v29 =	vshll.u32 v29, $0x7;
	v36 =	vtrunc.f32 v36  }
0x24e: {  	s14 =	simm.s32 $0x380;
	v29 =	vor.u32 v1, v29;
	v63 =	vcvt.s32.f32 v31;
	v36 =	vcvt.f32.s32 v36  }
0x24f: {  	v41 =	vld [tilespmem:s14+$0x5000];
	v32 =	vor.u32 v3, v32;
	v30 =	vtrunc.f32 v30  }
0x250: {  	v40 =	vadd.f32 $5.000000000e-01, v62;
	v37 =	vmul.f32 $6.666667010e-02, v63;
	v42 =	vcvt.s32.f32 v36  }
0x251: {  	v43 =	vcvt.f32.s32 v30  }
0x252: {  	[tilespmem:v28+s17+$0x0] =	vst.idx.add.f32.msk $0xffff, v27;
	v27 =	vtrunc.f32 v40;
	vm1 =	vlt.f32 v37, v54;
	v28 =	vmul.f32 $6.666667010e-02, v42  }
0x253: {  	v27 =	vcvt.f32.s32 v27;
	v40 =	vcvt.s32.f32 v43;
	[tilespmem:v29+s17+$0x0] =	vst.idx.add.f32.msk $0xffff, v39;
	v29 =	vsel vm1, $0x1, v2  }
0x254: {  	[tilespmem:v32+s17+$0x0] =	vst.idx.add.f32.msk $0xffff, v38;
	vm1 =	vlt.f32 v28, v33;
	v28 =	vadd.s32 v31, v29;
	v29 =	vmul.f32 $1.500000000e+01, v41  }
0x255: {  	v37 =	vld [tilespmem:s31+$0x5020];
	v31 =	vmul.f32 $6.666667010e-02, v40;
	v28 =	vshll.u32 v28, $0x7;
	v42 =	vsel vm1, $0x1, v2  }
0x256: {  	v28 =	vor.u32 v5, v28;
	v29 =	vadd.f32 $5.000000000e-01, v29;
	v32 =	vadd.s32 v36, v42  }
0x257: {  	v44 =	vcvt.s32.f32 v27;
	v30 =	vld [tilespmem:s12+$0x5010];
	v32 =	vshll.u32 v32, $0x7  }
0x258: {  	vm1 =	vlt.f32 v31, v57;
	v29 =	vtrunc.f32 v29;
	v31 =	vor.u32 v6, v32  }
0x259: {  	v38 =	vmul.f32 $6.666667010e-02, v44;
	v36 =	vld [tilespmem:s30+$0x5030];
	v29 =	vcvt.f32.s32 v29  }
0x25a: {  	v47 =	vmul.f32 $1.500000000e+01, v37  }
0x25b: {  	v45 =	vsel vm1, $0x1, v2;
	vm1 =	vlt.f32 v38, v26;
	[tilespmem:v28+s17+$0x0] =	vst.idx.add.f32.msk $0xffff, v54;
	v28 =	vcvt.s32.f32 v29  }
0x25c: {  	v32 =	vadd.s32 v43, v45;
	v46 =	vmul.f32 $1.500000000e+01, v30;
	v49 =	vsel vm1, $0x1, v2;
	v42 =	vld [tilespmem:s0+$0x5040]  }
0x25d: {  	v32 =	vshll.u32 v32, $0x7;
	v28 =	vmul.f32 $6.666667010e-02, v28;
	[tilespmem:v31+s17+$0x0] =	vst.idx.add.f32.msk $0xffff, v33;
	v31 =	vadd.f32 $5.000000000e-01, v47  }
0x25e: {  	v27 =	vadd.s32 v27, v49;
	v32 =	vor.u32 v4, v32;
	v48 =	vmul.f32 $1.500000000e+01, v36  }
0x25f: {  	v39 =	vadd.f32 $5.000000000e-01, v46;
	vm1 =	vlt.f32 v28, v41;
	v28 =	vtrunc.f32 v31  }
0x260: {  	v38 =	vld [tilespmem:s22+$0x5050];
	v31 =	vadd.f32 $5.000000000e-01, v48;
	v51 =	vsel vm1, $0x1, v2;
	v28 =	vcvt.f32.s32 v28  }
0x261: {  	v27 =	vshll.u32 v27, $0x7;
	v52 =	vmul.f32 $1.500000000e+01, v42;
	v34 =	vadd.s32 v29, v51  }
0x262: {  	v31 =	vtrunc.f32 v31;
	v34 =	vshll.u32 v34, $0x7;
	v53 =	vcvt.s32.f32 v28  }
0x263: {  	v50 =	vtrunc.f32 v39;
	v31 =	vcvt.f32.s32 v31;
	v54 =	vor.u32 v1, v34  }
0x264: {  	s21 =	simm.s32 $0x400;
	v39 =	vcvt.f32.s32 v50;
	[tilespmem:v32+s17+$0x0] =	vst.idx.add.f32.msk $0xffff, v57;
	v32 =	vadd.f32 $5.000000000e-01, v52;
	v35 =	vmul.f32 $6.666667010e-02, v53  }
0x265: {  	v27 =	vor.u32 v3, v27;
	v55 =	vmul.f32 $1.500000000e+01, v38;
	v34 =	vld [tilespmem:s21+$0x5000];
	v56 =	vcvt.s32.f32 v31  }
0x266: {  	v44 =	vcvt.s32.f32 v39;
	v32 =	vtrunc.f32 v32;
	vm1 =	vlt.f32 v35, v37  }
0x267: {  	v43 =	vadd.f32 $5.000000000e-01, v55;
	v33 =	vmul.f32 $6.666667010e-02, v56;
	v57 =	vsel vm1, $0x1, v2  }
0x268: {  	v62 =	vmul.f32 $6.666667010e-02, v44;
	v46 =	vcvt.f32.s32 v32;
	[tilespmem:v54+s17+$0x0] =	vst.idx.add.f32.msk $0xffff, v41;
	v28 =	vadd.s32 v28, v57  }
0x269: {  	v58 =	vtrunc.f32 v43;
	vm1 =	vlt.f32 v33, v36;
	v32 =	vld [tilespmem:s14+$0x5010];
	v28 =	vshll.u32 v28, $0x7  }
0x26a: {  	v59 =	vmul.f32 $1.500000000e+01, v34;
	v60 =	vcvt.s32.f32 v46;
	v28 =	vor.u32 v4, v28  }
0x26b: {  	v61 =	vcvt.f32.s32 v58;
	v33 =	vsel vm1, $0x1, v2;
	vm1 =	vlt.f32 v62, v30  }
0x26c: {  	v31 =	vadd.s32 v31, v33;
	v33 =	vadd.f32 $5.000000000e-01, v59;
	v40 =	vmul.f32 $6.666667010e-02, v60  }
0x26d: {  	v63 =	vcvt.s32.f32 v61;
	v47 =	vsel vm1, $0x1, v2;
	v31 =	vshll.u32 v31, $0x7  }
0x26e: {  	[tilespmem:v27+s17+$0x0] =	vst.idx.add.f32.msk $0xffff, v26;
	v31 =	vor.u32 v5, v31;
	v27 =	vtrunc.f32 v33;
	v26 =	vmul.f32 $1.500000000e+01, v32  }
0x26f: {  	vm1 =	vlt.f32 v40, v42;
	v27 =	vcvt.f32.s32 v27;
	[tilespmem:v28+s17+$0x0] =	vst.idx.add.f32.msk $0xffff, v37;
	v28 =	vmul.f32 $6.666667010e-02, v63  }
0x270: {  	v33 =	vadd.s32 v39, v47;
	v48 =	vsel vm1, $0x1, v2;
	v26 =	vadd.f32 $5.000000000e-01, v26  }
0x271: {  	v37 =	vadd.s32 v46, v48;
	v49 =	vcvt.s32.f32 v27;
	vm1 =	vlt.f32 v28, v38  }
0x272: {  	v29 =	vld [tilespmem:s29+$0x5030];
	v50 =	vshll.u32 v37, $0x7;
	v26 =	vtrunc.f32 v26;
	v51 =	vsel vm1, $0x1, v2  }
0x273: {  	v35 =	vld [tilespmem:s1+$0x5020];
	v39 =	vor.u32 v6, v50;
	v26 =	vcvt.f32.s32 v26;
	v52 =	vadd.s32 v61, v51  }
0x274: {  	v37 =	vshll.u32 v33, $0x7;
	[tilespmem:v31+s17+$0x0] =	vst.idx.add.f32.msk $0xffff, v36;
	v36 =	vmul.f32 $6.666667010e-02, v49;
	v33 =	vshll.u32 v52, $0x7  }
0x275: {  	v28 =	vld [tilespmem:s30+$0x5040];
	v53 =	vcvt.s32.f32 v26;
	v54 =	vor.u32 v7, v33  }
0x276: {  	vm1 =	vlt.f32 v36, v34  }
0x277: {  	v31 =	vld [tilespmem:s31+$0x5030];
	v56 =	vsel vm1, $0x1, v2;
	v40 =	vmul.f32 $6.666667010e-02, v53  }
0x278: {  	v27 =	vadd.s32 v27, v56;
	[tilespmem:v39+s17+$0x0] =	vst.idx.add.f32.msk $0xffff, v42  }
0x279: {  	v55 =	vmul.f32 $1.500000000e+01, v35;
	v59 =	vshll.u32 v27, $0x7;
	v27 =	vld [tilespmem:s0+$0x5050];
	vm1 =	vlt.f32 v40, v32  }
0x27a: {  	v45 =	vmul.f32 $1.500000000e+01, v29;
	v57 =	vmul.f32 $1.500000000e+01, v28;
	v62 =	vsel vm1, $0x1, v2;
	[tilespmem:v54+s17+$0x0] =	vst.idx.add.f32.msk $0xffff, v38  }
0x27b: {  	v41 =	vadd.f32 $5.000000000e-01, v55;
	v63 =	vadd.s32 v26, v62;
	v26 =	vld [tilespmem:s22+$0x5054]  }
0x27c: {  	v58 =	vadd.f32 $5.000000000e-01, v45;
	v60 =	vadd.f32 $5.000000000e-01, v57  }
0x27d: {  	v61 =	vtrunc.f32 v41;
	v33 =	vmul.f32 $1.500000000e+01, v31;
	v41 =	vor.u32 v1, v59  }
0x27e: {  	v40 =	vtrunc.f32 v58;
	v42 =	vtrunc.f32 v60  }
0x27f: {  	s6 =	simm.s32 $0x1200;
	v38 =	vcvt.f32.s32 v61;
	v39 =	vshll.u32 v63, $0x7;
	v36 =	vcvt.f32.s32 v42  }
.LBB2_15:
0x280: {  	s22 =	sshra.s32 s6, $0x2;
	p0 =	sne.s32 s6, $0x13E00;
	s6 =	sadd.s32 $0x200, s6;
	v40 =	vcvt.f32.s32 v40;
	v42 =	vmul.f32 $1.500000000e+01, v27;
	v43 =	vmov v26  }
0x281: {  	v26 =	vcvt.s32.f32 v38;
	v44 =	vcvt.s32.f32 v36  }
0x282: {  	[tilespmem:v41+s17+$0x0] =	vst.idx.add.f32.msk $0xffff, v34;
	v34 =	vcvt.s32.f32 v40;
	v41 =	vadd.f32 $5.000000000e-01, v42;
	v42 =	vmul.f32 $1.500000000e+01, v43  }
0x283: {  	v45 =	vld [tilespmem:s21+$0x5010];
	v26 =	vmul.f32 $6.666667010e-02, v26;
	v44 =	vmul.f32 $6.666667010e-02, v44  }
0x284: {  	v46 =	vmul.f32 $6.666667010e-02, v34;
	v41 =	vtrunc.f32 v41;
	v42 =	vadd.f32 $5.000000000e-01, v42  }
0x285: {  	v34 =	vld [tilespmem:s22+$0x5000];
	vm1 =	vlt.f32 v26, v35;
	vm2 =	vlt.f32 v44, v28;
	v26 =	vcvt.f32.s32 v41  }
0x286: {  	v41 =	vsel vm1, $0x1, v2;
	vm1 =	vlt.f32 v46, v29;
	v42 =	vtrunc.f32 v42  }
0x287: {  	v44 =	vor.u32 v3, v37;
	v37 =	vmovc v39;
	v38 =	vadd.s32 v38, v41;
	v41 =	vcvt.s32.f32 v26  }
0x288: {  	v39 =	vsel vm1, $0x1, v2;
	v42 =	vcvt.f32.s32 v42;
	v38 =	vshll.u32 v38, $0x7  }
0x289: {  	v39 =	vadd.s32 v40, v39;
	v38 =	vor.u32 v4, v38;
	v40 =	vmul.f32 $6.666667010e-02, v41  }
0x28a: {  	v39 =	vshll.u32 v39, $0x7;
	v46 =	vcvt.s32.f32 v42;
	v41 =	vmul.f32 $1.500000000e+01, v34  }
0x28b: {  	v47 =	vmul.f32 $1.500000000e+01, v45;
	v39 =	vor.u32 v5, v39;
	vm1 =	vlt.f32 v40, v27  }
0x28c: {  	v40 =	vadd.f32 $5.000000000e-01, v41;
	[tilespmem:v44+s17+$0x0] =	vst.idx.add.f32.msk $0xffff, v30;
	v41 =	vsel vm2, $0x1, v2;
	v44 =	vmul.f32 $6.666667010e-02, v46;
	v30 =	vmovc v32;
	v32 =	vmovc v45  }
0x28d: {  	v45 =	vadd.f32 $5.000000000e-01, v47;
	v46 =	vld [tilespmem:s12+$0x5020];
	v36 =	vadd.s32 v36, v41  }
0x28e: {  	v40 =	vtrunc.f32 v40;
	[tilespmem:v38+s17+$0x0] =	vst.idx.add.f32.msk $0xffff, v35;
	v35 =	vshll.u32 v36, $0x7;
	v36 =	vsel vm1, $0x1, v2  }
0x28f: {  	v38 =	vcvt.f32.s32 v40;
	v40 =	vld [tilespmem:s1+$0x5030];
	v41 =	vor.u32 v6, v35;
	v26 =	vadd.s32 v26, v36  }
0x290: {  	v47 =	vtrunc.f32 v45;
	vm1 =	vlt.f32 v44, v43;
	[tilespmem:v39+s17+$0x0] =	vst.idx.add.f32.msk $0xffff, v29;
	v26 =	vshll.u32 v26, $0x7;
	v29 =	vmovc v31  }
0x291: {  	v39 =	vsel vm1, $0x1, v2;
	v49 =	vcvt.s32.f32 v38;
	v36 =	vld [tilespmem:s29+$0x5040];
	v26 =	vor.u32 v7, v26  }
0x292: {  	v44 =	vcvt.f32.s32 v47;
	v39 =	vadd.s32 v42, v39;
	v45 =	vmul.f32 $1.500000000e+01, v46;
	v35 =	vmovc v46  }
0x293: {  	v48 =	vshll.u32 v39, $0x7;
	v42 =	vmul.f32 $6.666667010e-02, v49  }
0x294: {  	v39 =	vcvt.s32.f32 v44;
	v47 =	vor.u32 v9, v48;
	v46 =	vmul.f32 $1.500000000e+01, v40;
	[tilespmem:v41+s17+$0x0] =	vst.idx.add.f32.msk $0xffff, v28;
	v31 =	vmovc v40  }
0x295: {  	v40 =	vadd.f32 $5.000000000e-01, v45;
	vm1 =	vlt.f32 v42, v34;
	v42 =	vld [tilespmem:s30+$0x5050]  }
0x296: {  	v39 =	vmul.f32 $6.666667010e-02, v39;
	v41 =	vsel vm1, $0x1, v2;
	v45 =	vmul.f32 $1.500000000e+01, v36;
	[tilespmem:v26+s17+$0x0] =	vst.idx.add.f32.msk $0xffff, v27;
	v28 =	vmovc v36  }
.Ltmp9:
0x297: {  	v36 =	vtrunc.f32 v40;
	v27 =	vadd.s32 v38, v41;
	v38 =	vadd.f32 $5.000000000e-01, v33;
	v26 =	vld [tilespmem:s0+$0x5054];
	v33 =	vmovc v46;
	s0 =	smov.u32 s30;
	s30 =	smov.u32 s29;
	(pc) =	sbr.rel @p0 .LBB2_15-.Ltmp9, $4  }
0x298: {  	vm1 =	vlt.f32 v39, v32;
	s29 =	smov.u32 s31;
	s31 =	smov.u32 s1;
	s1 =	smov.u32 s12;
	v46 =	vshll.u32 v27, $0x7;
	v39 =	vadd.f32 $5.000000000e-01, v45  }
0x299: {  	s12 =	smov.u32 s14;
	s14 =	smov.u32 s21;
	s21 =	smov.u32 s22;
	v45 =	vsel vm1, $0x1, v2;
	v41 =	vor.u32 v1, v46;
	[tilespmem:v47+s17+$0x0] =	vst.idx.add.f32.msk vm0, v43  }
0x29a: {  	v43 =	vadd.s32 v44, v45;
	v40 =	vtrunc.f32 v38;
	v44 =	vtrunc.f32 v39;
	v27 =	vmovc v42  }
0x29b: {  	v38 =	vcvt.f32.s32 v36;
	v39 =	vshll.u32 v43, $0x7;
	v36 =	vcvt.f32.s32 v44  }
0x29c: {  	_ =	sdelay $0x3  }
0x29d: {  	[tilespmem:v41+s17+$0x0] =	vst.idx.add.f32.msk $0xffff, v34  }
0x29e: {  	v34 =	vld [tilespmem:s21+$0x5010];
	_ =	sdelay $0x4  }
0x29f: {  	v62 =	vmul.f32 $1.500000000e+01, v34;
	_ =	sdelay $0x1  }
0x2a0: {  	v37 =	vor.u32 v3, v37;
	v41 =	vadd.f32 $5.000000000e-01, v62;
	_ =	sdelay $0x1  }
0x2a1: {  	v41 =	vtrunc.f32 v41  }
0x2a2: {  	v41 =	vcvt.f32.s32 v41;
	_ =	sdelay $0x1  }
0x2a3: {  	[tilespmem:v37+s17+$0x0] =	vst.idx.add.f32.msk $0xffff, v30;
	v42 =	vcvt.s32.f32 v41  }
0x2a4: {  	v37 =	vld [tilespmem:s12+$0x5020]  }
0x2a5: {  	v42 =	vmul.f32 $6.666667010e-02, v42  }
0x2a6: {  	v39 =	vor.u32 v3, v39  }
0x2a7: {  	vm1 =	vlt.f32 v42, v34  }
0x2a8: {  	v42 =	vsel vm1, $0x1, v2  }
0x2a9: {  	v46 =	vmul.f32 $1.500000000e+01, v37;
	v41 =	vadd.s32 v41, v42  }
0x2aa: {  	v41 =	vshll.u32 v41, $0x7  }
0x2ab: {  	[tilespmem:v39+s17+$0x0] =	vst.idx.add.f32.msk $0xffff, v32;
	v30 =	vadd.f32 $5.000000000e-01, v46;
	v63 =	vor.u32 v3, v41  }
0x2ac: {  	v40 =	vcvt.f32.s32 v40;
	v39 =	vld [tilespmem:s14+$0x5020]  }
0x2ad: {  	v44 =	vcvt.s32.f32 v38;
	v30 =	vtrunc.f32 v30  }
0x2ae: {  	v30 =	vcvt.f32.s32 v30  }
0x2af: {  	v49 =	vcvt.s32.f32 v40;
	v45 =	vmul.f32 $6.666667010e-02, v44  }
0x2b0: {  	v43 =	vcvt.s32.f32 v30;
	[tilespmem:v63+s17+$0x0] =	vst.idx.add.f32.msk $0xffff, v34  }
0x2b1: {  	v48 =	vmul.f32 $1.500000000e+01, v39;
	vm1 =	vlt.f32 v45, v35;
	v41 =	vmul.f32 $6.666667010e-02, v49;
	v32 =	vld [tilespmem:s21+$0x5020]  }
0x2b2: {  	v47 =	vsel vm1, $0x1, v2;
	v51 =	vmul.f32 $6.666667010e-02, v43  }
0x2b3: {  	vm1 =	vlt.f32 v41, v29;
	v34 =	vadd.s32 v38, v47;
	v38 =	vadd.f32 $5.000000000e-01, v48  }
0x2b4: {  	v52 =	vsel vm1, $0x1, v2;
	vm1 =	vlt.f32 v51, v37;
	v34 =	vshll.u32 v34, $0x7  }
0x2b5: {  	v41 =	vsel vm1, $0x1, v2;
	v34 =	vor.u32 v4, v34;
	v38 =	vtrunc.f32 v38  }
0x2b6: {  	v30 =	vadd.s32 v30, v41;
	v38 =	vcvt.f32.s32 v38;
	v50 =	vmul.f32 $1.500000000e+01, v32  }
0x2b7: {  	v30 =	vshll.u32 v30, $0x7  }
0x2b8: {  	v30 =	vor.u32 v4, v30;
	v53 =	vcvt.s32.f32 v38;
	v42 =	vadd.f32 $5.000000000e-01, v50;
	_ =	sdelay $0x1  }
0x2b9: {  	[tilespmem:v34+s17+$0x0] =	vst.idx.add.f32.msk $0xffff, v35;
	v34 =	vmul.f32 $6.666667010e-02, v53;
	v42 =	vtrunc.f32 v42  }
0x2ba: {  	v54 =	vcvt.f32.s32 v42  }
0x2bb: {  	vm1 =	vlt.f32 v34, v39  }
0x2bc: {  	v40 =	vadd.s32 v40, v52;
	[tilespmem:v30+s17+$0x0] =	vst.idx.add.f32.msk $0xffff, v37;
	v57 =	vsel vm1, $0x1, v2;
	v55 =	vcvt.s32.f32 v54  }
0x2bd: {  	v33 =	vadd.f32 $5.000000000e-01, v33;
	v40 =	vshll.u32 v40, $0x7;
	v42 =	vld [tilespmem:s1+$0x5030];
	v38 =	vadd.s32 v38, v57  }
0x2be: {  	v40 =	vor.u32 v5, v40;
	v41 =	vld [tilespmem:s12+$0x5030];
	v59 =	vshll.u32 v38, $0x7;
	v56 =	vmul.f32 $6.666667010e-02, v55  }
0x2bf: {  	v33 =	vtrunc.f32 v33;
	v34 =	vor.u32 v4, v59  }
0x2c0: {  	v61 =	vmul.f32 $1.500000000e+01, v27;
	v33 =	vcvt.f32.s32 v33;
	vm1 =	vlt.f32 v56, v32  }
0x2c1: {  	v63 =	vcvt.s32.f32 v36;
	v47 =	vmul.f32 $1.500000000e+01, v26;
	v60 =	vsel vm1, $0x1, v2  }
0x2c2: {  	v48 =	vcvt.s32.f32 v33;
	v58 =	vmul.f32 $1.500000000e+01, v42;
	v35 =	vadd.s32 v54, v60  }
0x2c3: {  	[tilespmem:v40+s17+$0x0] =	vst.idx.add.f32.msk $0xffff, v29;
	v37 =	vadd.f32 $5.000000000e-01, v47;
	v51 =	vmul.f32 $1.500000000e+01, v41;
	v35 =	vshll.u32 v35, $0x7  }
0x2c4: {  	v29 =	vmul.f32 $6.666667010e-02, v48;
	v62 =	vadd.f32 $5.000000000e-01, v58;
	[tilespmem:v34+s17+$0x0] =	vst.idx.add.f32.msk $0xffff, v39;
	v45 =	vor.u32 v4, v35  }
0x2c5: {  	v49 =	vmul.f32 $6.666667010e-02, v63;
	v37 =	vtrunc.f32 v37;
	v30 =	vadd.f32 $5.000000000e-01, v51;
	v39 =	vld [tilespmem:s14+$0x5030]  }
0x2c6: {  	vm2 =	vlt.f32 v29, v31;
	v29 =	vcvt.f32.s32 v37;
	v38 =	vtrunc.f32 v62  }
0x2c7: {  	v46 =	vadd.f32 $5.000000000e-01, v61;
	v37 =	vld [tilespmem:s29+$0x5040];
	v30 =	vtrunc.f32 v30;
	v38 =	vcvt.f32.s32 v38  }
0x2c8: {  	vm1 =	vlt.f32 v49, v28;
	v30 =	vcvt.f32.s32 v30;
	v54 =	vsel vm2, $0x1, v2  }
0x2c9: {  	v44 =	vsel vm1, $0x1, v2;
	v33 =	vadd.s32 v33, v54;
	v50 =	vcvt.s32.f32 v38;
	[tilespmem:v45+s17+$0x0] =	vst.idx.add.f32.msk $0xffff, v32  }
0x2ca: {  	v59 =	vadd.s32 v36, v44;
	v35 =	vtrunc.f32 v46;
	v57 =	vmul.f32 $1.500000000e+01, v39;
	v34 =	vld [tilespmem:s21+$0x5030]  }
0x2cb: {  	v55 =	vshll.u32 v33, $0x7;
	v46 =	vcvt.s32.f32 v30;
	v52 =	vmul.f32 $6.666667010e-02, v50  }
0x2cc: {  	v36 =	vshll.u32 v59, $0x7;
	v43 =	vadd.f32 $5.000000000e-01, v57;
	v45 =	vmul.f32 $1.500000000e+01, v37  }
0x2cd: {  	v36 =	vor.u32 v6, v36;
	v32 =	vor.u32 v5, v55;
	vm2 =	vlt.f32 v52, v42  }
0x2ce: {  	v56 =	vsel vm2, $0x1, v2;
	v43 =	vtrunc.f32 v43;
	v60 =	vadd.f32 $5.000000000e-01, v45  }
0x2cf: {  	v33 =	vadd.s32 v38, v56;
	v43 =	vcvt.f32.s32 v43;
	v58 =	vmul.f32 $1.500000000e+01, v34  }
0x2d0: {  	v61 =	vmul.f32 $6.666667010e-02, v46;
	v33 =	vshll.u32 v33, $0x7  }
0x2d1: {  	v44 =	vtrunc.f32 v60;
	v63 =	vcvt.s32.f32 v43;
	v38 =	vadd.f32 $5.000000000e-01, v58  }
0x2d2: {  	v35 =	vcvt.f32.s32 v35;
	[tilespmem:v36+s17+$0x0] =	vst.idx.add.f32.msk $0xffff, v28;
	v33 =	vor.u32 v5, v33;
	v44 =	vcvt.f32.s32 v44  }
0x2d3: {  	vm1 =	vlt.f32 v61, v41;
	v28 =	vld [tilespmem:s30+$0x5050];
	v45 =	vmul.f32 $6.666667010e-02, v63;
	v62 =	vtrunc.f32 v38  }
0x2d4: {  	v53 =	vcvt.s32.f32 v35;
	[tilespmem:v32+s17+$0x0] =	vst.idx.add.f32.msk $0xffff, v31;
	v31 =	vsel vm1, $0x1, v2;
	v32 =	vcvt.f32.s32 v62  }
0x2d5: {  	v30 =	vadd.s32 v30, v31;
	v51 =	vcvt.s32.f32 v44;
	vm1 =	vlt.f32 v45, v39;
	v38 =	vld [tilespmem:s31+$0x5040]  }
0x2d6: {  	v30 =	vshll.u32 v30, $0x7;
	v45 =	vsel vm1, $0x1, v2;
	v48 =	vcvt.s32.f32 v32  }
0x2d7: {  	v30 =	vor.u32 v5, v30;
	v55 =	vmul.f32 $6.666667010e-02, v51;
	[tilespmem:v33+s17+$0x0] =	vst.idx.add.f32.msk $0xffff, v42;
	v43 =	vadd.s32 v43, v45  }
0x2d8: {  	v40 =	vmul.f32 $6.666667010e-02, v53;
	v31 =	vld [tilespmem:s1+$0x5040];
	v53 =	vshll.u32 v43, $0x7;
	v49 =	vmul.f32 $6.666667010e-02, v48  }
0x2d9: {  	vm2 =	vlt.f32 v55, v37;
	v62 =	vmul.f32 $1.500000000e+01, v28;
	v36 =	vor.u32 v5, v53  }
0x2da: {  	v60 =	vsel vm2, $0x1, v2;
	v50 =	vmul.f32 $1.500000000e+01, v38;
	vm1 =	vlt.f32 v49, v34  }
0x2db: {  	v42 =	vadd.s32 v44, v60;
	v54 =	vsel vm1, $0x1, v2  }
0x2dc: {  	[tilespmem:v30+s17+$0x0] =	vst.idx.add.f32.msk $0xffff, v41;
	v48 =	vadd.f32 $5.000000000e-01, v62;
	v52 =	vadd.f32 $5.000000000e-01, v50;
	v32 =	vadd.s32 v32, v54  }
0x2dd: {  	v56 =	vmul.f32 $1.500000000e+01, v31;
	vm1 =	vlt.f32 v40, v27;
	v40 =	vld [tilespmem:s12+$0x5040];
	v32 =	vshll.u32 v32, $0x7  }
0x2de: {  	v63 =	vshll.u32 v42, $0x7;
	[tilespmem:v36+s17+$0x0] =	vst.idx.add.f32.msk $0xffff, v39;
	v33 =	vtrunc.f32 v52;
	v57 =	vor.u32 v5, v32  }
0x2df: {  	v41 =	vtrunc.f32 v48;
	v58 =	vadd.f32 $5.000000000e-01, v56;
	v42 =	vld [tilespmem:s14+$0x5040];
	v33 =	vcvt.f32.s32 v33  }
0x2e0: {  	v36 =	vor.u32 v6, v63;
	v41 =	vcvt.f32.s32 v41  }
0x2e1: {  	v32 =	vtrunc.f32 v58;
	v61 =	vcvt.s32.f32 v33  }
0x2e2: {  	v59 =	vsel vm1, $0x1, v2;
	v56 =	vcvt.s32.f32 v41;
	v32 =	vcvt.f32.s32 v32  }
0x2e3: {  	v35 =	vadd.s32 v35, v59;
	v50 =	vmul.f32 $1.500000000e+01, v40;
	v47 =	vmul.f32 $6.666667010e-02, v61;
	[tilespmem:v57+s17+$0x0] =	vst.idx.add.f32.msk $0xffff, v34  }
0x2e4: {  	v35 =	vshll.u32 v35, $0x7;
	v49 =	vcvt.s32.f32 v32;
	v52 =	vmul.f32 $1.500000000e+01, v42;
	v39 =	vld [tilespmem:s21+$0x5040]  }
0x2e5: {  	v35 =	vor.u32 v7, v35;
	[tilespmem:v36+s17+$0x0] =	vst.idx.add.f32.msk $0xffff, v37;
	vm1 =	vlt.f32 v47, v38;
	v34 =	vadd.f32 $5.000000000e-01, v50  }
0x2e6: {  	v43 =	vld [tilespmem:s29+$0x5050];
	v30 =	vmul.f32 $6.666667010e-02, v49;
	v54 =	vadd.f32 $5.000000000e-01, v52;
	v51 =	vsel vm1, $0x1, v2  }
0x2e7: {  	v37 =	vmul.f32 $6.666667010e-02, v56;
	v33 =	vadd.s32 v33, v51;
	v53 =	vtrunc.f32 v34  }
0x2e8: {  	vm1 =	vlt.f32 v30, v31;
	v34 =	vtrunc.f32 v54;
	v30 =	vcvt.f32.s32 v53  }
0x2e9: {  	v33 =	vshll.u32 v33, $0x7;
	v57 =	vsel vm1, $0x1, v2;
	v55 =	vmul.f32 $1.500000000e+01, v39  }
0x2ea: {  	v33 =	vor.u32 v6, v33;
	v32 =	vadd.s32 v32, v57;
	v58 =	vcvt.s32.f32 v30  }
0x2eb: {  	v61 =	vmul.f32 $1.500000000e+01, v43;
	v32 =	vshll.u32 v32, $0x7;
	v36 =	vadd.f32 $5.000000000e-01, v55  }
0x2ec: {  	v34 =	vcvt.f32.s32 v34;
	v32 =	vor.u32 v6, v32;
	v59 =	vmul.f32 $6.666667010e-02, v58  }
0x2ed: {  	vm1 =	vlt.f32 v37, v28;
	v37 =	vadd.f32 $5.000000000e-01, v61;
	v36 =	vtrunc.f32 v36  }
0x2ee: {  	[tilespmem:v35+s17+$0x0] =	vst.idx.add.f32.msk $0xffff, v27;
	v60 =	vcvt.s32.f32 v34;
	vm2 =	vlt.f32 v59, v40;
	v36 =	vcvt.f32.s32 v36  }
0x2ef: {  	v49 =	vtrunc.f32 v37;
	[tilespmem:v33+s17+$0x0] =	vst.idx.add.f32.msk $0xffff, v38;
	v44 =	vsel vm2, $0x1, v2  }
0x2f0: {  	v33 =	vmul.f32 $6.666667010e-02, v60;
	v38 =	vld [tilespmem:s31+$0x5050];
	v30 =	vadd.s32 v30, v44;
	v62 =	vcvt.s32.f32 v36  }
0x2f1: {  	v52 =	vcvt.f32.s32 v49;
	[tilespmem:v32+s17+$0x0] =	vst.idx.add.f32.msk $0xffff, v31;
	v27 =	vshll.u32 v30, $0x7  }
0x2f2: {  	vm2 =	vlt.f32 v33, v42;
	v35 =	vld [tilespmem:s1+$0x5050];
	v50 =	vor.u32 v6, v27;
	v48 =	vmul.f32 $6.666667010e-02, v62  }
0x2f3: {  	v45 =	vcvt.s32.f32 v29;
	v27 =	vsel vm2, $0x1, v2  }
0x2f4: {  	v56 =	vcvt.s32.f32 v52;
	v34 =	vadd.s32 v34, v27;
	vm2 =	vlt.f32 v48, v39  }
0x2f5: {  	v51 =	vmul.f32 $1.500000000e+01, v38;
	v53 =	vshll.u32 v34, $0x7;
	v54 =	vsel vm2, $0x1, v2  }
0x2f6: {  	v37 =	vmul.f32 $6.666667010e-02, v56;
	v27 =	vld [tilespmem:s0+$0x5054];
	v33 =	vor.u32 v6, v53;
	v34 =	vadd.s32 v36, v54  }
0x2f7: {  	v32 =	vadd.f32 $5.000000000e-01, v51;
	v59 =	vmul.f32 $1.500000000e+01, v35;
	[tilespmem:v50+s17+$0x0] =	vst.idx.add.f32.msk $0xffff, v40;
	v34 =	vshll.u32 v34, $0x7  }
0x2f8: {  	v63 =	vmul.f32 $6.666667010e-02, v45;
	v55 =	vsel vm1, $0x1, v2;
	v40 =	vld [tilespmem:s12+$0x5050];
	v57 =	vor.u32 v6, v34  }
0x2f9: {  	vm1 =	vlt.f32 v37, v43;
	v32 =	vtrunc.f32 v32;
	v36 =	vadd.f32 $5.000000000e-01, v59  }
0x2fa: {  	v58 =	vadd.s32 v41, v55;
	v46 =	vsel vm1, $0x1, v2;
	v32 =	vcvt.f32.s32 v32  }
0x2fb: {  	v30 =	vadd.s32 v52, v46;
	v34 =	vshll.u32 v58, $0x7;
	[tilespmem:v33+s17+$0x0] =	vst.idx.add.f32.msk $0xffff, v42;
	v36 =	vtrunc.f32 v36  }
0x2fc: {  	v62 =	vcvt.s32.f32 v32;
	v34 =	vor.u32 v7, v34;
	v41 =	vld [tilespmem:s14+$0x5050];
	v36 =	vcvt.f32.s32 v36  }
0x2fd: {  	v30 =	vshll.u32 v30, $0x7;
	v61 =	vmul.f32 $1.500000000e+01, v27;
	v47 =	vmul.f32 $1.500000000e+01, v40;
	[tilespmem:v57+s17+$0x0] =	vst.idx.add.f32.msk $0xffff, v39  }
0x2fe: {  	vm2 =	vlt.f32 v63, v26;
	v45 =	vmul.f32 $6.666667010e-02, v62;
	v48 =	vcvt.s32.f32 v36;
	v42 =	vld [tilespmem:s21+$0x5050]  }
0x2ff: {  	v30 =	vor.u32 v7, v30;
	v60 =	vsel vm2, $0x1, v2;
	v49 =	vadd.f32 $5.000000000e-01, v47  }
0x300: {  	v63 =	vadd.f32 $5.000000000e-01, v61;
	vm1 =	vlt.f32 v45, v38;
	v31 =	vmul.f32 $6.666667010e-02, v48  }
0x301: {  	v50 =	vsel vm1, $0x1, v2;
	v51 =	vmul.f32 $1.500000000e+01, v41;
	[tilespmem:v34+s17+$0x0] =	vst.idx.add.f32.msk $0xffff, v28;
	v37 =	vtrunc.f32 v49  }
0x302: {  	v32 =	vadd.s32 v32, v50;
	v28 =	vld [tilespmem:s30+$0x5054];
	vm1 =	vlt.f32 v31, v35;
	v52 =	vcvt.f32.s32 v37  }
0x303: {  	v53 =	vadd.f32 $5.000000000e-01, v51;
	v32 =	vshll.u32 v32, $0x7;
	v54 =	vmul.f32 $1.500000000e+01, v42  }
0x304: {  	v56 =	vsel vm1, $0x1, v2;
	v32 =	vor.u32 v7, v32;
	v55 =	vcvt.s32.f32 v52  }
0x305: {  	v36 =	vadd.s32 v36, v56;
	v37 =	vtrunc.f32 v53;
	v39 =	vadd.f32 $5.000000000e-01, v54  }
0x306: {  	[tilespmem:v30+s17+$0x0] =	vst.idx.add.f32.msk $0xffff, v43;
	v36 =	vshll.u32 v36, $0x7;
	v37 =	vcvt.f32.s32 v37;
	v31 =	vmul.f32 $6.666667010e-02, v55  }
0x307: {  	v59 =	vor.u32 v7, v36;
	v36 =	vld [tilespmem:s29+$0x5054];
	v58 =	vmul.f32 $1.500000000e+01, v28;
	v39 =	vtrunc.f32 v39  }
0x308: {  	v29 =	vadd.s32 v29, v60;
	v57 =	vcvt.s32.f32 v37;
	v39 =	vcvt.f32.s32 v39  }
0x309: {  	v33 =	vtrunc.f32 v63;
	vm1 =	vlt.f32 v31, v40;
	v45 =	vadd.f32 $5.000000000e-01, v58  }
0x30a: {  	v60 =	vmul.f32 $6.666667010e-02, v57;
	v63 =	vsel vm1, $0x1, v2;
	v61 =	vcvt.s32.f32 v39  }
0x30b: {  	v33 =	vcvt.f32.s32 v33;
	[tilespmem:v32+s17+$0x0] =	vst.idx.add.f32.msk $0xffff, v38;
	v32 =	vadd.s32 v52, v63;
	v47 =	vtrunc.f32 v45  }
0x30c: {  	v49 =	vmul.f32 $1.500000000e+01, v36;
	vm1 =	vlt.f32 v60, v41;
	v46 =	vmul.f32 $6.666667010e-02, v61  }
0x30d: {  	v32 =	vshll.u32 v32, $0x7;
	v34 =	vcvt.f32.s32 v47;
	v48 =	vsel vm1, $0x1, v2  }
0x30e: {  	v38 =	vld [tilespmem:s31+$0x5054];
	v32 =	vor.u32 v7, v32;
	v37 =	vadd.s32 v37, v48;
	vm1 =	vlt.f32 v46, v42  }
0x30f: {  	v31 =	vadd.f32 $5.000000000e-01, v49;
	v50 =	vshll.u32 v37, $0x7;
	v51 =	vsel vm1, $0x1, v2  }
0x310: {  	v62 =	vcvt.s32.f32 v33;
	[tilespmem:v59+s17+$0x0] =	vst.idx.add.f32.msk $0xffff, v35;
	v30 =	vor.u32 v7, v50;
	v35 =	vadd.s32 v39, v51  }
0x311: {  	v54 =	vcvt.s32.f32 v34;
	v37 =	vld [tilespmem:s1+$0x5054];
	v31 =	vtrunc.f32 v31;
	v35 =	vshll.u32 v35, $0x7  }
0x312: {  	v53 =	vmul.f32 $6.666667010e-02, v62;
	v31 =	vcvt.f32.s32 v31;
	v35 =	vor.u32 v7, v35  }
0x313: {  	v29 =	vshll.u32 v29, $0x7;
	v52 =	vmul.f32 $1.500000000e+01, v38;
	v55 =	vmul.f32 $6.666667010e-02, v54;
	[tilespmem:v32+s17+$0x0] =	vst.idx.add.f32.msk $0xffff, v40  }
0x314: {  	v29 =	vor.u32 v9, v29;
	vm1 =	vlt.f32 v53, v27;
	v58 =	vcvt.s32.f32 v31;
	v40 =	vld [tilespmem:s12+$0x5054]  }
0x315: {  	v39 =	vadd.f32 $5.000000000e-01, v52;
	v43 =	vsel vm1, $0x1, v2;
	vm1 =	vlt.f32 v55, v28;
	[tilespmem:v30+s17+$0x0] =	vst.idx.add.f32.msk $0xffff, v41  }
0x316: {  	v56 =	vmul.f32 $1.500000000e+01, v37;
	v57 =	vadd.s32 v33, v43;
	v60 =	vsel vm1, $0x1, v2;
	v41 =	vld [tilespmem:s14+$0x5054]  }
0x317: {  	v33 =	vmul.f32 $6.666667010e-02, v58;
	v39 =	vtrunc.f32 v39;
	v30 =	vshll.u32 v57, $0x7;
	[tilespmem:v35+s17+$0x0] =	vst.idx.add.f32.msk $0xffff, v42  }
0x318: {  	v34 =	vadd.s32 v34, v60;
	v39 =	vcvt.f32.s32 v39;
	v59 =	vadd.f32 $5.000000000e-01, v56;
	v43 =	vld [tilespmem:s21+$0x5054]  }
0x319: {  	v30 =	vor.u32 v9, v30;
	v34 =	vshll.u32 v34, $0x7;
	vm1 =	vlt.f32 v33, v36  }
0x31a: {  	v48 =	vsel vm1, $0x1, v2;
	v34 =	vor.u32 v9, v34;
	v62 =	vmul.f32 $1.500000000e+01, v40  }
0x31b: {  	v61 =	vcvt.s32.f32 v39;
	v32 =	vtrunc.f32 v59;
	v31 =	vadd.s32 v31, v48  }
0x31c: {  	v32 =	vcvt.f32.s32 v32;
	v35 =	vadd.f32 $5.000000000e-01, v62;
	v50 =	vmul.f32 $1.500000000e+01, v41  }
0x31d: {  	v31 =	vshll.u32 v31, $0x7;
	v63 =	vmul.f32 $6.666667010e-02, v61;
	v51 =	vmul.f32 $1.500000000e+01, v43  }
0x31e: {  	v49 =	vcvt.s32.f32 v32;
	v35 =	vtrunc.f32 v35;
	v53 =	vadd.f32 $5.000000000e-01, v50  }
0x31f: {  	v31 =	vor.u32 v9, v31;
	v52 =	vcvt.f32.s32 v35;
	v42 =	vadd.f32 $5.000000000e-01, v51  }
0x320: {  	vm1 =	vlt.f32 v63, v38;
	v44 =	vmul.f32 $6.666667010e-02, v49;
	v35 =	vtrunc.f32 v53  }
0x321: {  	v54 =	vsel vm1, $0x1, v2;
	v35 =	vcvt.f32.s32 v35;
	v42 =	vtrunc.f32 v42  }
0x322: {  	v39 =	vadd.s32 v39, v54;
	v55 =	vcvt.s32.f32 v52;
	v42 =	vcvt.f32.s32 v42  }
0x323: {  	vm1 =	vlt.f32 v44, v37;
	v39 =	vshll.u32 v39, $0x7;
	v56 =	vcvt.s32.f32 v35  }
0x324: {  	v44 =	vsel vm1, $0x1, v2;
	v45 =	vmul.f32 $6.666667010e-02, v55;
	v57 =	vcvt.s32.f32 v42  }
0x325: {  	v39 =	vor.u32 v9, v39;
	v32 =	vadd.s32 v32, v44;
	v44 =	vmul.f32 $6.666667010e-02, v56  }
0x326: {  	v32 =	vshll.u32 v32, $0x7;
	vm1 =	vlt.f32 v45, v40;
	v45 =	vmul.f32 $6.666667010e-02, v57  }
0x327: {  	v32 =	vor.u32 v9, v32;
	v58 =	vsel vm1, $0x1, v2;
	vm2 =	vlt.f32 v44, v41  }
0x328: {  	v33 =	vadd.s32 v52, v58;
	v59 =	vsel vm2, $0x1, v2;
	vm1 =	vlt.f32 v45, v43  }
0x329: {  	[tilespmem:v29+s17+$0x0] =	vst.idx.add.f32.msk vm0, v26;
	v26 =	vshll.u32 v33, $0x7;
	v60 =	vadd.s32 v35, v59;
	v61 =	vsel vm1, $0x1, v2  }
0x32a: {  	[tilespmem:v30+s17+$0x0] =	vst.idx.add.f32.msk vm0, v27;
	v26 =	vor.u32 v9, v26;
	v27 =	vshll.u32 v60, $0x7;
	v62 =	vadd.s32 v42, v61  }
0x32b: {  	[tilespmem:v34+s17+$0x0] =	vst.idx.add.f32.msk vm0, v28;
	v27 =	vor.u32 v9, v27;
	v63 =	vshll.u32 v62, $0x7  }
0x32c: {  	[tilespmem:v31+s17+$0x0] =	vst.idx.add.f32.msk vm0, v36;
	v28 =	vor.u32 v9, v63  }
0x32d: {  	[tilespmem:v39+s17+$0x0] =	vst.idx.add.f32.msk vm0, v38  }
0x32e: {  	[tilespmem:v32+s17+$0x0] =	vst.idx.add.f32.msk vm0, v37  }
0x32f: {  	[tilespmem:v26+s17+$0x0] =	vst.idx.add.f32.msk vm0, v40  }
0x330: {  	[tilespmem:v27+s17+$0x0] =	vst.idx.add.f32.msk vm0, v41  }
0x331: {  	[tilespmem:v28+s17+$0x0] =	vst.idx.add.f32.msk vm0, v43  }
.LBB2_17:
0x332: {  	s0 =	simm.s32 $0xA110  }
0x333: {  	v29 =	vld [tilespmem:s0+$0x0];
	_ =	sdelay $0x1  }
0x334: {  	s1 =	simm.s32 $0x10  }
0x335: {  	v26 =	vmov s1  }
0x336: {  	v26 =	vshll.u32 v26, $0x7  }
0x337: {  	v28 =	vld [tilespmem:s0+$0xFFFFFFF0];
	v26 =	vor.u32 v10, v26;
	v27 =	vand.u32 $0xFFFFFF80, v29  }
0x338: {  	v30 =	vand.u32 $0x7F, v29;
	v26 =	vadd.s32 v26, v27  }
0x339: {  	s14 =	simm.s32 $0x0;
	v26 =	vor.u32 v30, v26  }
0x33a: {  	v27 =	vmov s14  }
0x33b: {  	v27 =	vshll.u32 v27, $0x7  }
0x33c: {  	v30 =	vand.u32 $0xFFFFFF80, v28;
	v27 =	vor.u32 v10, v27  }
0x33d: {  	v31 =	vand.u32 $0x7F, v28;
	v27 =	vadd.s32 v27, v30  }
0x33e: {  	v27 =	vor.u32 v31, v27;
	v30 =	vld.idx.msk [tilespmem:v26+s13+$0x0], $0xffff  }
0x33f: {  	s21 =	simm.s32 $0xA130  }
0x340: {  	v26 =	vld [tilespmem:s21+$0x0];
	_ =	sdelay $0x1  }
0x341: {  	s22 =	simm.s32 $0x30  }
0x342: {  	v33 =	vld.idx.msk [tilespmem:v27+s13+$0x0], $0xffff;
	v27 =	vmov s22;
	v31 =	vmul.f32 $1.500000000e+01, v30  }
0x343: {  	v27 =	vshll.u32 v27, $0x7  }
0x344: {  	v34 =	vand.u32 $0xFFFFFF80, v26;
	v27 =	vor.u32 v10, v27;
	v31 =	vadd.f32 $5.000000000e-01, v31  }
0x345: {  	v35 =	vand.u32 $0x7F, v26;
	v27 =	vadd.s32 v27, v34  }
0x346: {  	s29 =	simm.s32 $0x20;
	v32 =	vld [tilespmem:s21+$0xFFFFFFF0];
	v27 =	vor.u32 v35, v27;
	v31 =	vtrunc.f32 v31  }
0x347: {  	v37 =	vmov s29;
	v31 =	vcvt.f32.s32 v31  }
0x348: {  	s30 =	simm.s32 $0xA150;
	s0 =	simm.s32 $0x50;
	v37 =	vshll.u32 v37, $0x7;
	v48 =	vmul.f32 $1.500000000e+01, v33  }
0x349: {  	v40 =	vld [tilespmem:s30+$0xFFFFFFF0];
	v55 =	vmov s0;
	v49 =	vshll.u32 v28, $0x4;
	v28 =	vcvt.s32.f32 v31  }
0x34a: {  	v37 =	vor.u32 v10, v37;
	v57 =	vshll.u32 v55, $0x7;
	v34 =	vadd.f32 $5.000000000e-01, v48  }
0x34b: {  	v38 =	vand.u32 $0xFFFFFF80, v32;
	v39 =	vand.u32 $0x7F, v32;
	v50 =	vld.idx.msk [tilespmem:v27+s13+$0x0], $0xffff;
	v28 =	vmul.f32 $6.666667010e-02, v28  }
0x34c: {  	v53 =	vshll.u32 v29, $0x4;
	v37 =	vadd.s32 v37, v38;
	v34 =	vtrunc.f32 v34  }
0x34d: {  	v34 =	vcvt.f32.s32 v34;
	vm1 =	vlt.f32 v28, v30;
	v30 =	vor.u32 v39, v37  }
0x34e: {  	v60 =	vand.u32 $0xFFFFFF80, v40;
	v62 =	vand.u32 $0x7F, v40;
	v36 =	vor.u32 v1, v49  }
0x34f: {  	v36 =	vand.u32 $0x7F, v36;
	v51 =	vcvt.s32.f32 v34;
	v27 =	vsel vm1, $0x1, v2  }
0x350: {  	v28 =	vshll.u32 v32, $0x4;
	v41 =	vmul.f32 $1.500000000e+01, v50;
	v31 =	vadd.s32 v31, v27;
	v27 =	vld [tilespmem:s30+$0x0]  }
0x351: {  	v39 =	vor.u32 v1, v53;
	v54 =	vmul.f32 $6.666667010e-02, v51;
	v31 =	vshll.u32 v31, $0xB  }
0x352: {  	v37 =	vor.u32 v10, v57;
	v56 =	vadd.f32 $5.000000000e-01, v41;
	v31 =	vadd.s32 v53, v31;
	v32 =	vld.idx.msk [tilespmem:v30+s13+$0x0], $0xffff  }
0x353: {  	s31 =	simm.s32 $0x40;
	vm1 =	vlt.f32 v54, v33;
	v31 =	vand.u32 $0xFFFFFF80, v31;
	v30 =	vand.u32 $0x7F, v39  }
0x354: {  	v33 =	vtrunc.f32 v56;
	v31 =	vor.u32 v30, v31;
	v30 =	vmov s31  }
0x355: {  	v42 =	vcvt.f32.s32 v33;
	v30 =	vshll.u32 v30, $0x7;
	v58 =	vand.u32 $0xFFFFFF80, v27  }
0x356: {  	v59 =	vand.u32 $0x7F, v27;
	v37 =	vadd.s32 v37, v58;
	v30 =	vor.u32 v10, v30  }
0x357: {  	v37 =	vor.u32 v59, v37;
	v30 =	vadd.s32 v30, v60;
	v61 =	vmul.f32 $1.500000000e+01, v32  }
0x358: {  	v63 =	vcvt.s32.f32 v42;
	v41 =	vor.u32 v62, v30;
	v30 =	vsel vm1, $0x1, v2  }
0x359: {  	v52 =	vor.u32 v1, v28;
	v34 =	vadd.s32 v34, v30;
	v33 =	vadd.f32 $5.000000000e-01, v61  }
0x35a: {  	v29 =	vand.u32 $0x7F, v52;
	v39 =	vmul.f32 $6.666667010e-02, v63;
	v34 =	vshll.u32 v34, $0xB  }
0x35b: {  	v30 =	vshll.u32 v40, $0x4;
	[tilespmem:v31+s18+$0x0] =	vst.idx.add.f32.msk $0xffff, v11;
	v31 =	vadd.s32 v49, v34;
	v33 =	vtrunc.f32 v33  }
0x35c: {  	vm1 =	vlt.f32 v39, v50;
	v35 =	vld.idx.msk [tilespmem:v37+s13+$0x0], $0xffff;
	v34 =	vand.u32 $0xFFFFFF80, v31;
	v33 =	vcvt.f32.s32 v33  }
0x35d: {  	v40 =	vor.u32 v1, v30;
	v38 =	vsel vm1, $0x1, v2;
	v34 =	vor.u32 v36, v34  }
0x35e: {  	s6 =	simm.s32 $0xA170;
	s1 =	simm.s32 $0x4;
	v31 =	vand.u32 $0x7F, v40;
	v38 =	vadd.s32 v42, v38;
	v36 =	vld.idx.msk [tilespmem:v41+s13+$0x0], $0xffff;
	v37 =	vcvt.s32.f32 v33  }
.LBB2_18:
0x35f: {  	s1 =	sadd.s32 $0x2, s1;
	v38 =	vshll.u32 v38, $0xB;
	v39 =	vshll.u32 v26, $0x4;
	v26 =	vmov v27;
	v27 =	vld [tilespmem:s6+$0x0]  }
0x360: {  	v40 =	vld [tilespmem:s6+$0xFFFFFFF0];
	p0 =	slt.u32 s1, $0x8;
	v37 =	vmul.f32 $6.666667010e-02, v37;
	v38 =	vadd.s32 v39, v38;
	v39 =	vor.u32 v1, v39  }
0x361: {  	s0 =	sadd.s32 $0x20, s0;
	v41 =	vmul.f32 $1.500000000e+01, v35;
	v42 =	vmovc v35;
	v38 =	vand.u32 $0xFFFFFF80, v38;
	v39 =	vand.u32 $0x7F, v39  }
0x362: {  	s12 =	sadd.s32 $0xFFFFFFF0, s0;
	v35 =	vmov s0;
	vm1 =	vlt.f32 v37, v32;
	v37 =	vor.u32 v39, v38;
	[tilespmem:v34+s18+$0x0] =	vst.idx.add.f32.msk $0xffff, v11  }
0x363: {  	v43 =	vmov s12;
	v34 =	vshll.u32 v35, $0x7;
	v35 =	vadd.f32 $5.000000000e-01, v41  }
0x364: {  	v38 =	vshll.u32 v43, $0x7;
	v34 =	vor.u32 v10, v34;
	v32 =	vmovc v36;
	v39 =	vand.u32 $0xFFFFFF80, v27  }
0x365: {  	v36 =	vand.u32 $0x7F, v27;
	v35 =	vtrunc.f32 v35;
	v34 =	vadd.s32 v34, v39  }
0x366: {  	v39 =	vand.u32 $0xFFFFFF80, v40;
	v41 =	vcvt.f32.s32 v35;
	v34 =	vor.u32 v36, v34  }
0x367: {  	v35 =	vand.u32 $0x7F, v40;
	v36 =	vor.u32 v10, v38;
	v38 =	vmul.f32 $1.500000000e+01, v32;
	[tilespmem:v37+s18+$0x0] =	vst.idx.add.f32.msk $0xffff, v11  }
0x368: {  	v36 =	vadd.s32 v36, v39;
	v37 =	vcvt.s32.f32 v41;
	v39 =	vsel vm1, $0x1, v2  }
0x369: {  	v36 =	vor.u32 v35, v36;
	v38 =	vadd.f32 $5.000000000e-01, v38;
	v33 =	vadd.s32 v33, v39  }
.Ltmp10:
0x36a: {  	v39 =	vshll.u32 v40, $0x4;
	v37 =	vmul.f32 $6.666667010e-02, v37;
	v33 =	vshll.u32 v33, $0xB;
	(pc) =	sbr.rel @p0 .LBB2_18-.Ltmp10, $4  }
0x36b: {  	v40 =	vor.u32 v1, v39;
	v35 =	vld.idx.msk [tilespmem:v34+s13+$0x0], $0xffff;
	v34 =	vtrunc.f32 v38;
	v38 =	vadd.s32 v28, v33;
	v28 =	vmovc v30  }
0x36c: {  	vm1 =	vlt.f32 v37, v42;
	v30 =	vmovc v39;
	v33 =	vcvt.f32.s32 v34;
	v34 =	vand.u32 $0xFFFFFF80, v38  }
0x36d: {  	v38 =	vsel vm1, $0x1, v2;
	v34 =	vor.u32 v29, v34;
	v29 =	vmovc v31;
	v31 =	vand.u32 $0x7F, v40  }
0x36e: {  	s6 =	sadd.s32 $0x20, s6;
	v38 =	vadd.s32 v41, v38;
	v36 =	vld.idx.msk [tilespmem:v36+s13+$0x0], $0xffff;
	v37 =	vcvt.s32.f32 v33  }
0x36f: {  	_ =	sdelay $0x2  }
0x370: {  	v39 =	vmul.f32 $1.500000000e+01, v35  }
0x371: {  	v40 =	vmul.f32 $1.500000000e+01, v36  }
0x372: {  	v39 =	vadd.f32 $5.000000000e-01, v39  }
0x373: {  	v40 =	vadd.f32 $5.000000000e-01, v40  }
0x374: {  	v39 =	vtrunc.f32 v39  }
0x375: {  	v38 =	vshll.u32 v38, $0xB;
	v39 =	vcvt.f32.s32 v39;
	v40 =	vtrunc.f32 v40  }
0x376: {  	v26 =	vshll.u32 v26, $0x4;
	v37 =	vmul.f32 $6.666667010e-02, v37;
	v56 =	vcvt.f32.s32 v40  }
0x377: {  	v27 =	vshll.u32 v27, $0x4;
	v38 =	vadd.s32 v26, v38;
	v57 =	vcvt.s32.f32 v39  }
0x378: {  	v26 =	vor.u32 v1, v26;
	vm1 =	vlt.f32 v37, v32;
	v59 =	vcvt.s32.f32 v56  }
0x379: {  	v38 =	vand.u32 $0xFFFFFF80, v38;
	v58 =	vsel vm1, $0x1, v2;
	v37 =	vmul.f32 $6.666667010e-02, v57  }
0x37a: {  	v26 =	vand.u32 $0x7F, v26;
	v33 =	vadd.s32 v33, v58;
	v40 =	vmul.f32 $6.666667010e-02, v59  }
0x37b: {  	v26 =	vor.u32 v26, v38;
	v33 =	vshll.u32 v33, $0xB;
	vm1 =	vlt.f32 v37, v35  }
0x37c: {  	v28 =	vadd.s32 v28, v33;
	v60 =	vsel vm1, $0x1, v2;
	vm1 =	vlt.f32 v40, v36  }
0x37d: {  	v28 =	vand.u32 $0xFFFFFF80, v28;
	v61 =	vadd.s32 v39, v60;
	v62 =	vsel vm1, $0x1, v2  }
0x37e: {  	v28 =	vor.u32 v29, v28;
	v29 =	vshll.u32 v61, $0xB;
	v32 =	vadd.s32 v56, v62  }
0x37f: {  	v29 =	vadd.s32 v27, v29;
	v27 =	vor.u32 v1, v27;
	v32 =	vshll.u32 v32, $0xB  }
0x380: {  	v29 =	vand.u32 $0xFFFFFF80, v29;
	v27 =	vand.u32 $0x7F, v27;
	v30 =	vadd.s32 v30, v32  }
0x381: {  	v27 =	vor.u32 v27, v29;
	v63 =	vand.u32 $0xFFFFFF80, v30  }
0x382: {  	v29 =	vor.u32 v31, v63  }
0x383: {  	p0 =	sgt.u32 s28, $0x230;
	[tilespmem:v34+s18+$0x0] =	vst.idx.add.f32.msk $0xffff, v11  }
0x384: {  	s0 =	sadd.s32 @!p0 $0x60, s26;
	[tilespmem:v26+s18+$0x0] =	vst.idx.add.f32.msk $0xffff, v11  }
0x385: {  	s1 =	smul.u32 @!p0 $0xA00, s0;
	[tilespmem:v28+s18+$0x0] =	vst.idx.add.f32.msk $0xffff, v11  }
.Ltmp11:
0x386: {  	s6 =	simm.s32 @!p0 $0x0;
	[tilespmem:v27+s18+$0x0] =	vst.idx.add.f32.msk $0xffff, v11;
	(pc) =	sbr.rel .LBB2_20-.Ltmp11, $4  }
0x387: {  	s12 =	simm.s32 @!p0 $0x5000;
	s0 =	smul.u32 @!p0 $0x14, s0;
	s1 =	sadd.s32 @!p0 s5, s1;
	[tilespmem:v29+s18+$0x0] =	vst.idx.add.f32.msk $0xffff, v11  }
0x388: {  	[tilespmem:s12], [sflag:$0x2] =	stream.linear.gather @!p0 [hbm4b:s1+s6], $0x5000, $0x38;
	[tilespmem:$0x12A00] =	vst v63  }
0x389: {  	s0 =	sadd.s32 @!p0 s2, s0;
	s1 =	simm.s32 @!p0 $0xA100  }
0x38a: {  	[tilespmem:s1], [sflag:$0x4] =	stream.linear.gather @!p0 [hbm4b:s0+s6], $0xA0, $0x38;
	[tilespmem:$0x12A00] =	vst v63  }
.LBB2_21:
0x38b: {  	s12 =	simm.s32 $0x0  }
0x38c: {  	v26 =	vor.u32 s12, v8  }
0x38d: {  	v26 =	vand.u32 v12, v26;
	_ =	sdelay $0x1  }
0x38e: {  	v27 =	vor.u32 s12, v13  }
0x38f: {  	s0 =	simm.s32 $0xA200  }
0x390: {  	v28 =	vor.u32 s12, v14;
	v29 =	vld [tilespmem:s0+$0x0]  }
0x391: {  	v26 =	vld.idx.msk [tilespmem:v26+s18+$0x0], $0xffff  }
0x392: {  	v30 =	vor.u32 s12, v15  }
0x393: {  	v27 =	vld.idx.msk [tilespmem:v27+s18+$0x0], $0xffff  }
0x394: {  	v31 =	vor.u32 s12, v16  }
0x395: {  	v28 =	vld.idx.msk [tilespmem:v28+s18+$0x0], $0xffff  }
0x396: {  	v32 =	vor.u32 s12, v17;
	v26 =	vadd.f32 v26, v29  }
0x397: {  	v29 =	vld.idx.msk [tilespmem:v30+s18+$0x0], $0xffff  }
0x398: {  	v30 =	vor.u32 s12, v18;
	v26 =	vadd.f32 v27, v26  }
0x399: {  	v27 =	vld.idx.msk [tilespmem:v31+s18+$0x0], $0xffff  }
0x39a: {  	s1 =	simm.s32 $0x100;
	v31 =	vor.u32 s12, v19;
	v26 =	vadd.f32 v28, v26  }
0x39b: {  	v33 =	vor.u32 s1, v8;
	v34 =	vor.u32 s12, v20;
	v32 =	vld.idx.msk [tilespmem:v32+s18+$0x0], $0xffff  }
0x39c: {  	v33 =	vand.u32 v12, v33;
	v26 =	vadd.f32 v29, v26  }
0x39d: {  	s6 =	simm.s32 $0xA210;
	v28 =	vor.u32 s12, v21;
	v29 =	vld.idx.msk [tilespmem:v30+s18+$0x0], $0xffff  }
0x39e: {  	v36 =	vld [tilespmem:s6+$0x0];
	v30 =	vor.u32 s1, v13;
	v26 =	vadd.f32 v27, v26  }
0x39f: {  	v35 =	vor.u32 s1, v14;
	v27 =	vld.idx.msk [tilespmem:v31+s18+$0x0], $0xffff  }
0x3a0: {  	v62 =	vor.u32 s12, v23;
	v61 =	vld.idx.msk [tilespmem:v34+s18+$0x0], $0xffff;
	v26 =	vadd.f32 v32, v26  }
0x3a1: {  	v33 =	vld.idx.msk [tilespmem:v33+s18+$0x0], $0xffff;
	v31 =	vor.u32 s12, v22  }
0x3a2: {  	v37 =	vor.u32 s1, v15;
	v28 =	vld.idx.msk [tilespmem:v28+s18+$0x0], $0xffff;
	v26 =	vadd.f32 v29, v26  }
0x3a3: {  	v29 =	vld.idx.msk [tilespmem:v30+s18+$0x0], $0xffff;
	v30 =	vor.u32 s12, v24  }
0x3a4: {  	v38 =	vor.u32 s1, v16;
	v35 =	vld.idx.msk [tilespmem:v35+s18+$0x0], $0xffff;
	v26 =	vadd.f32 v27, v26  }
0x3a5: {  	v42 =	vld.idx.msk [tilespmem:v62+s18+$0x0], $0xffff  }
0x3a6: {  	v39 =	vor.u32 s12, v25;
	v31 =	vld.idx.msk [tilespmem:v31+s18+$0x0], $0xffff;
	v27 =	vadd.f32 v61, v26  }
0x3a7: {  	v41 =	vor.u32 s1, v17;
	v33 =	vadd.f32 v33, v36;
	v32 =	vld.idx.msk [tilespmem:v37+s18+$0x0], $0xffff;
	v26 =	vor.u32 $0xE, v8  }
0x3a8: {  	v43 =	vor.u32 s12, v26;
	v63 =	vadd.f32 v28, v27;
	v28 =	vld.idx.msk [tilespmem:v30+s18+$0x0], $0xffff  }
0x3a9: {  	v27 =	vor.u32 $0xF, v8;
	v30 =	vadd.f32 v29, v33;
	v33 =	vld.idx.msk [tilespmem:v38+s18+$0x0], $0xffff;
	v38 =	vor.u32 s1, v18  }
0x3aa: {  	v37 =	vor.u32 s12, v27  }
0x3ab: {  	v36 =	vor.u32 s1, v19;
	v29 =	vld.idx.msk [tilespmem:v39+s18+$0x0], $0xffff;
	v31 =	vadd.f32 v31, v63  }
0x3ac: {  	s14 =	simm.s32 $0x200;
	v34 =	vor.u32 s1, v21;
	v40 =	vadd.f32 v35, v30;
	v35 =	vld.idx.msk [tilespmem:v41+s18+$0x0], $0xffff  }
0x3ad: {  	s21 =	simm.s32 $0x300;
	v39 =	vor.u32 s1, v20;
	s12 =	simm.s32 $0xA210;
	v41 =	vor.u32 s14, v8;
	v31 =	vadd.f32 v42, v31;
	v30 =	vld.idx.msk [tilespmem:v43+s18+$0x0], $0xffff  }
.LBB2_22:
0x3ae: {  	p0 =	sne.s32 s21, $0x7F00;
	v41 =	vand.u32 v12, v41;
	v32 =	vadd.f32 v32, v40;
	v38 =	vld.idx.msk [tilespmem:v38+s18+$0x0], $0xffff  }
0x3af: {  	v28 =	vadd.f32 v28, v31;
	v31 =	vld.idx.msk [tilespmem:v37+s18+$0x0], $0xffff  }
0x3b0: {  	v37 =	vor.u32 s14, v13;
	v32 =	vadd.f32 v33, v32;
	v33 =	vld.idx.msk [tilespmem:v36+s18+$0x0], $0xffff  }
0x3b1: {  	v36 =	vor.u32 s1, v22;
	v34 =	vld.idx.msk [tilespmem:v34+s18+$0x0], $0xffff;
	v28 =	vadd.f32 v29, v28  }
0x3b2: {  	v29 =	vor.u32 s14, v14;
	v32 =	vadd.f32 v35, v32;
	v35 =	vld.idx.msk [tilespmem:v39+s18+$0x0], $0xffff  }
0x3b3: {  	v40 =	vor.u32 s1, v23;
	s6 =	sadd.s32 $0x10, s6;
	v39 =	vld.idx.msk [tilespmem:v41+s18+$0x0], $0xffff;
	v28 =	vadd.f32 v30, v28  }
0x3b4: {  	v41 =	vor.u32 s14, v15;
	v30 =	vld [tilespmem:s6+$0x0];
	v32 =	vadd.f32 v38, v32  }
0x3b5: {  	v42 =	vor.u32 s1, v24;
	v37 =	vld.idx.msk [tilespmem:v37+s18+$0x0], $0xffff;
	v28 =	vadd.f32 v31, v28  }
0x3b6: {  	v31 =	vor.u32 s14, v16;
	v32 =	vadd.f32 v33, v32;
	v43 =	vld.idx.msk [tilespmem:v36+s18+$0x0], $0xffff  }
0x3b7: {  	v44 =	vld.idx.msk [tilespmem:v29+s18+$0x0], $0xffff;
	v29 =	vor.u32 s1, v25;
	[tilespmem:s0+$0x0] =	vst v28;
	s0 =	smov.u32 s12;
	s12 =	smov.u32 s6  }
0x3b8: {  	v45 =	vor.u32 s14, v17;
	v28 =	vadd.f32 v35, v32;
	v46 =	vld.idx.msk [tilespmem:v40+s18+$0x0], $0xffff  }
0x3b9: {  	v47 =	vor.u32 s1, v26;
	v30 =	vadd.f32 v39, v30;
	v32 =	vld.idx.msk [tilespmem:v41+s18+$0x0], $0xffff  }
.Ltmp12:
0x3ba: {  	v38 =	vor.u32 s14, v18;
	v34 =	vadd.f32 v34, v28;
	v28 =	vld.idx.msk [tilespmem:v42+s18+$0x0], $0xffff;
	(pc) =	sbr.rel @p0 .LBB2_22-.Ltmp12, $4  }
0x3bb: {  	v30 =	vadd.f32 v37, v30;
	v33 =	vld.idx.msk [tilespmem:v31+s18+$0x0], $0xffff;
	v37 =	vor.u32 s1, v27;
	s1 =	smov.u32 s14;
	s14 =	smov.u32 s21  }
0x3bc: {  	v36 =	vor.u32 s1, v19;
	v31 =	vadd.f32 v43, v34;
	v29 =	vld.idx.msk [tilespmem:v29+s18+$0x0], $0xffff  }
0x3bd: {  	v34 =	vor.u32 s1, v21;
	v40 =	vadd.f32 v44, v30;
	v35 =	vld.idx.msk [tilespmem:v45+s18+$0x0], $0xffff  }
0x3be: {  	s21 =	sadd.s32 $0x100, s21;
	v41 =	vor.u32 s14, v8;
	v39 =	vor.u32 s1, v20;
	v31 =	vadd.f32 v46, v31;
	v30 =	vld.idx.msk [tilespmem:v47+s18+$0x0], $0xffff  }
0x3bf: {  	v41 =	vand.u32 v12, v41;
	_ =	sdelay $0x1  }
0x3c0: {  	v42 =	vor.u32 s14, v13  }
0x3c1: {  	s6 =	sadd.s32 $0x10, s6  }
0x3c2: {  	v43 =	vor.u32 s14, v14;
	v44 =	vld [tilespmem:s6+$0x0]  }
0x3c3: {  	v41 =	vld.idx.msk [tilespmem:v41+s18+$0x0], $0xffff  }
0x3c4: {  	v45 =	vor.u32 s14, v15  }
0x3c5: {  	v42 =	vld.idx.msk [tilespmem:v42+s18+$0x0], $0xffff  }
0x3c6: {  	v46 =	vor.u32 s14, v16  }
0x3c7: {  	v43 =	vld.idx.msk [tilespmem:v43+s18+$0x0], $0xffff  }
0x3c8: {  	v58 =	vor.u32 s14, v17;
	v41 =	vadd.f32 v41, v44  }
0x3c9: {  	v45 =	vld.idx.msk [tilespmem:v45+s18+$0x0], $0xffff  }
0x3ca: {  	v59 =	vor.u32 s14, v18;
	v41 =	vadd.f32 v42, v41  }
0x3cb: {  	v46 =	vld.idx.msk [tilespmem:v46+s18+$0x0], $0xffff  }
0x3cc: {  	v38 =	vld.idx.msk [tilespmem:v38+s18+$0x0], $0xffff;
	v60 =	vor.u32 s14, v19;
	v41 =	vadd.f32 v43, v41  }
0x3cd: {  	v32 =	vadd.f32 v32, v40;
	v61 =	vld.idx.msk [tilespmem:v58+s18+$0x0], $0xffff  }
0x3ce: {  	v37 =	vld.idx.msk [tilespmem:v37+s18+$0x0], $0xffff;
	v62 =	vor.u32 s14, v20;
	v41 =	vadd.f32 v45, v41  }
0x3cf: {  	v32 =	vadd.f32 v33, v32;
	v63 =	vld.idx.msk [tilespmem:v59+s18+$0x0], $0xffff  }
0x3d0: {  	v36 =	vld.idx.msk [tilespmem:v36+s18+$0x0], $0xffff;
	v48 =	vor.u32 s14, v21;
	v41 =	vadd.f32 v46, v41  }
0x3d1: {  	v49 =	vor.u32 s1, v22;
	v32 =	vadd.f32 v35, v32;
	v43 =	vld.idx.msk [tilespmem:v60+s18+$0x0], $0xffff  }
0x3d2: {  	v39 =	vld.idx.msk [tilespmem:v39+s18+$0x0], $0xffff;
	v50 =	vor.u32 s14, v22;
	v40 =	vadd.f32 v61, v41  }
0x3d3: {  	v51 =	vor.u32 s1, v23;
	v32 =	vadd.f32 v38, v32;
	v44 =	vld.idx.msk [tilespmem:v62+s18+$0x0], $0xffff  }
0x3d4: {  	v34 =	vld.idx.msk [tilespmem:v34+s18+$0x0], $0xffff;
	v52 =	vor.u32 s14, v23;
	v33 =	vadd.f32 v63, v40  }
0x3d5: {  	v53 =	vor.u32 s1, v24;
	v32 =	vadd.f32 v36, v32;
	v42 =	vld.idx.msk [tilespmem:v48+s18+$0x0], $0xffff  }
0x3d6: {  	v54 =	vor.u32 s14, v24;
	v35 =	vld.idx.msk [tilespmem:v49+s18+$0x0], $0xffff;
	v33 =	vadd.f32 v43, v33  }
0x3d7: {  	v55 =	vor.u32 s1, v25;
	v32 =	vadd.f32 v39, v32;
	v41 =	vld.idx.msk [tilespmem:v50+s18+$0x0], $0xffff  }
0x3d8: {  	v56 =	vor.u32 s14, v25;
	v38 =	vld.idx.msk [tilespmem:v51+s18+$0x0], $0xffff;
	v33 =	vadd.f32 v44, v33  }
0x3d9: {  	v57 =	vor.u32 s1, v26;
	v32 =	vadd.f32 v34, v32;
	v40 =	vld.idx.msk [tilespmem:v52+s18+$0x0], $0xffff  }
0x3da: {  	v26 =	vor.u32 s14, v26;
	v36 =	vld.idx.msk [tilespmem:v53+s18+$0x0], $0xffff;
	v33 =	vadd.f32 v42, v33  }
0x3db: {  	v58 =	vor.u32 s1, v27;
	v59 =	vld.idx.msk [tilespmem:v54+s18+$0x0], $0xffff;
	v32 =	vadd.f32 v35, v32  }
0x3dc: {  	v27 =	vor.u32 s14, v27;
	v39 =	vld.idx.msk [tilespmem:v55+s18+$0x0], $0xffff;
	v33 =	vadd.f32 v41, v33  }
0x3dd: {  	v60 =	vld.idx.msk [tilespmem:v56+s18+$0x0], $0xffff;
	v32 =	vadd.f32 v38, v32  }
0x3de: {  	v28 =	vadd.f32 v28, v31;
	v61 =	vld.idx.msk [tilespmem:v57+s18+$0x0], $0xffff;
	v33 =	vadd.f32 v40, v33  }
0x3df: {  	v26 =	vld.idx.msk [tilespmem:v26+s18+$0x0], $0xffff;
	v32 =	vadd.f32 v36, v32  }
0x3e0: {  	v28 =	vadd.f32 v29, v28;
	v62 =	vld.idx.msk [tilespmem:v58+s18+$0x0], $0xffff;
	v33 =	vadd.f32 v59, v33  }
0x3e1: {  	v27 =	vld.idx.msk [tilespmem:v27+s18+$0x0], $0xffff;
	v32 =	vadd.f32 v39, v32  }
0x3e2: {  	v28 =	vadd.f32 v30, v28;
	v63 =	vadd.f32 v60, v33  }
0x3e3: {  	v31 =	vadd.f32 v61, v32  }
0x3e4: {  	v28 =	vadd.f32 v37, v28;
	v26 =	vadd.f32 v26, v63  }
0x3e5: {  	v29 =	vadd.f32 v62, v31  }
0x3e6: {  	s24 =	sadd.s32 $0x1, s24;
	[tilespmem:s0+$0x0] =	vst v28;
	v26 =	vadd.f32 v27, v26  }
0x3e7: {  	p0 =	sne.s32 s24, s11;
	[tilespmem:s12+$0x0] =	vst v29  }
.Ltmp13:
0x3e8: {  	s30 =	simm.s32 $0x80;
	s31 =	simm.s32 $0x400;
	[tilespmem:s6+$0x0] =	vst v26;
	(pc) =	sbr.rel @p0 .LBB2_1-.Ltmp13, $4  }
0x3e9: {  	[hbm4b:s10+s30] =	stream.strided.scatter [tilespmem:s17], [sflag:$0x5], $0x800, s31, s30, $0x38;
	[tilespmem:$0x12A00] =	vst v63  }
0x3ea: {  	_ =	swait.ge [sflag:s23], $0x800  }
0x3eb: {  	[sflag:s23] =	ssyncset.done $0x0  }
0x3ec: {  	[sflag:s23] =	ssyncadd.s32 $0xFFFFF800  }
0x3ed: {  	_ =	sfence.sel $0x180000  }
0x3ee: {  	[bflag:$0x0] =	sbarrier.arrive $0xFFFF  }
0x3ef: {  	_ =	strace $0x90000047  }
0x3f0: {  	s0 =	stileid.u32;
	[bflag:$0x2] =	sbarrier.arrive $0xFFFF  }
0x3f1: {  	p0 =	sne.s32 s0, $0x0;
	s0 =	rddreg [dreg:$0x2]  }
0x3f2: {  	s0 =	sadd.s32 @!p0 $0x100000, s0  }
0x3f3: {  	[sflag:s0] =	ssyncadd.tile.s32 @!p0 $0x1;
	_ =	shalt  }
.Lfunc_end2:
_tile_overlayer_lowered:
.L_overlay_start_2:
0x3f4: {  	(tag) =	ssettag $0x2  }
0x3f5: {  	s0 =	rddreg [dreg:$0x0];
	s2 =	stileid.u32  }
0x3f6: {  	s1 =	rddreg [dreg:$0x1];
	p0 =	sne.s32 s2, $0x0  }
0x3f7: {  	s3 =	rddreg [dreg:$0x2];
	[bflag:$0x3] =	sbarrier.arrive $0xFFFF;
	s2 =	simm.s32 @!p0 $0x1C05  }
0x3f8: {  	[timem:s3], [sflag:s2] =	dma.local @!p0 [hbm:s0], s1  }
0x3f9: {  	s0 =	simm.s32 @!p0 $0x5  }
0x3fa: {  	_ =	swait.ge @!p0 [sflag:s0], s1  }
0x3fb: {  	s1 =	ssub.s32 @!p0 $0x0, s1;
	[sflag:s0] =	ssyncset.done @!p0 $0x0  }
0x3fc: {  	[sflag:s0] =	ssyncadd.s32 @!p0 s1  }
0x3fd: {  	[bflag:$0x3] =	sbarrier.arrive $0xFFFF  }
0x3fe: {  	_ =	shalt  }

</sc_bundles>
